<compile_context>
chip_gen: v7x
topology: tpu7x:2x2x1
jax: 0.10.2.dev20260603
libtpu: 0.0.44.dev20260713+nightly
codegen_flags: <defaults>
</compile_context>

<pallas_src>
import functools

import jax
import jax.numpy as jnp
from jax import lax
from jax.experimental import pallas as pl
from jax.experimental.pallas import tpu as pltpu
from jax.experimental.pallas import tpu_sc as plsc

_NC = 2
_NS = 16
_NW = _NC * _NS
_K = 96
_NBUF = 3
_PF = 2
_ZR = 48


def _segment_sum_sc(table, src, dst, n_out):
    e = src.shape[0]
    d = table.shape[1]
    per_w = e // _NW
    n_full = per_w // _K
    tail_e = per_w - n_full * _K
    assert per_w * _NW == e and tail_e % 8 == 0 and 0 < tail_e < _K
    rows_per_tile = (n_out // _NS) // 8 * 8
    tail_rows = n_out - rows_per_tile * _NS
    assert rows_per_tile % _ZR == 0 and tail_rows % 8 == 0

    mesh = plsc.VectorSubcoreMesh(core_axis_name="c", subcore_axis_name="s")

    @functools.partial(
        pl.kernel,
        mesh=mesh,
        out_type=jax.ShapeDtypeStruct((_NC, n_out, d), jnp.float32),
        scratch_types=[
            pltpu.VMEM_SHARED((n_out, d), jnp.float32),
            pltpu.VMEM((per_w,), jnp.int32),
            [pltpu.VMEM((_K,), jnp.int32) for _ in range(_NBUF)],
            [pltpu.VMEM((_K, d), jnp.float32) for _ in range(_NBUF)],
            pltpu.VMEM((tail_e,), jnp.int32),
            pltpu.VMEM((tail_e, d), jnp.float32),
            [pltpu.SemaphoreType.DMA for _ in range(_NBUF)],
            [pltpu.SemaphoreType.DMA for _ in range(_NBUF)],
            [pltpu.SemaphoreType.DMA for _ in range(_NBUF)],
            [pltpu.SemaphoreType.DMA for _ in range(3)],
        ],
    )
    def seg_kernel(table_h, src_h, dst_h, out_h, acc, sidx,
                   didx, rows, didx_t, rows_t, gsem, dsem, ssem, tsem):
        cid = lax.axis_index("c")
        sid = lax.axis_index("s")
        wid = sid * _NC + cid
        ebase = wid * per_w
        icp0 = pltpu.async_copy(src_h.at[pl.ds(ebase, per_w)], sidx, gsem[0])
        z16 = jnp.zeros((16,), jnp.float32)

        def zrow(i, carry):
            for j in range(d // 16):
                rows[0][i, pl.ds(j * 16, 16)] = z16
            return carry

        lax.fori_loop(0, _ZR, zrow, 0)
        for k in range(rows_per_tile // _ZR):
            pltpu.sync_copy(rows[0].at[pl.ds(0, _ZR)],
                            acc.at[pl.ds(sid * rows_per_tile + k * _ZR, _ZR)])
        if tail_rows:
            @pl.when(sid == _NS - 1)
            def _():
                pltpu.sync_copy(
                    rows[0].at[pl.ds(0, tail_rows)],
                    acc.at[pl.ds(_NS * rows_per_tile, tail_rows)])
        icp0.wait()

        def start_fetch(c, b):
            pltpu.async_copy(table_h.at[sidx.at[pl.ds(c * _K, _K)]], rows[b],
                             gsem[b])
            pltpu.async_copy(dst_h.at[pl.ds(ebase + c * _K, _K)], didx[b],
                             dsem[b])

        def wait_fetch(c, b):
            pltpu.make_async_copy(table_h.at[sidx.at[pl.ds(c * _K, _K)]],
                                  rows[b], gsem[b]).wait()
            pltpu.make_async_copy(dst_h.at[pl.ds(ebase + c * _K, _K)],
                                  didx[b], dsem[b]).wait()

        def wait_scatter(b):
            pltpu.make_async_copy(rows[b], acc.at[didx[b]], ssem[b]).wait()

        tbase = ebase + n_full * _K
        pltpu.async_copy(table_h.at[sidx.at[pl.ds(n_full * _K, tail_e)]],
                         rows_t, tsem[0])
        pltpu.async_copy(dst_h.at[pl.ds(tbase, tail_e)], didx_t, tsem[1])
        for c in range(_PF):
            start_fetch(c, c)
        plsc.subcore_barrier()
        n_main = (n_full - _PF) // _NBUF

        def body(i, carry):
            for b in range(_NBUF):
                c = _NBUF * i + b
                wait_fetch(c, b)
                pltpu.async_copy(rows[b], acc.at[didx[b]], ssem[b], add=True)
                bp = (b + _PF) % _NBUF
                if b + _PF < _NBUF:
                    @pl.when(i > 0)
                    def _():
                        wait_scatter(bp)
                else:
                    wait_scatter(bp)
                start_fetch(c + _PF, bp)
            return carry

        lax.fori_loop(0, n_main, body, 0)
        for c in range(_NBUF * n_main, n_full):
            b = c % _NBUF
            wait_fetch(c, b)
            pltpu.async_copy(rows[b], acc.at[didx[b]], ssem[b], add=True)
            if c + _PF < n_full:
                bp = (c + _PF) % _NBUF
                wait_scatter(bp)
                start_fetch(c + _PF, bp)
        pltpu.make_async_copy(table_h.at[sidx.at[pl.ds(n_full * _K, tail_e)]],
                              rows_t, tsem[0]).wait()
        pltpu.make_async_copy(dst_h.at[pl.ds(tbase, tail_e)], didx_t,
                              tsem[1]).wait()
        pltpu.async_copy(rows_t, acc.at[didx_t], tsem[2], add=True)
        for b in range(_NBUF):
            wait_scatter(b)
        pltpu.make_async_copy(rows_t, acc.at[didx_t], tsem[2]).wait()
        plsc.subcore_barrier()
        pltpu.sync_copy(acc.at[pl.ds(sid * rows_per_tile, rows_per_tile)],
                        out_h.at[cid, pl.ds(sid * rows_per_tile,
                                            rows_per_tile)])
        if tail_rows:
            @pl.when(sid == _NS - 1)
            def _():
                pltpu.sync_copy(acc.at[pl.ds(_NS * rows_per_tile, tail_rows)],
                                out_h.at[cid, pl.ds(_NS * rows_per_tile,
                                                    tail_rows)])

    return seg_kernel(table, src, dst)


def _gin_mlp(x, partials, w1, b1, g, bb, w2, b2, eps):
    n, d = x.shape

    def body(x_ref, p_ref, w1_ref, b1_ref, g_ref, bb_ref, w2_ref, b2_ref,
             eps_ref, out_ref):
        xin = (1.0 + eps_ref[0]) * x_ref[...] + p_ref[0] + p_ref[1]
        h = lax.dot_general(xin, w1_ref[...], (((1,), (1,)), ((), ())),
                            preferred_element_type=jnp.float32) + b1_ref[...]
        mu = jnp.mean(h, axis=0, keepdims=True)
        var = jnp.mean((h - mu) ** 2, axis=0, keepdims=True)
        hn = (h - mu) * lax.rsqrt(var + 1e-5) * g_ref[...] + bb_ref[...]
        hr = jnp.maximum(hn, 0.0)
        out_ref[...] = lax.dot_general(hr, w2_ref[...], (((1,), (1,)), ((), ())),
                                       preferred_element_type=jnp.float32
                                       ) + b2_ref[...]

    vspec = pl.BlockSpec(memory_space=pltpu.MemorySpace.VMEM)
    sspec = pl.BlockSpec(memory_space=pltpu.MemorySpace.SMEM)
    return pl.pallas_call(
        body,
        out_shape=jax.ShapeDtypeStruct((n, d), jnp.float32),
        in_specs=[vspec] * 8 + [sspec],
        out_specs=vspec,
    )(x, partials, w1, b1, g, bb, w2, b2, eps)


def _proj_gin_mlp(x, wp, bp, partials, w1, b1, g, bb, w2, b2, eps):
    n, d = x.shape

    def body(x_ref, wp_ref, bp_ref, p_ref, w1_ref, b1_ref, g_ref, bb_ref,
             w2_ref, b2_ref, eps_ref, out_ref):
        xp = lax.dot_general(x_ref[...], wp_ref[...], (((1,), (1,)), ((), ())),
                             preferred_element_type=jnp.float32) + bp_ref[...]
        xin = (1.0 + eps_ref[0]) * xp + p_ref[0] + p_ref[1]
        h = lax.dot_general(xin, w1_ref[...], (((1,), (1,)), ((), ())),
                            preferred_element_type=jnp.float32) + b1_ref[...]
        mu = jnp.mean(h, axis=0, keepdims=True)
        var = jnp.mean((h - mu) ** 2, axis=0, keepdims=True)
        hn = (h - mu) * lax.rsqrt(var + 1e-5) * g_ref[...] + bb_ref[...]
        hr = jnp.maximum(hn, 0.0)
        out_ref[...] = lax.dot_general(hr, w2_ref[...], (((1,), (1,)), ((), ())),
                                       preferred_element_type=jnp.float32
                                       ) + b2_ref[...]

    vspec = pl.BlockSpec(memory_space=pltpu.MemorySpace.VMEM)
    sspec = pl.BlockSpec(memory_space=pltpu.MemorySpace.SMEM)
    return pl.pallas_call(
        body,
        out_shape=jax.ShapeDtypeStruct((n, d), jnp.float32),
        in_specs=[vspec] * 10 + [sspec],
        out_specs=vspec,
    )(x, wp, bp, partials, w1, b1, g, bb, w2, b2, eps)


def kernel(feat_user, feat_item, edge_ui, edge_iu, W_proj, b_proj,
           ui_W1, ui_b1, ui_g, ui_bb, ui_W2, ui_b2,
           ret_W1, ret_b1, ret_g, ret_bb, ret_W2, ret_b2,
           eps_ui, eps_ret):
    n = feat_user.shape[0]
    p_item = _segment_sum_sc(feat_user, edge_ui[0], edge_ui[1], n)
    h_item = _gin_mlp(feat_item, p_item, ui_W1, ui_b1, ui_g, ui_bb,
                      ui_W2, ui_b2, eps_ui)
    p_user = _segment_sum_sc(h_item, edge_iu[0], edge_iu[1], n)
    h_user = _proj_gin_mlp(feat_user, W_proj, b_proj, p_user, ret_W1, ret_b1,
                           ret_g, ret_bb, ret_W2, ret_b2, eps_ret)
    return (h_user, h_item)

# --- scband reference (transcript-rebuilt; emitter-appended) ---
"""Pipeline reference for scband-hginlayer-38543036514754 (READ-ONLY COPY).

The authoritative reference and input builder live on the scoring server;
editing this copy changes nothing except your own understanding.
"""

import jax, jax.numpy as jnp
import numpy as np

N = 10000
E = 320000
D = 128


def _lin_init(key, out_f, in_f):
    s = 1.0 / np.sqrt(in_f)
    kW, kb = jax.random.split(key)
    W = jax.random.uniform(kW, (out_f, in_f), jnp.float32, -s, s)
    b = jax.random.uniform(kb, (out_f,), jnp.float32, -s, s)
    return W, b


def setup_inputs(seed: int = 0) -> dict:
    key = jax.random.key(seed)
    ks = jax.random.split(key, 12)
    inp = {}
    inp['feat_user'] = jax.random.normal(ks[0], (N, D), jnp.float32)
    inp['feat_item'] = jax.random.normal(ks[1], (N, D), jnp.float32)
    inp['edge_ui'] = jax.random.randint(ks[2], (2, E), 0, N, jnp.int32)
    inp['edge_iu'] = jax.random.randint(ks[3], (2, E), 0, N, jnp.int32)
    # project: Linear(in_size=128, out_size=128)
    inp['W_proj'], inp['b_proj'] = _lin_init(ks[4], D, D)
    # MLP['ui']: Linear(128,128) -> BN -> relu -> Linear(128,128)
    inp['ui_W1'], inp['ui_b1'] = _lin_init(ks[5], D, D)
    inp['ui_g'] = jnp.ones((D,), jnp.float32)
    inp['ui_bb'] = jnp.zeros((D,), jnp.float32)
    inp['ui_W2'], inp['ui_b2'] = _lin_init(ks[6], D, D)
    # MLP['Return']
    inp['ret_W1'], inp['ret_b1'] = _lin_init(ks[7], D, D)
    inp['ret_g'] = jnp.ones((D,), jnp.float32)
    inp['ret_bb'] = jnp.zeros((D,), jnp.float32)
    inp['ret_W2'], inp['ret_b2'] = _lin_init(ks[8], D, D)
    # eps params (init to zero, as in torch code)
    inp['eps_ui'] = jnp.zeros((1,), jnp.float32)
    inp['eps_ret'] = jnp.zeros((1,), jnp.float32)
    return inp


def _mlp(x, W1, b1, g, bb, W2, b2):
    h = x @ W1.T + b1
    # BatchNorm1d in training mode (biased variance over batch)
    mu = jnp.mean(h, axis=0)
    var = jnp.mean((h - mu) ** 2, axis=0)
    h = (h - mu) / jnp.sqrt(var + 1e-5) * g + bb
    h = jax.nn.relu(h)
    return h @ W2.T + b2


def reference(feat_user, feat_item, edge_ui, edge_iu, W_proj, b_proj,
              ui_W1, ui_b1, ui_g, ui_bb, ui_W2, ui_b2,
              ret_W1, ret_b1, ret_g, ret_bb, ret_W2, ret_b2,
              eps_ui, eps_ret):
    # go path 'ui': user -> item, copy_u('h','m') + sum -> a on item nodes
    msg = jnp.take(feat_user, edge_ui[0], axis=0)
    a_item = jnp.zeros((N, D), jnp.float32).at[edge_ui[1]].add(msg)
    h_item = _mlp((1.0 + eps_ui) * feat_item + a_item,
                  ui_W1, ui_b1, ui_g, ui_bb, ui_W2, ui_b2)
    # return path 'iu': item -> user, multi_update_all sum -> a on user nodes
    msg2 = jnp.take(h_item, edge_iu[0], axis=0)
    a_user = jnp.zeros((N, D), jnp.float32).at[edge_iu[1]].add(msg2)
    # project target node features, then GIN update with MLP['Return']
    h_user = feat_user @ W_proj.T + b_proj
    h_user = _mlp((1.0 + eps_ret) * h_user + a_user,
                  ret_W1, ret_b1, ret_g, ret_bb, ret_W2, ret_b2)
    return (h_user, h_item)

if __name__ == "__main__":
    import jax
    _d = setup_inputs()
    print(jax.jit(kernel)(*tuple(_d.values())))

</pallas_src>

<mosaic_0001>
#map = affine_map<(d0, d1) -> (0, 0)>
#map1 = affine_map<(d0, d1) -> (0)>
#map2 = affine_map<(d0, d1) -> (0, 0, 0)>
module attributes {stable_mosaic.version = 14 : i64} {
  func.func @seg_kernel(%arg0: i32, %arg1: i32, %arg2: memref<10000x128xf32, #tpu.memory_space<hbm>>, %arg3: memref<320000xi32, #tpu.memory_space<hbm>>, %arg4: memref<320000xi32, #tpu.memory_space<hbm>>, %arg5: memref<2x10000x128xf32, #tpu.memory_space<hbm>>, %arg6: memref<10000x128xf32, #tpu.memory_space<vmem_shared>>, %arg7: memref<10000xi32, #tpu.memory_space<vmem>>, %arg8: memref<96xi32, #tpu.memory_space<vmem>>, %arg9: memref<96xi32, #tpu.memory_space<vmem>>, %arg10: memref<96xi32, #tpu.memory_space<vmem>>, %arg11: memref<96x128xf32, #tpu.memory_space<vmem>>, %arg12: memref<96x128xf32, #tpu.memory_space<vmem>>, %arg13: memref<96x128xf32, #tpu.memory_space<vmem>>, %arg14: memref<16xi32, #tpu.memory_space<vmem>>, %arg15: memref<16x128xf32, #tpu.memory_space<vmem>>, %arg16: memref<!tpu.dma_semaphore, #tpu.memory_space<semaphore_mem>>, %arg17: memref<!tpu.dma_semaphore, #tpu.memory_space<semaphore_mem>>, %arg18: memref<!tpu.dma_semaphore, #tpu.memory_space<semaphore_mem>>, %arg19: memref<!tpu.dma_semaphore, #tpu.memory_space<semaphore_mem>>, %arg20: memref<!tpu.dma_semaphore, #tpu.memory_space<semaphore_mem>>, %arg21: memref<!tpu.dma_semaphore, #tpu.memory_space<semaphore_mem>>, %arg22: memref<!tpu.dma_semaphore, #tpu.memory_space<semaphore_mem>>, %arg23: memref<!tpu.dma_semaphore, #tpu.memory_space<semaphore_mem>>, %arg24: memref<!tpu.dma_semaphore, #tpu.memory_space<semaphore_mem>>, %arg25: memref<!tpu.dma_semaphore, #tpu.memory_space<semaphore_mem>>, %arg26: memref<!tpu.dma_semaphore, #tpu.memory_space<semaphore_mem>>, %arg27: memref<!tpu.dma_semaphore, #tpu.memory_space<semaphore_mem>>) attributes {dimension_semantics = [#tpu.dimension_semantics<core_parallel>, #tpu.dimension_semantics<subcore_parallel>], iteration_bounds = array<i64: 2, 16>, scalar_prefetch = 0 : i64, scratch_operands = 22 : i64, tpu.core_type = #tpu.core_type<sc_vector_subcore>, window_params = [{transform_indices = #map}, {transform_indices = #map1}, {transform_indices = #map1}, {transform_indices = #map2}]} {
    %mul3A = arith.constant 2 : i32
    %mul3A_0 = arith.muli %arg1, %mul3A : i32
    %add3A = arith.addi %mul3A_0, %arg0 : i32
    %mul3A_1 = arith.constant 10000 : i32
    %mul3A_2 = arith.muli %add3A, %mul3A_1 : i32
    %dma_start3A = tpu.memref_slice %arg3[%mul3A_2] : memref<320000xi32, #tpu.memory_space<hbm>> -> memref<10000xi32, #tpu.memory_space<hbm>>
    %dma_start3A_3 = tpu.memref_slice %arg3[%mul3A_2] : memref<320000xi32, #tpu.memory_space<hbm>> -> memref<10000xi32, #tpu.memory_space<hbm>>
    tpu.enqueue_dma source(%dma_start3A_3 : memref<10000xi32, #tpu.memory_space<hbm>>) target(%arg7 : memref<10000xi32, #tpu.memory_space<vmem>>) target_semaphore(%arg16 : memref<!tpu.dma_semaphore, #tpu.memory_space<semaphore_mem>>)
    %broadcast_in_dim3A = arith.constant 0.000000e+00 : f32
    %broadcast_in_dim3A_4 = vector.broadcast %broadcast_in_dim3A : f32 to vector<16xf32>
    %scan3A = arith.constant 0 : i32
    %scan3A_5 = arith.constant 0 : i32
    %scan3A_6 = arith.constant 48 : i32
    %scan3A_7 = arith.addi %scan3A_5, %scan3A_6 : i32
    %scan3A_8 = arith.constant 1 : i32
    scf.for %scan3A_154 = %scan3A_5 to %scan3A_7 step %scan3A_8  : i32 {
      %swap3A = arith.index_cast %scan3A_154 : i32 to index
      %swap3A_155 = arith.constant 0 : index
      %swap3A_156 = tpu.vector_load %arg11[%swap3A, %swap3A_155] {strides = array<i32>} : memref<96x128xf32, #tpu.memory_space<vmem>>, vector<1x16xf32>,
      %swap3A_157 = vector.shape_cast %swap3A_156 : vector<1x16xf32> to vector<16xf32>
      %swap3A_158 = vector.shape_cast %broadcast_in_dim3A_4 : vector<16xf32> to vector<1x16xf32>
      tpu.vector_store %arg11[%swap3A, %swap3A_155], %swap3A_158 {strides = array<i32>} : memref<96x128xf32, #tpu.memory_space<vmem>>, vector<1x16xf32>,
      %swap3A_159 = arith.index_cast %scan3A_154 : i32 to index
      %swap3A_160 = arith.constant 16 : index
      %swap3A_161 = tpu.vector_load %arg11[%swap3A_159, %swap3A_160] {strides = array<i32>} : memref<96x128xf32, #tpu.memory_space<vmem>>, vector<1x16xf32>,
      %swap3A_162 = vector.shape_cast %swap3A_161 : vector<1x16xf32> to vector<16xf32>
      %swap3A_163 = vector.shape_cast %broadcast_in_dim3A_4 : vector<16xf32> to vector<1x16xf32>
      tpu.vector_store %arg11[%swap3A_159, %swap3A_160], %swap3A_163 {strides = array<i32>} : memref<96x128xf32, #tpu.memory_space<vmem>>, vector<1x16xf32>,
      %swap3A_164 = arith.index_cast %scan3A_154 : i32 to index
      %swap3A_165 = arith.constant 32 : index
      %swap3A_166 = tpu.vector_load %arg11[%swap3A_164, %swap3A_165] {strides = array<i32>} : memref<96x128xf32, #tpu.memory_space<vmem>>, vector<1x16xf32>,
      %swap3A_167 = vector.shape_cast %swap3A_166 : vector<1x16xf32> to vector<16xf32>
      %swap3A_168 = vector.shape_cast %broadcast_in_dim3A_4 : vector<16xf32> to vector<1x16xf32>
      tpu.vector_store %arg11[%swap3A_164, %swap3A_165], %swap3A_168 {strides = array<i32>} : memref<96x128xf32, #tpu.memory_space<vmem>>, vector<1x16xf32>,
      %swap3A_169 = arith.index_cast %scan3A_154 : i32 to index
      %swap3A_170 = arith.constant 48 : index
      %swap3A_171 = tpu.vector_load %arg11[%swap3A_169, %swap3A_170] {strides = array<i32>} : memref<96x128xf32, #tpu.memory_space<vmem>>, vector<1x16xf32>,
      %swap3A_172 = vector.shape_cast %swap3A_171 : vector<1x16xf32> to vector<16xf32>
      %swap3A_173 = vector.shape_cast %broadcast_in_dim3A_4 : vector<16xf32> to vector<1x16xf32>
      tpu.vector_store %arg11[%swap3A_169, %swap3A_170], %swap3A_173 {strides = array<i32>} : memref<96x128xf32, #tpu.memory_space<vmem>>, vector<1x16xf32>,
      %swap3A_174 = arith.index_cast %scan3A_154 : i32 to index
      %swap3A_175 = arith.constant 64 : index
      %swap3A_176 = tpu.vector_load %arg11[%swap3A_174, %swap3A_175] {strides = array<i32>} : memref<96x128xf32, #tpu.memory_space<vmem>>, vector<1x16xf32>,
      %swap3A_177 = vector.shape_cast %swap3A_176 : vector<1x16xf32> to vector<16xf32>
      %swap3A_178 = vector.shape_cast %broadcast_in_dim3A_4 : vector<16xf32> to vector<1x16xf32>
      tpu.vector_store %arg11[%swap3A_174, %swap3A_175], %swap3A_178 {strides = array<i32>} : memref<96x128xf32, #tpu.memory_space<vmem>>, vector<1x16xf32>,
      %swap3A_179 = arith.index_cast %scan3A_154 : i32 to index
      %swap3A_180 = arith.constant 80 : index
      %swap3A_181 = tpu.vector_load %arg11[%swap3A_179, %swap3A_180] {strides = array<i32>} : memref<96x128xf32, #tpu.memory_space<vmem>>, vector<1x16xf32>,
      %swap3A_182 = vector.shape_cast %swap3A_181 : vector<1x16xf32> to vector<16xf32>
      %swap3A_183 = vector.shape_cast %broadcast_in_dim3A_4 : vector<16xf32> to vector<1x16xf32>
      tpu.vector_store %arg11[%swap3A_179, %swap3A_180], %swap3A_183 {strides = array<i32>} : memref<96x128xf32, #tpu.memory_space<vmem>>, vector<1x16xf32>,
      %swap3A_184 = arith.index_cast %scan3A_154 : i32 to index
      %swap3A_185 = arith.constant 96 : index
      %swap3A_186 = tpu.vector_load %arg11[%swap3A_184, %swap3A_185] {strides = array<i32>} : memref<96x128xf32, #tpu.memory_space<vmem>>, vector<1x16xf32>,
      %swap3A_187 = vector.shape_cast %swap3A_186 : vector<1x16xf32> to vector<16xf32>
      %swap3A_188 = vector.shape_cast %broadcast_in_dim3A_4 : vector<16xf32> to vector<1x16xf32>
      tpu.vector_store %arg11[%swap3A_184, %swap3A_185], %swap3A_188 {strides = array<i32>} : memref<96x128xf32, #tpu.memory_space<vmem>>, vector<1x16xf32>,
      %swap3A_189 = arith.index_cast %scan3A_154 : i32 to index
      %swap3A_190 = arith.constant 112 : index
      %swap3A_191 = tpu.vector_load %arg11[%swap3A_189, %swap3A_190] {strides = array<i32>} : memref<96x128xf32, #tpu.memory_space<vmem>>, vector<1x16xf32>,
      %swap3A_192 = vector.shape_cast %swap3A_191 : vector<1x16xf32> to vector<16xf32>
      %swap3A_193 = vector.shape_cast %broadcast_in_dim3A_4 : vector<16xf32> to vector<1x16xf32>
      tpu.vector_store %arg11[%swap3A_189, %swap3A_190], %swap3A_193 {strides = array<i32>} : memref<96x128xf32, #tpu.memory_space<vmem>>, vector<1x16xf32>,
    }
    %scan3A_9 = arith.constant 48 : i32
    %mul3A_10 = arith.constant 624 : i32
    %mul3A_11 = arith.muli %arg1, %mul3A_10 : i32
    %add3A_12 = arith.constant 0 : i32
    %add3A_13 = arith.addi %mul3A_11, %add3A_12 : i32
    "tpu.region"() ({
      %run_scoped3A = tpu.sem_alloc : memref<!tpu.dma_semaphore, #tpu.memory_space<semaphore_mem>>
      %dma_start3A_154 = arith.constant 0 : i32
      %dma_start3A_155 = arith.constant 0 : i32
      %dma_start3A_156 = tpu.memref_slice %arg11[%dma_start3A_154, %dma_start3A_155] : memref<96x128xf32, #tpu.memory_space<vmem>> -> memref<48x128xf32, #tpu.memory_space<vmem>>
      %dma_start3A_157 = arith.constant 0 : i32
      %dma_start3A_158 = tpu.memref_slice %arg6[%add3A_13, %dma_start3A_157] : memref<10000x128xf32, #tpu.memory_space<vmem_shared>> -> memref<48x128xf32, #tpu.memory_space<vmem_shared>>
      %dma_start3A_159 = arith.constant 0 : i32
      %dma_start3A_160 = tpu.memref_slice %arg6[%add3A_13, %dma_start3A_159] : memref<10000x128xf32, #tpu.memory_space<vmem_shared>> -> memref<48x128xf32, #tpu.memory_space<vmem_shared>>
      %dma_start3A_161 = arith.constant 0 : i32
      %dma_start3A_162 = arith.constant 0 : i32
      %dma_start3A_163 = tpu.memref_slice %arg11[%dma_start3A_161, %dma_start3A_162] : memref<96x128xf32, #tpu.memory_space<vmem>> -> memref<48x128xf32, #tpu.memory_space<vmem>>
      tpu.enqueue_dma source(%dma_start3A_163 : memref<48x128xf32, #tpu.memory_space<vmem>>) target(%dma_start3A_160 : memref<48x128xf32, #tpu.memory_space<vmem_shared>>) target_semaphore(%run_scoped3A : memref<!tpu.dma_semaphore, #tpu.memory_space<semaphore_mem>>)
      %dma_wait3A_164 = arith.constant 0 : i32
      %dma_wait3A_165 = arith.constant 0 : i32
      %dma_wait3A_166 = tpu.memref_slice %arg11[%dma_wait3A_164, %dma_wait3A_165] : memref<96x128xf32, #tpu.memory_space<vmem>> -> memref<48x128xf32, #tpu.memory_space<vmem>>
      %dma_wait3A_167 = arith.constant 0 : i32
      %dma_wait3A_168 = tpu.memref_slice %arg6[%add3A_13, %dma_wait3A_167] : memref<10000x128xf32, #tpu.memory_space<vmem_shared>> -> memref<48x128xf32, #tpu.memory_space<vmem_shared>>
      %dma_wait3A_169 = arith.constant 0 : i32
      %dma_wait3A_170 = tpu.memref_slice %arg6[%add3A_13, %dma_wait3A_169] : memref<10000x128xf32, #tpu.memory_space<vmem_shared>> -> memref<48x128xf32, #tpu.memory_space<vmem_shared>>
      %dma_wait3A_171 = arith.constant 0 : i32
      %dma_wait3A_172 = arith.constant 0 : i32
      %dma_wait3A_173 = tpu.memref_slice %arg11[%dma_wait3A_171, %dma_wait3A_172] : memref<96x128xf32, #tpu.memory_space<vmem>> -> memref<48x128xf32, #tpu.memory_space<vmem>>
      tpu.wait_dma2 semaphore(%run_scoped3A : memref<!tpu.dma_semaphore, #tpu.memory_space<semaphore_mem>>) src(%dma_wait3A_173 : memref<48x128xf32, #tpu.memory_space<vmem>>) dst(%dma_wait3A_170 : memref<48x128xf32, #tpu.memory_space<vmem_shared>>)
      tpu.yield
    }) : () -> ()
    %mul3A_14 = arith.constant 624 : i32
    %mul3A_15 = arith.muli %arg1, %mul3A_14 : i32
    %add3A_16 = arith.constant 48 : i32
    %add3A_17 = arith.addi %mul3A_15, %add3A_16 : i32
    "tpu.region"() ({
      %run_scoped3A = tpu.sem_alloc : memref<!tpu.dma_semaphore, #tpu.memory_space<semaphore_mem>>
      %dma_start3A_154 = arith.constant 0 : i32
      %dma_start3A_155 = arith.constant 0 : i32
      %dma_start3A_156 = tpu.memref_slice %arg11[%dma_start3A_154, %dma_start3A_155] : memref<96x128xf32, #tpu.memory_space<vmem>> -> memref<48x128xf32, #tpu.memory_space<vmem>>
      %dma_start3A_157 = arith.constant 0 : i32
      %dma_start3A_158 = tpu.memref_slice %arg6[%add3A_17, %dma_start3A_157] : memref<10000x128xf32, #tpu.memory_space<vmem_shared>> -> memref<48x128xf32, #tpu.memory_space<vmem_shared>>
      %dma_start3A_159 = arith.constant 0 : i32
      %dma_start3A_160 = tpu.memref_slice %arg6[%add3A_17, %dma_start3A_159] : memref<10000x128xf32, #tpu.memory_space<vmem_shared>> -> memref<48x128xf32, #tpu.memory_space<vmem_shared>>
      %dma_start3A_161 = arith.constant 0 : i32
      %dma_start3A_162 = arith.constant 0 : i32
      %dma_start3A_163 = tpu.memref_slice %arg11[%dma_start3A_161, %dma_start3A_162] : memref<96x128xf32, #tpu.memory_space<vmem>> -> memref<48x128xf32, #tpu.memory_space<vmem>>
      tpu.enqueue_dma source(%dma_start3A_163 : memref<48x128xf32, #tpu.memory_space<vmem>>) target(%dma_start3A_160 : memref<48x128xf32, #tpu.memory_space<vmem_shared>>) target_semaphore(%run_scoped3A : memref<!tpu.dma_semaphore, #tpu.memory_space<semaphore_mem>>)
      %dma_wait3A_164 = arith.constant 0 : i32
      %dma_wait3A_165 = arith.constant 0 : i32
      %dma_wait3A_166 = tpu.memref_slice %arg11[%dma_wait3A_164, %dma_wait3A_165] : memref<96x128xf32, #tpu.memory_space<vmem>> -> memref<48x128xf32, #tpu.memory_space<vmem>>
      %dma_wait3A_167 = arith.constant 0 : i32
      %dma_wait3A_168 = tpu.memref_slice %arg6[%add3A_17, %dma_wait3A_167] : memref<10000x128xf32, #tpu.memory_space<vmem_shared>> -> memref<48x128xf32, #tpu.memory_space<vmem_shared>>
      %dma_wait3A_169 = arith.constant 0 : i32
      %dma_wait3A_170 = tpu.memref_slice %arg6[%add3A_17, %dma_wait3A_169] : memref<10000x128xf32, #tpu.memory_space<vmem_shared>> -> memref<48x128xf32, #tpu.memory_space<vmem_shared>>
      %dma_wait3A_171 = arith.constant 0 : i32
      %dma_wait3A_172 = arith.constant 0 : i32
      %dma_wait3A_173 = tpu.memref_slice %arg11[%dma_wait3A_171, %dma_wait3A_172] : memref<96x128xf32, #tpu.memory_space<vmem>> -> memref<48x128xf32, #tpu.memory_space<vmem>>
      tpu.wait_dma2 semaphore(%run_scoped3A : memref<!tpu.dma_semaphore, #tpu.memory_space<semaphore_mem>>) src(%dma_wait3A_173 : memref<48x128xf32, #tpu.memory_space<vmem>>) dst(%dma_wait3A_170 : memref<48x128xf32, #tpu.memory_space<vmem_shared>>)
      tpu.yield
    }) : () -> ()
    %mul3A_18 = arith.constant 624 : i32
    %mul3A_19 = arith.muli %arg1, %mul3A_18 : i32
    %add3A_20 = arith.constant 96 : i32
    %add3A_21 = arith.addi %mul3A_19, %add3A_20 : i32
    "tpu.region"() ({
      %run_scoped3A = tpu.sem_alloc : memref<!tpu.dma_semaphore, #tpu.memory_space<semaphore_mem>>
      %dma_start3A_154 = arith.constant 0 : i32
      %dma_start3A_155 = arith.constant 0 : i32
      %dma_start3A_156 = tpu.memref_slice %arg11[%dma_start3A_154, %dma_start3A_155] : memref<96x128xf32, #tpu.memory_space<vmem>> -> memref<48x128xf32, #tpu.memory_space<vmem>>
      %dma_start3A_157 = arith.constant 0 : i32
      %dma_start3A_158 = tpu.memref_slice %arg6[%add3A_21, %dma_start3A_157] : memref<10000x128xf32, #tpu.memory_space<vmem_shared>> -> memref<48x128xf32, #tpu.memory_space<vmem_shared>>
      %dma_start3A_159 = arith.constant 0 : i32
      %dma_start3A_160 = tpu.memref_slice %arg6[%add3A_21, %dma_start3A_159] : memref<10000x128xf32, #tpu.memory_space<vmem_shared>> -> memref<48x128xf32, #tpu.memory_space<vmem_shared>>
      %dma_start3A_161 = arith.constant 0 : i32
      %dma_start3A_162 = arith.constant 0 : i32
      %dma_start3A_163 = tpu.memref_slice %arg11[%dma_start3A_161, %dma_start3A_162] : memref<96x128xf32, #tpu.memory_space<vmem>> -> memref<48x128xf32, #tpu.memory_space<vmem>>
      tpu.enqueue_dma source(%dma_start3A_163 : memref<48x128xf32, #tpu.memory_space<vmem>>) target(%dma_start3A_160 : memref<48x128xf32, #tpu.memory_space<vmem_shared>>) target_semaphore(%run_scoped3A : memref<!tpu.dma_semaphore, #tpu.memory_space<semaphore_mem>>)
      %dma_wait3A_164 = arith.constant 0 : i32
      %dma_wait3A_165 = arith.constant 0 : i32
      %dma_wait3A_166 = tpu.memref_slice %arg11[%dma_wait3A_164, %dma_wait3A_165] : memref<96x128xf32, #tpu.memory_space<vmem>> -> memref<48x128xf32, #tpu.memory_space<vmem>>
      %dma_wait3A_167 = arith.constant 0 : i32
      %dma_wait3A_168 = tpu.memref_slice %arg6[%add3A_21, %dma_wait3A_167] : memref<10000x128xf32, #tpu.memory_space<vmem_shared>> -> memref<48x128xf32, #tpu.memory_space<vmem_shared>>
      %dma_wait3A_169 = arith.constant 0 : i32
      %dma_wait3A_170 = tpu.memref_slice %arg6[%add3A_21, %dma_wait3A_169] : memref<10000x128xf32, #tpu.memory_space<vmem_shared>> -> memref<48x128xf32, #tpu.memory_space<vmem_shared>>
      %dma_wait3A_171 = arith.constant 0 : i32
      %dma_wait3A_172 = arith.constant 0 : i32
      %dma_wait3A_173 = tpu.memref_slice %arg11[%dma_wait3A_171, %dma_wait3A_172] : memref<96x128xf32, #tpu.memory_space<vmem>> -> memref<48x128xf32, #tpu.memory_space<vmem>>
      tpu.wait_dma2 semaphore(%run_scoped3A : memref<!tpu.dma_semaphore, #tpu.memory_space<semaphore_mem>>) src(%dma_wait3A_173 : memref<48x128xf32, #tpu.memory_space<vmem>>) dst(%dma_wait3A_170 : memref<48x128xf32, #tpu.memory_space<vmem_shared>>)
      tpu.yield
    }) : () -> ()
    %mul3A_22 = arith.constant 624 : i32
    %mul3A_23 = arith.muli %arg1, %mul3A_22 : i32
    %add3A_24 = arith.constant 144 : i32
    %add3A_25 = arith.addi %mul3A_23, %add3A_24 : i32
    "tpu.region"() ({
      %run_scoped3A = tpu.sem_alloc : memref<!tpu.dma_semaphore, #tpu.memory_space<semaphore_mem>>
      %dma_start3A_154 = arith.constant 0 : i32
      %dma_start3A_155 = arith.constant 0 : i32
      %dma_start3A_156 = tpu.memref_slice %arg11[%dma_start3A_154, %dma_start3A_155] : memref<96x128xf32, #tpu.memory_space<vmem>> -> memref<48x128xf32, #tpu.memory_space<vmem>>
      %dma_start3A_157 = arith.constant 0 : i32
      %dma_start3A_158 = tpu.memref_slice %arg6[%add3A_25, %dma_start3A_157] : memref<10000x128xf32, #tpu.memory_space<vmem_shared>> -> memref<48x128xf32, #tpu.memory_space<vmem_shared>>
      %dma_start3A_159 = arith.constant 0 : i32
      %dma_start3A_160 = tpu.memref_slice %arg6[%add3A_25, %dma_start3A_159] : memref<10000x128xf32, #tpu.memory_space<vmem_shared>> -> memref<48x128xf32, #tpu.memory_space<vmem_shared>>
      %dma_start3A_161 = arith.constant 0 : i32
      %dma_start3A_162 = arith.constant 0 : i32
      %dma_start3A_163 = tpu.memref_slice %arg11[%dma_start3A_161, %dma_start3A_162] : memref<96x128xf32, #tpu.memory_space<vmem>> -> memref<48x128xf32, #tpu.memory_space<vmem>>
      tpu.enqueue_dma source(%dma_start3A_163 : memref<48x128xf32, #tpu.memory_space<vmem>>) target(%dma_start3A_160 : memref<48x128xf32, #tpu.memory_space<vmem_shared>>) target_semaphore(%run_scoped3A : memref<!tpu.dma_semaphore, #tpu.memory_space<semaphore_mem>>)
      %dma_wait3A_164 = arith.constant 0 : i32
      %dma_wait3A_165 = arith.constant 0 : i32
      %dma_wait3A_166 = tpu.memref_slice %arg11[%dma_wait3A_164, %dma_wait3A_165] : memref<96x128xf32, #tpu.memory_space<vmem>> -> memref<48x128xf32, #tpu.memory_space<vmem>>
      %dma_wait3A_167 = arith.constant 0 : i32
      %dma_wait3A_168 = tpu.memref_slice %arg6[%add3A_25, %dma_wait3A_167] : memref<10000x128xf32, #tpu.memory_space<vmem_shared>> -> memref<48x128xf32, #tpu.memory_space<vmem_shared>>
      %dma_wait3A_169 = arith.constant 0 : i32
      %dma_wait3A_170 = tpu.memref_slice %arg6[%add3A_25, %dma_wait3A_169] : memref<10000x128xf32, #tpu.memory_space<vmem_shared>> -> memref<48x128xf32, #tpu.memory_space<vmem_shared>>
      %dma_wait3A_171 = arith.constant 0 : i32
      %dma_wait3A_172 = arith.constant 0 : i32
      %dma_wait3A_173 = tpu.memref_slice %arg11[%dma_wait3A_171, %dma_wait3A_172] : memref<96x128xf32, #tpu.memory_space<vmem>> -> memref<48x128xf32, #tpu.memory_space<vmem>>
      tpu.wait_dma2 semaphore(%run_scoped3A : memref<!tpu.dma_semaphore, #tpu.memory_space<semaphore_mem>>) src(%dma_wait3A_173 : memref<48x128xf32, #tpu.memory_space<vmem>>) dst(%dma_wait3A_170 : memref<48x128xf32, #tpu.memory_space<vmem_shared>>)
      tpu.yield
    }) : () -> ()
    %mul3A_26 = arith.constant 624 : i32
    %mul3A_27 = arith.muli %arg1, %mul3A_26 : i32
    %add3A_28 = arith.constant 192 : i32
    %add3A_29 = arith.addi %mul3A_27, %add3A_28 : i32
    "tpu.region"() ({
      %run_scoped3A = tpu.sem_alloc : memref<!tpu.dma_semaphore, #tpu.memory_space<semaphore_mem>>
      %dma_start3A_154 = arith.constant 0 : i32
      %dma_start3A_155 = arith.constant 0 : i32
      %dma_start3A_156 = tpu.memref_slice %arg11[%dma_start3A_154, %dma_start3A_155] : memref<96x128xf32, #tpu.memory_space<vmem>> -> memref<48x128xf32, #tpu.memory_space<vmem>>
      %dma_start3A_157 = arith.constant 0 : i32
      %dma_start3A_158 = tpu.memref_slice %arg6[%add3A_29, %dma_start3A_157] : memref<10000x128xf32, #tpu.memory_space<vmem_shared>> -> memref<48x128xf32, #tpu.memory_space<vmem_shared>>
      %dma_start3A_159 = arith.constant 0 : i32
      %dma_start3A_160 = tpu.memref_slice %arg6[%add3A_29, %dma_start3A_159] : memref<10000x128xf32, #tpu.memory_space<vmem_shared>> -> memref<48x128xf32, #tpu.memory_space<vmem_shared>>
      %dma_start3A_161 = arith.constant 0 : i32
      %dma_start3A_162 = arith.constant 0 : i32
      %dma_start3A_163 = tpu.memref_slice %arg11[%dma_start3A_161, %dma_start3A_162] : memref<96x128xf32, #tpu.memory_space<vmem>> -> memref<48x128xf32, #tpu.memory_space<vmem>>
      tpu.enqueue_dma source(%dma_start3A_163 : memref<48x128xf32, #tpu.memory_space<vmem>>) target(%dma_start3A_160 : memref<48x128xf32, #tpu.memory_space<vmem_shared>>) target_semaphore(%run_scoped3A : memref<!tpu.dma_semaphore, #tpu.memory_space<semaphore_mem>>)
      %dma_wait3A_164 = arith.constant 0 : i32
      %dma_wait3A_165 = arith.constant 0 : i32
      %dma_wait3A_166 = tpu.memref_slice %arg11[%dma_wait3A_164, %dma_wait3A_165] : memref<96x128xf32, #tpu.memory_space<vmem>> -> memref<48x128xf32, #tpu.memory_space<vmem>>
      %dma_wait3A_167 = arith.constant 0 : i32
      %dma_wait3A_168 = tpu.memref_slice %arg6[%add3A_29, %dma_wait3A_167] : memref<10000x128xf32, #tpu.memory_space<vmem_shared>> -> memref<48x128xf32, #tpu.memory_space<vmem_shared>>
      %dma_wait3A_169 = arith.constant 0 : i32
      %dma_wait3A_170 = tpu.memref_slice %arg6[%add3A_29, %dma_wait3A_169] : memref<10000x128xf32, #tpu.memory_space<vmem_shared>> -> memref<48x128xf32, #tpu.memory_space<vmem_shared>>
      %dma_wait3A_171 = arith.constant 0 : i32
      %dma_wait3A_172 = arith.constant 0 : i32
      %dma_wait3A_173 = tpu.memref_slice %arg11[%dma_wait3A_171, %dma_wait3A_172] : memref<96x128xf32, #tpu.memory_space<vmem>> -> memref<48x128xf32, #tpu.memory_space<vmem>>
      tpu.wait_dma2 semaphore(%run_scoped3A : memref<!tpu.dma_semaphore, #tpu.memory_space<semaphore_mem>>) src(%dma_wait3A_173 : memref<48x128xf32, #tpu.memory_space<vmem>>) dst(%dma_wait3A_170 : memref<48x128xf32, #tpu.memory_space<vmem_shared>>)
      tpu.yield
    }) : () -> ()
    %mul3A_30 = arith.constant 624 : i32
    %mul3A_31 = arith.muli %arg1, %mul3A_30 : i32
    %add3A_32 = arith.constant 240 : i32
    %add3A_33 = arith.addi %mul3A_31, %add3A_32 : i32
    "tpu.region"() ({
      %run_scoped3A = tpu.sem_alloc : memref<!tpu.dma_semaphore, #tpu.memory_space<semaphore_mem>>
      %dma_start3A_154 = arith.constant 0 : i32
      %dma_start3A_155 = arith.constant 0 : i32
      %dma_start3A_156 = tpu.memref_slice %arg11[%dma_start3A_154, %dma_start3A_155] : memref<96x128xf32, #tpu.memory_space<vmem>> -> memref<48x128xf32, #tpu.memory_space<vmem>>
      %dma_start3A_157 = arith.constant 0 : i32
      %dma_start3A_158 = tpu.memref_slice %arg6[%add3A_33, %dma_start3A_157] : memref<10000x128xf32, #tpu.memory_space<vmem_shared>> -> memref<48x128xf32, #tpu.memory_space<vmem_shared>>
      %dma_start3A_159 = arith.constant 0 : i32
      %dma_start3A_160 = tpu.memref_slice %arg6[%add3A_33, %dma_start3A_159] : memref<10000x128xf32, #tpu.memory_space<vmem_shared>> -> memref<48x128xf32, #tpu.memory_space<vmem_shared>>
      %dma_start3A_161 = arith.constant 0 : i32
      %dma_start3A_162 = arith.constant 0 : i32
      %dma_start3A_163 = tpu.memref_slice %arg11[%dma_start3A_161, %dma_start3A_162] : memref<96x128xf32, #tpu.memory_space<vmem>> -> memref<48x128xf32, #tpu.memory_space<vmem>>
      tpu.enqueue_dma source(%dma_start3A_163 : memref<48x128xf32, #tpu.memory_space<vmem>>) target(%dma_start3A_160 : memref<48x128xf32, #tpu.memory_space<vmem_shared>>) target_semaphore(%run_scoped3A : memref<!tpu.dma_semaphore, #tpu.memory_space<semaphore_mem>>)
      %dma_wait3A_164 = arith.constant 0 : i32
      %dma_wait3A_165 = arith.constant 0 : i32
      %dma_wait3A_166 = tpu.memref_slice %arg11[%dma_wait3A_164, %dma_wait3A_165] : memref<96x128xf32, #tpu.memory_space<vmem>> -> memref<48x128xf32, #tpu.memory_space<vmem>>
      %dma_wait3A_167 = arith.constant 0 : i32
      %dma_wait3A_168 = tpu.memref_slice %arg6[%add3A_33, %dma_wait3A_167] : memref<10000x128xf32, #tpu.memory_space<vmem_shared>> -> memref<48x128xf32, #tpu.memory_space<vmem_shared>>
      %dma_wait3A_169 = arith.constant 0 : i32
      %dma_wait3A_170 = tpu.memref_slice %arg6[%add3A_33, %dma_wait3A_169] : memref<10000x128xf32, #tpu.memory_space<vmem_shared>> -> memref<48x128xf32, #tpu.memory_space<vmem_shared>>
      %dma_wait3A_171 = arith.constant 0 : i32
      %dma_wait3A_172 = arith.constant 0 : i32
      %dma_wait3A_173 = tpu.memref_slice %arg11[%dma_wait3A_171, %dma_wait3A_172] : memref<96x128xf32, #tpu.memory_space<vmem>> -> memref<48x128xf32, #tpu.memory_space<vmem>>
      tpu.wait_dma2 semaphore(%run_scoped3A : memref<!tpu.dma_semaphore, #tpu.memory_space<semaphore_mem>>) src(%dma_wait3A_173 : memref<48x128xf32, #tpu.memory_space<vmem>>) dst(%dma_wait3A_170 : memref<48x128xf32, #tpu.memory_space<vmem_shared>>)
      tpu.yield
    }) : () -> ()
    %mul3A_34 = arith.constant 624 : i32
    %mul3A_35 = arith.muli %arg1, %mul3A_34 : i32
    %add3A_36 = arith.constant 288 : i32
    %add3A_37 = arith.addi %mul3A_35, %add3A_36 : i32
    "tpu.region"() ({
      %run_scoped3A = tpu.sem_alloc : memref<!tpu.dma_semaphore, #tpu.memory_space<semaphore_mem>>
      %dma_start3A_154 = arith.constant 0 : i32
      %dma_start3A_155 = arith.constant 0 : i32
      %dma_start3A_156 = tpu.memref_slice %arg11[%dma_start3A_154, %dma_start3A_155] : memref<96x128xf32, #tpu.memory_space<vmem>> -> memref<48x128xf32, #tpu.memory_space<vmem>>
      %dma_start3A_157 = arith.constant 0 : i32
      %dma_start3A_158 = tpu.memref_slice %arg6[%add3A_37, %dma_start3A_157] : memref<10000x128xf32, #tpu.memory_space<vmem_shared>> -> memref<48x128xf32, #tpu.memory_space<vmem_shared>>
      %dma_start3A_159 = arith.constant 0 : i32
      %dma_start3A_160 = tpu.memref_slice %arg6[%add3A_37, %dma_start3A_159] : memref<10000x128xf32, #tpu.memory_space<vmem_shared>> -> memref<48x128xf32, #tpu.memory_space<vmem_shared>>
      %dma_start3A_161 = arith.constant 0 : i32
      %dma_start3A_162 = arith.constant 0 : i32
      %dma_start3A_163 = tpu.memref_slice %arg11[%dma_start3A_161, %dma_start3A_162] : memref<96x128xf32, #tpu.memory_space<vmem>> -> memref<48x128xf32, #tpu.memory_space<vmem>>
      tpu.enqueue_dma source(%dma_start3A_163 : memref<48x128xf32, #tpu.memory_space<vmem>>) target(%dma_start3A_160 : memref<48x128xf32, #tpu.memory_space<vmem_shared>>) target_semaphore(%run_scoped3A : memref<!tpu.dma_semaphore, #tpu.memory_space<semaphore_mem>>)
      %dma_wait3A_164 = arith.constant 0 : i32
      %dma_wait3A_165 = arith.constant 0 : i32
      %dma_wait3A_166 = tpu.memref_slice %arg11[%dma_wait3A_164, %dma_wait3A_165] : memref<96x128xf32, #tpu.memory_space<vmem>> -> memref<48x128xf32, #tpu.memory_space<vmem>>
      %dma_wait3A_167 = arith.constant 0 : i32
      %dma_wait3A_168 = tpu.memref_slice %arg6[%add3A_37, %dma_wait3A_167] : memref<10000x128xf32, #tpu.memory_space<vmem_shared>> -> memref<48x128xf32, #tpu.memory_space<vmem_shared>>
      %dma_wait3A_169 = arith.constant 0 : i32
      %dma_wait3A_170 = tpu.memref_slice %arg6[%add3A_37, %dma_wait3A_169] : memref<10000x128xf32, #tpu.memory_space<vmem_shared>> -> memref<48x128xf32, #tpu.memory_space<vmem_shared>>
      %dma_wait3A_171 = arith.constant 0 : i32
      %dma_wait3A_172 = arith.constant 0 : i32
      %dma_wait3A_173 = tpu.memref_slice %arg11[%dma_wait3A_171, %dma_wait3A_172] : memref<96x128xf32, #tpu.memory_space<vmem>> -> memref<48x128xf32, #tpu.memory_space<vmem>>
      tpu.wait_dma2 semaphore(%run_scoped3A : memref<!tpu.dma_semaphore, #tpu.memory_space<semaphore_mem>>) src(%dma_wait3A_173 : memref<48x128xf32, #tpu.memory_space<vmem>>) dst(%dma_wait3A_170 : memref<48x128xf32, #tpu.memory_space<vmem_shared>>)
      tpu.yield
    }) : () -> ()
    %mul3A_38 = arith.constant 624 : i32
    %mul3A_39 = arith.muli %arg1, %mul3A_38 : i32
    %add3A_40 = arith.constant 336 : i32
    %add3A_41 = arith.addi %mul3A_39, %add3A_40 : i32
    "tpu.region"() ({
      %run_scoped3A = tpu.sem_alloc : memref<!tpu.dma_semaphore, #tpu.memory_space<semaphore_mem>>
      %dma_start3A_154 = arith.constant 0 : i32
      %dma_start3A_155 = arith.constant 0 : i32
      %dma_start3A_156 = tpu.memref_slice %arg11[%dma_start3A_154, %dma_start3A_155] : memref<96x128xf32, #tpu.memory_space<vmem>> -> memref<48x128xf32, #tpu.memory_space<vmem>>
      %dma_start3A_157 = arith.constant 0 : i32
      %dma_start3A_158 = tpu.memref_slice %arg6[%add3A_41, %dma_start3A_157] : memref<10000x128xf32, #tpu.memory_space<vmem_shared>> -> memref<48x128xf32, #tpu.memory_space<vmem_shared>>
      %dma_start3A_159 = arith.constant 0 : i32
      %dma_start3A_160 = tpu.memref_slice %arg6[%add3A_41, %dma_start3A_159] : memref<10000x128xf32, #tpu.memory_space<vmem_shared>> -> memref<48x128xf32, #tpu.memory_space<vmem_shared>>
      %dma_start3A_161 = arith.constant 0 : i32
      %dma_start3A_162 = arith.constant 0 : i32
      %dma_start3A_163 = tpu.memref_slice %arg11[%dma_start3A_161, %dma_start3A_162] : memref<96x128xf32, #tpu.memory_space<vmem>> -> memref<48x128xf32, #tpu.memory_space<vmem>>
      tpu.enqueue_dma source(%dma_start3A_163 : memref<48x128xf32, #tpu.memory_space<vmem>>) target(%dma_start3A_160 : memref<48x128xf32, #tpu.memory_space<vmem_shared>>) target_semaphore(%run_scoped3A : memref<!tpu.dma_semaphore, #tpu.memory_space<semaphore_mem>>)
      %dma_wait3A_164 = arith.constant 0 : i32
      %dma_wait3A_165 = arith.constant 0 : i32
      %dma_wait3A_166 = tpu.memref_slice %arg11[%dma_wait3A_164, %dma_wait3A_165] : memref<96x128xf32, #tpu.memory_space<vmem>> -> memref<48x128xf32, #tpu.memory_space<vmem>>
      %dma_wait3A_167 = arith.constant 0 : i32
      %dma_wait3A_168 = tpu.memref_slice %arg6[%add3A_41, %dma_wait3A_167] : memref<10000x128xf32, #tpu.memory_space<vmem_shared>> -> memref<48x128xf32, #tpu.memory_space<vmem_shared>>
      %dma_wait3A_169 = arith.constant 0 : i32
      %dma_wait3A_170 = tpu.memref_slice %arg6[%add3A_41, %dma_wait3A_169] : memref<10000x128xf32, #tpu.memory_space<vmem_shared>> -> memref<48x128xf32, #tpu.memory_space<vmem_shared>>
      %dma_wait3A_171 = arith.constant 0 : i32
      %dma_wait3A_172 = arith.constant 0 : i32
      %dma_wait3A_173 = tpu.memref_slice %arg11[%dma_wait3A_171, %dma_wait3A_172] : memref<96x128xf32, #tpu.memory_space<vmem>> -> memref<48x128xf32, #tpu.memory_space<vmem>>
      tpu.wait_dma2 semaphore(%run_scoped3A : memref<!tpu.dma_semaphore, #tpu.memory_space<semaphore_mem>>) src(%dma_wait3A_173 : memref<48x128xf32, #tpu.memory_space<vmem>>) dst(%dma_wait3A_170 : memref<48x128xf32, #tpu.memory_space<vmem_shared>>)
      tpu.yield
    }) : () -> ()
    %mul3A_42 = arith.constant 624 : i32
    %mul3A_43 = arith.muli %arg1, %mul3A_42 : i32
    %add3A_44 = arith.constant 384 : i32
    %add3A_45 = arith.addi %mul3A_43, %add3A_44 : i32
    "tpu.region"() ({
      %run_scoped3A = tpu.sem_alloc : memref<!tpu.dma_semaphore, #tpu.memory_space<semaphore_mem>>
      %dma_start3A_154 = arith.constant 0 : i32
      %dma_start3A_155 = arith.constant 0 : i32
      %dma_start3A_156 = tpu.memref_slice %arg11[%dma_start3A_154, %dma_start3A_155] : memref<96x128xf32, #tpu.memory_space<vmem>> -> memref<48x128xf32, #tpu.memory_space<vmem>>
      %dma_start3A_157 = arith.constant 0 : i32
      %dma_start3A_158 = tpu.memref_slice %arg6[%add3A_45, %dma_start3A_157] : memref<10000x128xf32, #tpu.memory_space<vmem_shared>> -> memref<48x128xf32, #tpu.memory_space<vmem_shared>>
      %dma_start3A_159 = arith.constant 0 : i32
      %dma_start3A_160 = tpu.memref_slice %arg6[%add3A_45, %dma_start3A_159] : memref<10000x128xf32, #tpu.memory_space<vmem_shared>> -> memref<48x128xf32, #tpu.memory_space<vmem_shared>>
      %dma_start3A_161 = arith.constant 0 : i32
      %dma_start3A_162 = arith.constant 0 : i32
      %dma_start3A_163 = tpu.memref_slice %arg11[%dma_start3A_161, %dma_start3A_162] : memref<96x128xf32, #tpu.memory_space<vmem>> -> memref<48x128xf32, #tpu.memory_space<vmem>>
      tpu.enqueue_dma source(%dma_start3A_163 : memref<48x128xf32, #tpu.memory_space<vmem>>) target(%dma_start3A_160 : memref<48x128xf32, #tpu.memory_space<vmem_shared>>) target_semaphore(%run_scoped3A : memref<!tpu.dma_semaphore, #tpu.memory_space<semaphore_mem>>)
      %dma_wait3A_164 = arith.constant 0 : i32
      %dma_wait3A_165 = arith.constant 0 : i32
      %dma_wait3A_166 = tpu.memref_slice %arg11[%dma_wait3A_164, %dma_wait3A_165] : memref<96x128xf32, #tpu.memory_space<vmem>> -> memref<48x128xf32, #tpu.memory_space<vmem>>
      %dma_wait3A_167 = arith.constant 0 : i32
      %dma_wait3A_168 = tpu.memref_slice %arg6[%add3A_45, %dma_wait3A_167] : memref<10000x128xf32, #tpu.memory_space<vmem_shared>> -> memref<48x128xf32, #tpu.memory_space<vmem_shared>>
      %dma_wait3A_169 = arith.constant 0 : i32
      %dma_wait3A_170 = tpu.memref_slice %arg6[%add3A_45, %dma_wait3A_169] : memref<10000x128xf32, #tpu.memory_space<vmem_shared>> -> memref<48x128xf32, #tpu.memory_space<vmem_shared>>
      %dma_wait3A_171 = arith.constant 0 : i32
      %dma_wait3A_172 = arith.constant 0 : i32
      %dma_wait3A_173 = tpu.memref_slice %arg11[%dma_wait3A_171, %dma_wait3A_172] : memref<96x128xf32, #tpu.memory_space<vmem>> -> memref<48x128xf32, #tpu.memory_space<vmem>>
      tpu.wait_dma2 semaphore(%run_scoped3A : memref<!tpu.dma_semaphore, #tpu.memory_space<semaphore_mem>>) src(%dma_wait3A_173 : memref<48x128xf32, #tpu.memory_space<vmem>>) dst(%dma_wait3A_170 : memref<48x128xf32, #tpu.memory_space<vmem_shared>>)
      tpu.yield
    }) : () -> ()
    %mul3A_46 = arith.constant 624 : i32
    %mul3A_47 = arith.muli %arg1, %mul3A_46 : i32
    %add3A_48 = arith.constant 432 : i32
    %add3A_49 = arith.addi %mul3A_47, %add3A_48 : i32
    "tpu.region"() ({
      %run_scoped3A = tpu.sem_alloc : memref<!tpu.dma_semaphore, #tpu.memory_space<semaphore_mem>>
      %dma_start3A_154 = arith.constant 0 : i32
      %dma_start3A_155 = arith.constant 0 : i32
      %dma_start3A_156 = tpu.memref_slice %arg11[%dma_start3A_154, %dma_start3A_155] : memref<96x128xf32, #tpu.memory_space<vmem>> -> memref<48x128xf32, #tpu.memory_space<vmem>>
      %dma_start3A_157 = arith.constant 0 : i32
      %dma_start3A_158 = tpu.memref_slice %arg6[%add3A_49, %dma_start3A_157] : memref<10000x128xf32, #tpu.memory_space<vmem_shared>> -> memref<48x128xf32, #tpu.memory_space<vmem_shared>>
      %dma_start3A_159 = arith.constant 0 : i32
      %dma_start3A_160 = tpu.memref_slice %arg6[%add3A_49, %dma_start3A_159] : memref<10000x128xf32, #tpu.memory_space<vmem_shared>> -> memref<48x128xf32, #tpu.memory_space<vmem_shared>>
      %dma_start3A_161 = arith.constant 0 : i32
      %dma_start3A_162 = arith.constant 0 : i32
      %dma_start3A_163 = tpu.memref_slice %arg11[%dma_start3A_161, %dma_start3A_162] : memref<96x128xf32, #tpu.memory_space<vmem>> -> memref<48x128xf32, #tpu.memory_space<vmem>>
      tpu.enqueue_dma source(%dma_start3A_163 : memref<48x128xf32, #tpu.memory_space<vmem>>) target(%dma_start3A_160 : memref<48x128xf32, #tpu.memory_space<vmem_shared>>) target_semaphore(%run_scoped3A : memref<!tpu.dma_semaphore, #tpu.memory_space<semaphore_mem>>)
      %dma_wait3A_164 = arith.constant 0 : i32
      %dma_wait3A_165 = arith.constant 0 : i32
      %dma_wait3A_166 = tpu.memref_slice %arg11[%dma_wait3A_164, %dma_wait3A_165] : memref<96x128xf32, #tpu.memory_space<vmem>> -> memref<48x128xf32, #tpu.memory_space<vmem>>
      %dma_wait3A_167 = arith.constant 0 : i32
      %dma_wait3A_168 = tpu.memref_slice %arg6[%add3A_49, %dma_wait3A_167] : memref<10000x128xf32, #tpu.memory_space<vmem_shared>> -> memref<48x128xf32, #tpu.memory_space<vmem_shared>>
      %dma_wait3A_169 = arith.constant 0 : i32
      %dma_wait3A_170 = tpu.memref_slice %arg6[%add3A_49, %dma_wait3A_169] : memref<10000x128xf32, #tpu.memory_space<vmem_shared>> -> memref<48x128xf32, #tpu.memory_space<vmem_shared>>
      %dma_wait3A_171 = arith.constant 0 : i32
      %dma_wait3A_172 = arith.constant 0 : i32
      %dma_wait3A_173 = tpu.memref_slice %arg11[%dma_wait3A_171, %dma_wait3A_172] : memref<96x128xf32, #tpu.memory_space<vmem>> -> memref<48x128xf32, #tpu.memory_space<vmem>>
      tpu.wait_dma2 semaphore(%run_scoped3A : memref<!tpu.dma_semaphore, #tpu.memory_space<semaphore_mem>>) src(%dma_wait3A_173 : memref<48x128xf32, #tpu.memory_space<vmem>>) dst(%dma_wait3A_170 : memref<48x128xf32, #tpu.memory_space<vmem_shared>>)
      tpu.yield
    }) : () -> ()
    %mul3A_50 = arith.constant 624 : i32
    %mul3A_51 = arith.muli %arg1, %mul3A_50 : i32
    %add3A_52 = arith.constant 480 : i32
    %add3A_53 = arith.addi %mul3A_51, %add3A_52 : i32
    "tpu.region"() ({
      %run_scoped3A = tpu.sem_alloc : memref<!tpu.dma_semaphore, #tpu.memory_space<semaphore_mem>>
      %dma_start3A_154 = arith.constant 0 : i32
      %dma_start3A_155 = arith.constant 0 : i32
      %dma_start3A_156 = tpu.memref_slice %arg11[%dma_start3A_154, %dma_start3A_155] : memref<96x128xf32, #tpu.memory_space<vmem>> -> memref<48x128xf32, #tpu.memory_space<vmem>>
      %dma_start3A_157 = arith.constant 0 : i32
      %dma_start3A_158 = tpu.memref_slice %arg6[%add3A_53, %dma_start3A_157] : memref<10000x128xf32, #tpu.memory_space<vmem_shared>> -> memref<48x128xf32, #tpu.memory_space<vmem_shared>>
      %dma_start3A_159 = arith.constant 0 : i32
      %dma_start3A_160 = tpu.memref_slice %arg6[%add3A_53, %dma_start3A_159] : memref<10000x128xf32, #tpu.memory_space<vmem_shared>> -> memref<48x128xf32, #tpu.memory_space<vmem_shared>>
      %dma_start3A_161 = arith.constant 0 : i32
      %dma_start3A_162 = arith.constant 0 : i32
      %dma_start3A_163 = tpu.memref_slice %arg11[%dma_start3A_161, %dma_start3A_162] : memref<96x128xf32, #tpu.memory_space<vmem>> -> memref<48x128xf32, #tpu.memory_space<vmem>>
      tpu.enqueue_dma source(%dma_start3A_163 : memref<48x128xf32, #tpu.memory_space<vmem>>) target(%dma_start3A_160 : memref<48x128xf32, #tpu.memory_space<vmem_shared>>) target_semaphore(%run_scoped3A : memref<!tpu.dma_semaphore, #tpu.memory_space<semaphore_mem>>)
      %dma_wait3A_164 = arith.constant 0 : i32
      %dma_wait3A_165 = arith.constant 0 : i32
      %dma_wait3A_166 = tpu.memref_slice %arg11[%dma_wait3A_164, %dma_wait3A_165] : memref<96x128xf32, #tpu.memory_space<vmem>> -> memref<48x128xf32, #tpu.memory_space<vmem>>
      %dma_wait3A_167 = arith.constant 0 : i32
      %dma_wait3A_168 = tpu.memref_slice %arg6[%add3A_53, %dma_wait3A_167] : memref<10000x128xf32, #tpu.memory_space<vmem_shared>> -> memref<48x128xf32, #tpu.memory_space<vmem_shared>>
      %dma_wait3A_169 = arith.constant 0 : i32
      %dma_wait3A_170 = tpu.memref_slice %arg6[%add3A_53, %dma_wait3A_169] : memref<10000x128xf32, #tpu.memory_space<vmem_shared>> -> memref<48x128xf32, #tpu.memory_space<vmem_shared>>
      %dma_wait3A_171 = arith.constant 0 : i32
      %dma_wait3A_172 = arith.constant 0 : i32
      %dma_wait3A_173 = tpu.memref_slice %arg11[%dma_wait3A_171, %dma_wait3A_172] : memref<96x128xf32, #tpu.memory_space<vmem>> -> memref<48x128xf32, #tpu.memory_space<vmem>>
      tpu.wait_dma2 semaphore(%run_scoped3A : memref<!tpu.dma_semaphore, #tpu.memory_space<semaphore_mem>>) src(%dma_wait3A_173 : memref<48x128xf32, #tpu.memory_space<vmem>>) dst(%dma_wait3A_170 : memref<48x128xf32, #tpu.memory_space<vmem_shared>>)
      tpu.yield
    }) : () -> ()
    %mul3A_54 = arith.constant 624 : i32
    %mul3A_55 = arith.muli %arg1, %mul3A_54 : i32
    %add3A_56 = arith.constant 528 : i32
    %add3A_57 = arith.addi %mul3A_55, %add3A_56 : i32
    "tpu.region"() ({
      %run_scoped3A = tpu.sem_alloc : memref<!tpu.dma_semaphore, #tpu.memory_space<semaphore_mem>>
      %dma_start3A_154 = arith.constant 0 : i32
      %dma_start3A_155 = arith.constant 0 : i32
      %dma_start3A_156 = tpu.memref_slice %arg11[%dma_start3A_154, %dma_start3A_155] : memref<96x128xf32, #tpu.memory_space<vmem>> -> memref<48x128xf32, #tpu.memory_space<vmem>>
      %dma_start3A_157 = arith.constant 0 : i32
      %dma_start3A_158 = tpu.memref_slice %arg6[%add3A_57, %dma_start3A_157] : memref<10000x128xf32, #tpu.memory_space<vmem_shared>> -> memref<48x128xf32, #tpu.memory_space<vmem_shared>>
      %dma_start3A_159 = arith.constant 0 : i32
      %dma_start3A_160 = tpu.memref_slice %arg6[%add3A_57, %dma_start3A_159] : memref<10000x128xf32, #tpu.memory_space<vmem_shared>> -> memref<48x128xf32, #tpu.memory_space<vmem_shared>>
      %dma_start3A_161 = arith.constant 0 : i32
      %dma_start3A_162 = arith.constant 0 : i32
      %dma_start3A_163 = tpu.memref_slice %arg11[%dma_start3A_161, %dma_start3A_162] : memref<96x128xf32, #tpu.memory_space<vmem>> -> memref<48x128xf32, #tpu.memory_space<vmem>>
      tpu.enqueue_dma source(%dma_start3A_163 : memref<48x128xf32, #tpu.memory_space<vmem>>) target(%dma_start3A_160 : memref<48x128xf32, #tpu.memory_space<vmem_shared>>) target_semaphore(%run_scoped3A : memref<!tpu.dma_semaphore, #tpu.memory_space<semaphore_mem>>)
      %dma_wait3A_164 = arith.constant 0 : i32
      %dma_wait3A_165 = arith.constant 0 : i32
      %dma_wait3A_166 = tpu.memref_slice %arg11[%dma_wait3A_164, %dma_wait3A_165] : memref<96x128xf32, #tpu.memory_space<vmem>> -> memref<48x128xf32, #tpu.memory_space<vmem>>
      %dma_wait3A_167 = arith.constant 0 : i32
      %dma_wait3A_168 = tpu.memref_slice %arg6[%add3A_57, %dma_wait3A_167] : memref<10000x128xf32, #tpu.memory_space<vmem_shared>> -> memref<48x128xf32, #tpu.memory_space<vmem_shared>>
      %dma_wait3A_169 = arith.constant 0 : i32
      %dma_wait3A_170 = tpu.memref_slice %arg6[%add3A_57, %dma_wait3A_169] : memref<10000x128xf32, #tpu.memory_space<vmem_shared>> -> memref<48x128xf32, #tpu.memory_space<vmem_shared>>
      %dma_wait3A_171 = arith.constant 0 : i32
      %dma_wait3A_172 = arith.constant 0 : i32
      %dma_wait3A_173 = tpu.memref_slice %arg11[%dma_wait3A_171, %dma_wait3A_172] : memref<96x128xf32, #tpu.memory_space<vmem>> -> memref<48x128xf32, #tpu.memory_space<vmem>>
      tpu.wait_dma2 semaphore(%run_scoped3A : memref<!tpu.dma_semaphore, #tpu.memory_space<semaphore_mem>>) src(%dma_wait3A_173 : memref<48x128xf32, #tpu.memory_space<vmem>>) dst(%dma_wait3A_170 : memref<48x128xf32, #tpu.memory_space<vmem_shared>>)
      tpu.yield
    }) : () -> ()
    %mul3A_58 = arith.constant 624 : i32
    %mul3A_59 = arith.muli %arg1, %mul3A_58 : i32
    %add3A_60 = arith.constant 576 : i32
    %add3A_61 = arith.addi %mul3A_59, %add3A_60 : i32
    "tpu.region"() ({
      %run_scoped3A = tpu.sem_alloc : memref<!tpu.dma_semaphore, #tpu.memory_space<semaphore_mem>>
      %dma_start3A_154 = arith.constant 0 : i32
      %dma_start3A_155 = arith.constant 0 : i32
      %dma_start3A_156 = tpu.memref_slice %arg11[%dma_start3A_154, %dma_start3A_155] : memref<96x128xf32, #tpu.memory_space<vmem>> -> memref<48x128xf32, #tpu.memory_space<vmem>>
      %dma_start3A_157 = arith.constant 0 : i32
      %dma_start3A_158 = tpu.memref_slice %arg6[%add3A_61, %dma_start3A_157] : memref<10000x128xf32, #tpu.memory_space<vmem_shared>> -> memref<48x128xf32, #tpu.memory_space<vmem_shared>>
      %dma_start3A_159 = arith.constant 0 : i32
      %dma_start3A_160 = tpu.memref_slice %arg6[%add3A_61, %dma_start3A_159] : memref<10000x128xf32, #tpu.memory_space<vmem_shared>> -> memref<48x128xf32, #tpu.memory_space<vmem_shared>>
      %dma_start3A_161 = arith.constant 0 : i32
      %dma_start3A_162 = arith.constant 0 : i32
      %dma_start3A_163 = tpu.memref_slice %arg11[%dma_start3A_161, %dma_start3A_162] : memref<96x128xf32, #tpu.memory_space<vmem>> -> memref<48x128xf32, #tpu.memory_space<vmem>>
      tpu.enqueue_dma source(%dma_start3A_163 : memref<48x128xf32, #tpu.memory_space<vmem>>) target(%dma_start3A_160 : memref<48x128xf32, #tpu.memory_space<vmem_shared>>) target_semaphore(%run_scoped3A : memref<!tpu.dma_semaphore, #tpu.memory_space<semaphore_mem>>)
      %dma_wait3A_164 = arith.constant 0 : i32
      %dma_wait3A_165 = arith.constant 0 : i32
      %dma_wait3A_166 = tpu.memref_slice %arg11[%dma_wait3A_164, %dma_wait3A_165] : memref<96x128xf32, #tpu.memory_space<vmem>> -> memref<48x128xf32, #tpu.memory_space<vmem>>
      %dma_wait3A_167 = arith.constant 0 : i32
      %dma_wait3A_168 = tpu.memref_slice %arg6[%add3A_61, %dma_wait3A_167] : memref<10000x128xf32, #tpu.memory_space<vmem_shared>> -> memref<48x128xf32, #tpu.memory_space<vmem_shared>>
      %dma_wait3A_169 = arith.constant 0 : i32
      %dma_wait3A_170 = tpu.memref_slice %arg6[%add3A_61, %dma_wait3A_169] : memref<10000x128xf32, #tpu.memory_space<vmem_shared>> -> memref<48x128xf32, #tpu.memory_space<vmem_shared>>
      %dma_wait3A_171 = arith.constant 0 : i32
      %dma_wait3A_172 = arith.constant 0 : i32
      %dma_wait3A_173 = tpu.memref_slice %arg11[%dma_wait3A_171, %dma_wait3A_172] : memref<96x128xf32, #tpu.memory_space<vmem>> -> memref<48x128xf32, #tpu.memory_space<vmem>>
      tpu.wait_dma2 semaphore(%run_scoped3A : memref<!tpu.dma_semaphore, #tpu.memory_space<semaphore_mem>>) src(%dma_wait3A_173 : memref<48x128xf32, #tpu.memory_space<vmem>>) dst(%dma_wait3A_170 : memref<48x128xf32, #tpu.memory_space<vmem_shared>>)
      tpu.yield
    }) : () -> ()
    %eq3A = arith.constant 15 : i32
    %eq3A_62 = arith.cmpi eq, %arg1, %eq3A : i32
    %convert_element_type3A = arith.extui %eq3A_62 : i1 to i32
    %cond3A = arith.constant 0 : i32
    %cond3A_63 = arith.cmpi ne, %convert_element_type3A, %cond3A : i32
    scf.if %cond3A_63 {
      "tpu.region"() ({
        %run_scoped3A = tpu.sem_alloc : memref<!tpu.dma_semaphore, #tpu.memory_space<semaphore_mem>>
        %dma_start3A_154 = arith.constant 0 : i32
        %dma_start3A_155 = arith.constant 0 : i32
        %dma_start3A_156 = tpu.memref_slice %arg11[%dma_start3A_154, %dma_start3A_155] : memref<96x128xf32, #tpu.memory_space<vmem>> -> memref<16x128xf32, #tpu.memory_space<vmem>>
        %dma_start3A_157 = arith.constant 9984 : i32
        %dma_start3A_158 = arith.constant 0 : i32
        %dma_start3A_159 = tpu.memref_slice %arg6[%dma_start3A_157, %dma_start3A_158] : memref<10000x128xf32, #tpu.memory_space<vmem_shared>> -> memref<16x128xf32, #tpu.memory_space<vmem_shared>>
        %dma_start3A_160 = arith.constant 9984 : i32
        %dma_start3A_161 = arith.constant 0 : i32
        %dma_start3A_162 = tpu.memref_slice %arg6[%dma_start3A_160, %dma_start3A_161] : memref<10000x128xf32, #tpu.memory_space<vmem_shared>> -> memref<16x128xf32, #tpu.memory_space<vmem_shared>>
        %dma_start3A_163 = arith.constant 0 : i32
        %dma_start3A_164 = arith.constant 0 : i32
        %dma_start3A_165 = tpu.memref_slice %arg11[%dma_start3A_163, %dma_start3A_164] : memref<96x128xf32, #tpu.memory_space<vmem>> -> memref<16x128xf32, #tpu.memory_space<vmem>>
        tpu.enqueue_dma source(%dma_start3A_165 : memref<16x128xf32, #tpu.memory_space<vmem>>) target(%dma_start3A_162 : memref<16x128xf32, #tpu.memory_space<vmem_shared>>) target_semaphore(%run_scoped3A : memref<!tpu.dma_semaphore, #tpu.memory_space<semaphore_mem>>)
        %dma_wait3A_166 = arith.constant 0 : i32
        %dma_wait3A_167 = arith.constant 0 : i32
        %dma_wait3A_168 = tpu.memref_slice %arg11[%dma_wait3A_166, %dma_wait3A_167] : memref<96x128xf32, #tpu.memory_space<vmem>> -> memref<16x128xf32, #tpu.memory_space<vmem>>
        %dma_wait3A_169 = arith.constant 9984 : i32
        %dma_wait3A_170 = arith.constant 0 : i32
        %dma_wait3A_171 = tpu.memref_slice %arg6[%dma_wait3A_169, %dma_wait3A_170] : memref<10000x128xf32, #tpu.memory_space<vmem_shared>> -> memref<16x128xf32, #tpu.memory_space<vmem_shared>>
        %dma_wait3A_172 = arith.constant 9984 : i32
        %dma_wait3A_173 = arith.constant 0 : i32
        %dma_wait3A_174 = tpu.memref_slice %arg6[%dma_wait3A_172, %dma_wait3A_173] : memref<10000x128xf32, #tpu.memory_space<vmem_shared>> -> memref<16x128xf32, #tpu.memory_space<vmem_shared>>
        %dma_wait3A_175 = arith.constant 0 : i32
        %dma_wait3A_176 = arith.constant 0 : i32
        %dma_wait3A_177 = tpu.memref_slice %arg11[%dma_wait3A_175, %dma_wait3A_176] : memref<96x128xf32, #tpu.memory_space<vmem>> -> memref<16x128xf32, #tpu.memory_space<vmem>>
        tpu.wait_dma2 semaphore(%run_scoped3A : memref<!tpu.dma_semaphore, #tpu.memory_space<semaphore_mem>>) src(%dma_wait3A_177 : memref<16x128xf32, #tpu.memory_space<vmem>>) dst(%dma_wait3A_174 : memref<16x128xf32, #tpu.memory_space<vmem_shared>>)
        tpu.yield
      }) : () -> ()
    } else {
    }
    %dma_wait3A = tpu.memref_slice %arg3[%mul3A_2] : memref<320000xi32, #tpu.memory_space<hbm>> -> memref<10000xi32, #tpu.memory_space<hbm>>
    %dma_wait3A_64 = tpu.memref_slice %arg3[%mul3A_2] : memref<320000xi32, #tpu.memory_space<hbm>> -> memref<10000xi32, #tpu.memory_space<hbm>>
    tpu.wait_dma2 semaphore(%arg16 : memref<!tpu.dma_semaphore, #tpu.memory_space<semaphore_mem>>) src(%dma_wait3A_64 : memref<10000xi32, #tpu.memory_space<hbm>>) dst(%arg7 : memref<10000xi32, #tpu.memory_space<vmem>>)
    %add3A_65 = arith.constant 9984 : i32
    %add3A_66 = arith.addi %mul3A_2, %add3A_65 : i32
    %dma_start3A_67 = arith.constant 9984 : i32
    %dma_start3A_68 = tpu.memref_slice %arg7[%dma_start3A_67] : memref<10000xi32, #tpu.memory_space<vmem>> -> memref<16xi32, #tpu.memory_space<vmem>>
    %dma_start3A_69 = arith.constant 0 : i32
    %dma_start3A_70 = arith.constant 0 : i32
    %dma_start3A_71 = tpu.memref_slice %arg2[%dma_start3A_69, %dma_start3A_70] : memref<10000x128xf32, #tpu.memory_space<hbm>> -> memref<10000x128xf32, #tpu.memory_space<hbm>>
    tpu.enqueue_indirect_dma source(%dma_start3A_71 : memref<10000x128xf32, #tpu.memory_space<hbm>>) target(%arg15 : memref<16x128xf32, #tpu.memory_space<vmem>>) offsets(%dma_start3A_68 : memref<16xi32, #tpu.memory_space<vmem>>) semaphore(%arg25 : memref<!tpu.dma_semaphore, #tpu.memory_space<semaphore_mem>>)
    %dma_start3A_72 = tpu.memref_slice %arg4[%add3A_66] : memref<320000xi32, #tpu.memory_space<hbm>> -> memref<16xi32, #tpu.memory_space<hbm>>
    %dma_start3A_73 = tpu.memref_slice %arg4[%add3A_66] : memref<320000xi32, #tpu.memory_space<hbm>> -> memref<16xi32, #tpu.memory_space<hbm>>
    tpu.enqueue_dma source(%dma_start3A_73 : memref<16xi32, #tpu.memory_space<hbm>>) target(%arg14 : memref<16xi32, #tpu.memory_space<vmem>>) target_semaphore(%arg26 : memref<!tpu.dma_semaphore, #tpu.memory_space<semaphore_mem>>)
    %dma_start3A_74 = arith.constant 0 : i32
    %dma_start3A_75 = tpu.memref_slice %arg7[%dma_start3A_74] : memref<10000xi32, #tpu.memory_space<vmem>> -> memref<96xi32, #tpu.memory_space<vmem>>
    %dma_start3A_76 = arith.constant 0 : i32
    %dma_start3A_77 = arith.constant 0 : i32
    %dma_start3A_78 = tpu.memref_slice %arg2[%dma_start3A_76, %dma_start3A_77] : memref<10000x128xf32, #tpu.memory_space<hbm>> -> memref<10000x128xf32, #tpu.memory_space<hbm>>
    tpu.enqueue_indirect_dma source(%dma_start3A_78 : memref<10000x128xf32, #tpu.memory_space<hbm>>) target(%arg11 : memref<96x128xf32, #tpu.memory_space<vmem>>) offsets(%dma_start3A_75 : memref<96xi32, #tpu.memory_space<vmem>>) semaphore(%arg16 : memref<!tpu.dma_semaphore, #tpu.memory_space<semaphore_mem>>)
    %add3A_79 = arith.constant 0 : i32
    %add3A_80 = arith.addi %mul3A_2, %add3A_79 : i32
    %dma_start3A_81 = tpu.memref_slice %arg4[%add3A_80] : memref<320000xi32, #tpu.memory_space<hbm>> -> memref<96xi32, #tpu.memory_space<hbm>>
    %dma_start3A_82 = tpu.memref_slice %arg4[%add3A_80] : memref<320000xi32, #tpu.memory_space<hbm>> -> memref<96xi32, #tpu.memory_space<hbm>>
    tpu.enqueue_dma source(%dma_start3A_82 : memref<96xi32, #tpu.memory_space<hbm>>) target(%arg8 : memref<96xi32, #tpu.memory_space<vmem>>) target_semaphore(%arg19 : memref<!tpu.dma_semaphore, #tpu.memory_space<semaphore_mem>>)
    %dma_start3A_83 = arith.constant 96 : i32
    %dma_start3A_84 = tpu.memref_slice %arg7[%dma_start3A_83] : memref<10000xi32, #tpu.memory_space<vmem>> -> memref<96xi32, #tpu.memory_space<vmem>>
    %dma_start3A_85 = arith.constant 0 : i32
    %dma_start3A_86 = arith.constant 0 : i32
    %dma_start3A_87 = tpu.memref_slice %arg2[%dma_start3A_85, %dma_start3A_86] : memref<10000x128xf32, #tpu.memory_space<hbm>> -> memref<10000x128xf32, #tpu.memory_space<hbm>>
    tpu.enqueue_indirect_dma source(%dma_start3A_87 : memref<10000x128xf32, #tpu.memory_space<hbm>>) target(%arg12 : memref<96x128xf32, #tpu.memory_space<vmem>>) offsets(%dma_start3A_84 : memref<96xi32, #tpu.memory_space<vmem>>) semaphore(%arg17 : memref<!tpu.dma_semaphore, #tpu.memory_space<semaphore_mem>>)
    %add3A_88 = arith.constant 96 : i32
    %add3A_89 = arith.addi %mul3A_2, %add3A_88 : i32
    %dma_start3A_90 = tpu.memref_slice %arg4[%add3A_89] : memref<320000xi32, #tpu.memory_space<hbm>> -> memref<96xi32, #tpu.memory_space<hbm>>
    %dma_start3A_91 = tpu.memref_slice %arg4[%add3A_89] : memref<320000xi32, #tpu.memory_space<hbm>> -> memref<96xi32, #tpu.memory_space<hbm>>
    tpu.enqueue_dma source(%dma_start3A_91 : memref<96xi32, #tpu.memory_space<hbm>>) target(%arg9 : memref<96xi32, #tpu.memory_space<vmem>>) target_semaphore(%arg20 : memref<!tpu.dma_semaphore, #tpu.memory_space<semaphore_mem>>)
    %barrier3A = arith.constant 0 : index
    tpu.barrier barrier_id(%barrier3A)
    %scan3A_92 = arith.constant 0 : i32
    %scan3A_93 = arith.constant 0 : i32
    %scan3A_94 = arith.constant 34 : i32
    %scan3A_95 = arith.addi %scan3A_93, %scan3A_94 : i32
    %scan3A_96 = arith.constant 1 : i32
    scf.for %scan3A_154 = %scan3A_93 to %scan3A_95 step %scan3A_96  : i32 {
      %mul3A_155 = arith.constant 3 : i32
      %mul3A_156 = arith.muli %mul3A_155, %scan3A_154 : i32
      %add3A_157 = arith.constant 0 : i32
      %add3A_158 = arith.addi %mul3A_156, %add3A_157 : i32
      %mul3A_159 = arith.constant 96 : i32
      %mul3A_160 = arith.muli %add3A_158, %mul3A_159 : i32
      %dma_wait3A_161 = tpu.memref_slice %arg7[%mul3A_160] : memref<10000xi32, #tpu.memory_space<vmem>> -> memref<96xi32, #tpu.memory_space<vmem>>
      %dma_wait3A_162 = arith.constant 0 : i32
      %dma_wait3A_163 = arith.constant 0 : i32
      %dma_wait3A_164 = tpu.memref_slice %arg2[%dma_wait3A_162, %dma_wait3A_163] : memref<10000x128xf32, #tpu.memory_space<hbm>> -> memref<10000x128xf32, #tpu.memory_space<hbm>>
      tpu.wait_indirect_dma semaphore(%arg16 : memref<!tpu.dma_semaphore, #tpu.memory_space<semaphore_mem>>) src(%dma_wait3A_164 : memref<10000x128xf32, #tpu.memory_space<hbm>>) dst(%arg11 : memref<96x128xf32, #tpu.memory_space<vmem>>)
      %mul3A_165 = arith.constant 96 : i32
      %mul3A_166 = arith.muli %add3A_158, %mul3A_165 : i32
      %add3A_167 = arith.addi %mul3A_2, %mul3A_166 : i32
      %dma_wait3A_168 = tpu.memref_slice %arg4[%add3A_167] : memref<320000xi32, #tpu.memory_space<hbm>> -> memref<96xi32, #tpu.memory_space<hbm>>
      %dma_wait3A_169 = tpu.memref_slice %arg4[%add3A_167] : memref<320000xi32, #tpu.memory_space<hbm>> -> memref<96xi32, #tpu.memory_space<hbm>>
      tpu.wait_dma2 semaphore(%arg19 : memref<!tpu.dma_semaphore, #tpu.memory_space<semaphore_mem>>) src(%dma_wait3A_169 : memref<96xi32, #tpu.memory_space<hbm>>) dst(%arg8 : memref<96xi32, #tpu.memory_space<vmem>>)
      %dma_start3A_170 = arith.constant 0 : i32
      %dma_start3A_171 = arith.constant 0 : i32
      %dma_start3A_172 = tpu.memref_slice %arg6[%dma_start3A_170, %dma_start3A_171] : memref<10000x128xf32, #tpu.memory_space<vmem_shared>> -> memref<10000x128xf32, #tpu.memory_space<vmem_shared>>
      tpu.enqueue_indirect_dma source(%arg11 : memref<96x128xf32, #tpu.memory_space<vmem>>) target(%dma_start3A_172 : memref<10000x128xf32, #tpu.memory_space<vmem_shared>>) offsets(%arg8 : memref<96xi32, #tpu.memory_space<vmem>>) semaphore(%arg22 : memref<!tpu.dma_semaphore, #tpu.memory_space<semaphore_mem>>) {add = true}
      %gt3A = arith.constant 0 : i32
      %gt3A_173 = arith.cmpi sgt, %scan3A_154, %gt3A : i32
      %convert_element_type3A_174 = arith.extui %gt3A_173 : i1 to i32
      %cond3A_175 = arith.constant 0 : i32
      %cond3A_176 = arith.cmpi ne, %convert_element_type3A_174, %cond3A_175 : i32
      scf.if %cond3A_176 {
        %dma_wait3A_258 = arith.constant 0 : i32
        %dma_wait3A_259 = arith.constant 0 : i32
        %dma_wait3A_260 = tpu.memref_slice %arg6[%dma_wait3A_258, %dma_wait3A_259] : memref<10000x128xf32, #tpu.memory_space<vmem_shared>> -> memref<10000x128xf32, #tpu.memory_space<vmem_shared>>
        tpu.wait_indirect_dma semaphore(%arg24 : memref<!tpu.dma_semaphore, #tpu.memory_space<semaphore_mem>>) src(%arg13 : memref<96x128xf32, #tpu.memory_space<vmem>>) dst(%dma_wait3A_260 : memref<10000x128xf32, #tpu.memory_space<vmem_shared>>)
      } else {
      }
      %add3A_177 = arith.constant 2 : i32
      %add3A_178 = arith.addi %add3A_158, %add3A_177 : i32
      %mul3A_179 = arith.constant 96 : i32
      %mul3A_180 = arith.muli %add3A_178, %mul3A_179 : i32
      %dma_start3A_181 = tpu.memref_slice %arg7[%mul3A_180] : memref<10000xi32, #tpu.memory_space<vmem>> -> memref<96xi32, #tpu.memory_space<vmem>>
      %dma_start3A_182 = arith.constant 0 : i32
      %dma_start3A_183 = arith.constant 0 : i32
      %dma_start3A_184 = tpu.memref_slice %arg2[%dma_start3A_182, %dma_start3A_183] : memref<10000x128xf32, #tpu.memory_space<hbm>> -> memref<10000x128xf32, #tpu.memory_space<hbm>>
      tpu.enqueue_indirect_dma source(%dma_start3A_184 : memref<10000x128xf32, #tpu.memory_space<hbm>>) target(%arg13 : memref<96x128xf32, #tpu.memory_space<vmem>>) offsets(%dma_start3A_181 : memref<96xi32, #tpu.memory_space<vmem>>) semaphore(%arg18 : memref<!tpu.dma_semaphore, #tpu.memory_space<semaphore_mem>>)
      %mul3A_185 = arith.constant 96 : i32
      %mul3A_186 = arith.muli %add3A_178, %mul3A_185 : i32
      %add3A_187 = arith.addi %mul3A_2, %mul3A_186 : i32
      %dma_start3A_188 = tpu.memref_slice %arg4[%add3A_187] : memref<320000xi32, #tpu.memory_space<hbm>> -> memref<96xi32, #tpu.memory_space<hbm>>
      %dma_start3A_189 = tpu.memref_slice %arg4[%add3A_187] : memref<320000xi32, #tpu.memory_space<hbm>> -> memref<96xi32, #tpu.memory_space<hbm>>
      tpu.enqueue_dma source(%dma_start3A_189 : memref<96xi32, #tpu.memory_space<hbm>>) target(%arg10 : memref<96xi32, #tpu.memory_space<vmem>>) target_semaphore(%arg21 : memref<!tpu.dma_semaphore, #tpu.memory_space<semaphore_mem>>)
      %mul3A_190 = arith.constant 3 : i32
      %mul3A_191 = arith.muli %mul3A_190, %scan3A_154 : i32
      %add3A_192 = arith.constant 1 : i32
      %add3A_193 = arith.addi %mul3A_191, %add3A_192 : i32
      %mul3A_194 = arith.constant 96 : i32
      %mul3A_195 = arith.muli %add3A_193, %mul3A_194 : i32
      %dma_wait3A_196 = tpu.memref_slice %arg7[%mul3A_195] : memref<10000xi32, #tpu.memory_space<vmem>> -> memref<96xi32, #tpu.memory_space<vmem>>
      %dma_wait3A_197 = arith.constant 0 : i32
      %dma_wait3A_198 = arith.constant 0 : i32
      %dma_wait3A_199 = tpu.memref_slice %arg2[%dma_wait3A_197, %dma_wait3A_198] : memref<10000x128xf32, #tpu.memory_space<hbm>> -> memref<10000x128xf32, #tpu.memory_space<hbm>>
      tpu.wait_indirect_dma semaphore(%arg17 : memref<!tpu.dma_semaphore, #tpu.memory_space<semaphore_mem>>) src(%dma_wait3A_199 : memref<10000x128xf32, #tpu.memory_space<hbm>>) dst(%arg12 : memref<96x128xf32, #tpu.memory_space<vmem>>)
      %mul3A_200 = arith.constant 96 : i32
      %mul3A_201 = arith.muli %add3A_193, %mul3A_200 : i32
      %add3A_202 = arith.addi %mul3A_2, %mul3A_201 : i32
      %dma_wait3A_203 = tpu.memref_slice %arg4[%add3A_202] : memref<320000xi32, #tpu.memory_space<hbm>> -> memref<96xi32, #tpu.memory_space<hbm>>
      %dma_wait3A_204 = tpu.memref_slice %arg4[%add3A_202] : memref<320000xi32, #tpu.memory_space<hbm>> -> memref<96xi32, #tpu.memory_space<hbm>>
      tpu.wait_dma2 semaphore(%arg20 : memref<!tpu.dma_semaphore, #tpu.memory_space<semaphore_mem>>) src(%dma_wait3A_204 : memref<96xi32, #tpu.memory_space<hbm>>) dst(%arg9 : memref<96xi32, #tpu.memory_space<vmem>>)
      %dma_start3A_205 = arith.constant 0 : i32
      %dma_start3A_206 = arith.constant 0 : i32
      %dma_start3A_207 = tpu.memref_slice %arg6[%dma_start3A_205, %dma_start3A_206] : memref<10000x128xf32, #tpu.memory_space<vmem_shared>> -> memref<10000x128xf32, #tpu.memory_space<vmem_shared>>
      tpu.enqueue_indirect_dma source(%arg12 : memref<96x128xf32, #tpu.memory_space<vmem>>) target(%dma_start3A_207 : memref<10000x128xf32, #tpu.memory_space<vmem_shared>>) offsets(%arg9 : memref<96xi32, #tpu.memory_space<vmem>>) semaphore(%arg23 : memref<!tpu.dma_semaphore, #tpu.memory_space<semaphore_mem>>) {add = true}
      %dma_wait3A_208 = arith.constant 0 : i32
      %dma_wait3A_209 = arith.constant 0 : i32
      %dma_wait3A_210 = tpu.memref_slice %arg6[%dma_wait3A_208, %dma_wait3A_209] : memref<10000x128xf32, #tpu.memory_space<vmem_shared>> -> memref<10000x128xf32, #tpu.memory_space<vmem_shared>>
      tpu.wait_indirect_dma semaphore(%arg22 : memref<!tpu.dma_semaphore, #tpu.memory_space<semaphore_mem>>) src(%arg11 : memref<96x128xf32, #tpu.memory_space<vmem>>) dst(%dma_wait3A_210 : memref<10000x128xf32, #tpu.memory_space<vmem_shared>>)
      %add3A_211 = arith.constant 2 : i32
      %add3A_212 = arith.addi %add3A_193, %add3A_211 : i32
      %mul3A_213 = arith.constant 96 : i32
      %mul3A_214 = arith.muli %add3A_212, %mul3A_213 : i32
      %dma_start3A_215 = tpu.memref_slice %arg7[%mul3A_214] : memref<10000xi32, #tpu.memory_space<vmem>> -> memref<96xi32, #tpu.memory_space<vmem>>
      %dma_start3A_216 = arith.constant 0 : i32
      %dma_start3A_217 = arith.constant 0 : i32
      %dma_start3A_218 = tpu.memref_slice %arg2[%dma_start3A_216, %dma_start3A_217] : memref<10000x128xf32, #tpu.memory_space<hbm>> -> memref<10000x128xf32, #tpu.memory_space<hbm>>
      tpu.enqueue_indirect_dma source(%dma_start3A_218 : memref<10000x128xf32, #tpu.memory_space<hbm>>) target(%arg11 : memref<96x128xf32, #tpu.memory_space<vmem>>) offsets(%dma_start3A_215 : memref<96xi32, #tpu.memory_space<vmem>>) semaphore(%arg16 : memref<!tpu.dma_semaphore, #tpu.memory_space<semaphore_mem>>)
      %mul3A_219 = arith.constant 96 : i32
      %mul3A_220 = arith.muli %add3A_212, %mul3A_219 : i32
      %add3A_221 = arith.addi %mul3A_2, %mul3A_220 : i32
      %dma_start3A_222 = tpu.memref_slice %arg4[%add3A_221] : memref<320000xi32, #tpu.memory_space<hbm>> -> memref<96xi32, #tpu.memory_space<hbm>>
      %dma_start3A_223 = tpu.memref_slice %arg4[%add3A_221] : memref<320000xi32, #tpu.memory_space<hbm>> -> memref<96xi32, #tpu.memory_space<hbm>>
      tpu.enqueue_dma source(%dma_start3A_223 : memref<96xi32, #tpu.memory_space<hbm>>) target(%arg8 : memref<96xi32, #tpu.memory_space<vmem>>) target_semaphore(%arg19 : memref<!tpu.dma_semaphore, #tpu.memory_space<semaphore_mem>>)
      %mul3A_224 = arith.constant 3 : i32
      %mul3A_225 = arith.muli %mul3A_224, %scan3A_154 : i32
      %add3A_226 = arith.constant 2 : i32
      %add3A_227 = arith.addi %mul3A_225, %add3A_226 : i32
      %mul3A_228 = arith.constant 96 : i32
      %mul3A_229 = arith.muli %add3A_227, %mul3A_228 : i32
      %dma_wait3A_230 = tpu.memref_slice %arg7[%mul3A_229] : memref<10000xi32, #tpu.memory_space<vmem>> -> memref<96xi32, #tpu.memory_space<vmem>>
      %dma_wait3A_231 = arith.constant 0 : i32
      %dma_wait3A_232 = arith.constant 0 : i32
      %dma_wait3A_233 = tpu.memref_slice %arg2[%dma_wait3A_231, %dma_wait3A_232] : memref<10000x128xf32, #tpu.memory_space<hbm>> -> memref<10000x128xf32, #tpu.memory_space<hbm>>
      tpu.wait_indirect_dma semaphore(%arg18 : memref<!tpu.dma_semaphore, #tpu.memory_space<semaphore_mem>>) src(%dma_wait3A_233 : memref<10000x128xf32, #tpu.memory_space<hbm>>) dst(%arg13 : memref<96x128xf32, #tpu.memory_space<vmem>>)
      %mul3A_234 = arith.constant 96 : i32
      %mul3A_235 = arith.muli %add3A_227, %mul3A_234 : i32
      %add3A_236 = arith.addi %mul3A_2, %mul3A_235 : i32
      %dma_wait3A_237 = tpu.memref_slice %arg4[%add3A_236] : memref<320000xi32, #tpu.memory_space<hbm>> -> memref<96xi32, #tpu.memory_space<hbm>>
      %dma_wait3A_238 = tpu.memref_slice %arg4[%add3A_236] : memref<320000xi32, #tpu.memory_space<hbm>> -> memref<96xi32, #tpu.memory_space<hbm>>
      tpu.wait_dma2 semaphore(%arg21 : memref<!tpu.dma_semaphore, #tpu.memory_space<semaphore_mem>>) src(%dma_wait3A_238 : memref<96xi32, #tpu.memory_space<hbm>>) dst(%arg10 : memref<96xi32, #tpu.memory_space<vmem>>)
      %dma_start3A_239 = arith.constant 0 : i32
      %dma_start3A_240 = arith.constant 0 : i32
      %dma_start3A_241 = tpu.memref_slice %arg6[%dma_start3A_239, %dma_start3A_240] : memref<10000x128xf32, #tpu.memory_space<vmem_shared>> -> memref<10000x128xf32, #tpu.memory_space<vmem_shared>>
      tpu.enqueue_indirect_dma source(%arg13 : memref<96x128xf32, #tpu.memory_space<vmem>>) target(%dma_start3A_241 : memref<10000x128xf32, #tpu.memory_space<vmem_shared>>) offsets(%arg10 : memref<96xi32, #tpu.memory_space<vmem>>) semaphore(%arg24 : memref<!tpu.dma_semaphore, #tpu.memory_space<semaphore_mem>>) {add = true}
      %dma_wait3A_242 = arith.constant 0 : i32
      %dma_wait3A_243 = arith.constant 0 : i32
      %dma_wait3A_244 = tpu.memref_slice %arg6[%dma_wait3A_242, %dma_wait3A_243] : memref<10000x128xf32, #tpu.memory_space<vmem_shared>> -> memref<10000x128xf32, #tpu.memory_space<vmem_shared>>
      tpu.wait_indirect_dma semaphore(%arg23 : memref<!tpu.dma_semaphore, #tpu.memory_space<semaphore_mem>>) src(%arg12 : memref<96x128xf32, #tpu.memory_space<vmem>>) dst(%dma_wait3A_244 : memref<10000x128xf32, #tpu.memory_space<vmem_shared>>)
      %add3A_245 = arith.constant 2 : i32
      %add3A_246 = arith.addi %add3A_227, %add3A_245 : i32
      %mul3A_247 = arith.constant 96 : i32
      %mul3A_248 = arith.muli %add3A_246, %mul3A_247 : i32
      %dma_start3A_249 = tpu.memref_slice %arg7[%mul3A_248] : memref<10000xi32, #tpu.memory_space<vmem>> -> memref<96xi32, #tpu.memory_space<vmem>>
      %dma_start3A_250 = arith.constant 0 : i32
      %dma_start3A_251 = arith.constant 0 : i32
      %dma_start3A_252 = tpu.memref_slice %arg2[%dma_start3A_250, %dma_start3A_251] : memref<10000x128xf32, #tpu.memory_space<hbm>> -> memref<10000x128xf32, #tpu.memory_space<hbm>>
      tpu.enqueue_indirect_dma source(%dma_start3A_252 : memref<10000x128xf32, #tpu.memory_space<hbm>>) target(%arg12 : memref<96x128xf32, #tpu.memory_space<vmem>>) offsets(%dma_start3A_249 : memref<96xi32, #tpu.memory_space<vmem>>) semaphore(%arg17 : memref<!tpu.dma_semaphore, #tpu.memory_space<semaphore_mem>>)
      %mul3A_253 = arith.constant 96 : i32
      %mul3A_254 = arith.muli %add3A_246, %mul3A_253 : i32
      %add3A_255 = arith.addi %mul3A_2, %mul3A_254 : i32
      %dma_start3A_256 = tpu.memref_slice %arg4[%add3A_255] : memref<320000xi32, #tpu.memory_space<hbm>> -> memref<96xi32, #tpu.memory_space<hbm>>
      %dma_start3A_257 = tpu.memref_slice %arg4[%add3A_255] : memref<320000xi32, #tpu.memory_space<hbm>> -> memref<96xi32, #tpu.memory_space<hbm>>
      tpu.enqueue_dma source(%dma_start3A_257 : memref<96xi32, #tpu.memory_space<hbm>>) target(%arg9 : memref<96xi32, #tpu.memory_space<vmem>>) target_semaphore(%arg20 : memref<!tpu.dma_semaphore, #tpu.memory_space<semaphore_mem>>)
    }
    %scan3A_97 = arith.constant 34 : i32
    %dma_wait3A_98 = arith.constant 9792 : i32
    %dma_wait3A_99 = tpu.memref_slice %arg7[%dma_wait3A_98] : memref<10000xi32, #tpu.memory_space<vmem>> -> memref<96xi32, #tpu.memory_space<vmem>>
    %dma_wait3A_100 = arith.constant 0 : i32
    %dma_wait3A_101 = arith.constant 0 : i32
    %dma_wait3A_102 = tpu.memref_slice %arg2[%dma_wait3A_100, %dma_wait3A_101] : memref<10000x128xf32, #tpu.memory_space<hbm>> -> memref<10000x128xf32, #tpu.memory_space<hbm>>
    tpu.wait_indirect_dma semaphore(%arg16 : memref<!tpu.dma_semaphore, #tpu.memory_space<semaphore_mem>>) src(%dma_wait3A_102 : memref<10000x128xf32, #tpu.memory_space<hbm>>) dst(%arg11 : memref<96x128xf32, #tpu.memory_space<vmem>>)
    %add3A_103 = arith.constant 9792 : i32
    %add3A_104 = arith.addi %mul3A_2, %add3A_103 : i32
    %dma_wait3A_105 = tpu.memref_slice %arg4[%add3A_104] : memref<320000xi32, #tpu.memory_space<hbm>> -> memref<96xi32, #tpu.memory_space<hbm>>
    %dma_wait3A_106 = tpu.memref_slice %arg4[%add3A_104] : memref<320000xi32, #tpu.memory_space<hbm>> -> memref<96xi32, #tpu.memory_space<hbm>>
    tpu.wait_dma2 semaphore(%arg19 : memref<!tpu.dma_semaphore, #tpu.memory_space<semaphore_mem>>) src(%dma_wait3A_106 : memref<96xi32, #tpu.memory_space<hbm>>) dst(%arg8 : memref<96xi32, #tpu.memory_space<vmem>>)
    %dma_start3A_107 = arith.constant 0 : i32
    %dma_start3A_108 = arith.constant 0 : i32
    %dma_start3A_109 = tpu.memref_slice %arg6[%dma_start3A_107, %dma_start3A_108] : memref<10000x128xf32, #tpu.memory_space<vmem_shared>> -> memref<10000x128xf32, #tpu.memory_space<vmem_shared>>
    tpu.enqueue_indirect_dma source(%arg11 : memref<96x128xf32, #tpu.memory_space<vmem>>) target(%dma_start3A_109 : memref<10000x128xf32, #tpu.memory_space<vmem_shared>>) offsets(%arg8 : memref<96xi32, #tpu.memory_space<vmem>>) semaphore(%arg22 : memref<!tpu.dma_semaphore, #tpu.memory_space<semaphore_mem>>) {add = true}
    %dma_wait3A_110 = arith.constant 9888 : i32
    %dma_wait3A_111 = tpu.memref_slice %arg7[%dma_wait3A_110] : memref<10000xi32, #tpu.memory_space<vmem>> -> memref<96xi32, #tpu.memory_space<vmem>>
    %dma_wait3A_112 = arith.constant 0 : i32
    %dma_wait3A_113 = arith.constant 0 : i32
    %dma_wait3A_114 = tpu.memref_slice %arg2[%dma_wait3A_112, %dma_wait3A_113] : memref<10000x128xf32, #tpu.memory_space<hbm>> -> memref<10000x128xf32, #tpu.memory_space<hbm>>
    tpu.wait_indirect_dma semaphore(%arg17 : memref<!tpu.dma_semaphore, #tpu.memory_space<semaphore_mem>>) src(%dma_wait3A_114 : memref<10000x128xf32, #tpu.memory_space<hbm>>) dst(%arg12 : memref<96x128xf32, #tpu.memory_space<vmem>>)
    %add3A_115 = arith.constant 9888 : i32
    %add3A_116 = arith.addi %mul3A_2, %add3A_115 : i32
    %dma_wait3A_117 = tpu.memref_slice %arg4[%add3A_116] : memref<320000xi32, #tpu.memory_space<hbm>> -> memref<96xi32, #tpu.memory_space<hbm>>
    %dma_wait3A_118 = tpu.memref_slice %arg4[%add3A_116] : memref<320000xi32, #tpu.memory_space<hbm>> -> memref<96xi32, #tpu.memory_space<hbm>>
    tpu.wait_dma2 semaphore(%arg20 : memref<!tpu.dma_semaphore, #tpu.memory_space<semaphore_mem>>) src(%dma_wait3A_118 : memref<96xi32, #tpu.memory_space<hbm>>) dst(%arg9 : memref<96xi32, #tpu.memory_space<vmem>>)
    %dma_start3A_119 = arith.constant 0 : i32
    %dma_start3A_120 = arith.constant 0 : i32
    %dma_start3A_121 = tpu.memref_slice %arg6[%dma_start3A_119, %dma_start3A_120] : memref<10000x128xf32, #tpu.memory_space<vmem_shared>> -> memref<10000x128xf32, #tpu.memory_space<vmem_shared>>
    tpu.enqueue_indirect_dma source(%arg12 : memref<96x128xf32, #tpu.memory_space<vmem>>) target(%dma_start3A_121 : memref<10000x128xf32, #tpu.memory_space<vmem_shared>>) offsets(%arg9 : memref<96xi32, #tpu.memory_space<vmem>>) semaphore(%arg23 : memref<!tpu.dma_semaphore, #tpu.memory_space<semaphore_mem>>) {add = true}
    %dma_wait3A_122 = arith.constant 9984 : i32
    %dma_wait3A_123 = tpu.memref_slice %arg7[%dma_wait3A_122] : memref<10000xi32, #tpu.memory_space<vmem>> -> memref<16xi32, #tpu.memory_space<vmem>>
    %dma_wait3A_124 = arith.constant 0 : i32
    %dma_wait3A_125 = arith.constant 0 : i32
    %dma_wait3A_126 = tpu.memref_slice %arg2[%dma_wait3A_124, %dma_wait3A_125] : memref<10000x128xf32, #tpu.memory_space<hbm>> -> memref<10000x128xf32, #tpu.memory_space<hbm>>
    tpu.wait_indirect_dma semaphore(%arg25 : memref<!tpu.dma_semaphore, #tpu.memory_space<semaphore_mem>>) src(%dma_wait3A_126 : memref<10000x128xf32, #tpu.memory_space<hbm>>) dst(%arg15 : memref<16x128xf32, #tpu.memory_space<vmem>>)
    %dma_wait3A_127 = tpu.memref_slice %arg4[%add3A_66] : memref<320000xi32, #tpu.memory_space<hbm>> -> memref<16xi32, #tpu.memory_space<hbm>>
    %dma_wait3A_128 = tpu.memref_slice %arg4[%add3A_66] : memref<320000xi32, #tpu.memory_space<hbm>> -> memref<16xi32, #tpu.memory_space<hbm>>
    tpu.wait_dma2 semaphore(%arg26 : memref<!tpu.dma_semaphore, #tpu.memory_space<semaphore_mem>>) src(%dma_wait3A_128 : memref<16xi32, #tpu.memory_space<hbm>>) dst(%arg14 : memref<16xi32, #tpu.memory_space<vmem>>)
    %dma_start3A_129 = arith.constant 0 : i32
    %dma_start3A_130 = arith.constant 0 : i32
    %dma_start3A_131 = tpu.memref_slice %arg6[%dma_start3A_129, %dma_start3A_130] : memref<10000x128xf32, #tpu.memory_space<vmem_shared>> -> memref<10000x128xf32, #tpu.memory_space<vmem_shared>>
    tpu.enqueue_indirect_dma source(%arg15 : memref<16x128xf32, #tpu.memory_space<vmem>>) target(%dma_start3A_131 : memref<10000x128xf32, #tpu.memory_space<vmem_shared>>) offsets(%arg14 : memref<16xi32, #tpu.memory_space<vmem>>) semaphore(%arg27 : memref<!tpu.dma_semaphore, #tpu.memory_space<semaphore_mem>>) {add = true}
    %dma_wait3A_132 = arith.constant 0 : i32
    %dma_wait3A_133 = arith.constant 0 : i32
    %dma_wait3A_134 = tpu.memref_slice %arg6[%dma_wait3A_132, %dma_wait3A_133] : memref<10000x128xf32, #tpu.memory_space<vmem_shared>> -> memref<10000x128xf32, #tpu.memory_space<vmem_shared>>
    tpu.wait_indirect_dma semaphore(%arg22 : memref<!tpu.dma_semaphore, #tpu.memory_space<semaphore_mem>>) src(%arg11 : memref<96x128xf32, #tpu.memory_space<vmem>>) dst(%dma_wait3A_134 : memref<10000x128xf32, #tpu.memory_space<vmem_shared>>)
    %dma_wait3A_135 = arith.constant 0 : i32
    %dma_wait3A_136 = arith.constant 0 : i32
    %dma_wait3A_137 = tpu.memref_slice %arg6[%dma_wait3A_135, %dma_wait3A_136] : memref<10000x128xf32, #tpu.memory_space<vmem_shared>> -> memref<10000x128xf32, #tpu.memory_space<vmem_shared>>
    tpu.wait_indirect_dma semaphore(%arg23 : memref<!tpu.dma_semaphore, #tpu.memory_space<semaphore_mem>>) src(%arg12 : memref<96x128xf32, #tpu.memory_space<vmem>>) dst(%dma_wait3A_137 : memref<10000x128xf32, #tpu.memory_space<vmem_shared>>)
    %dma_wait3A_138 = arith.constant 0 : i32
    %dma_wait3A_139 = arith.constant 0 : i32
    %dma_wait3A_140 = tpu.memref_slice %arg6[%dma_wait3A_138, %dma_wait3A_139] : memref<10000x128xf32, #tpu.memory_space<vmem_shared>> -> memref<10000x128xf32, #tpu.memory_space<vmem_shared>>
    tpu.wait_indirect_dma semaphore(%arg24 : memref<!tpu.dma_semaphore, #tpu.memory_space<semaphore_mem>>) src(%arg13 : memref<96x128xf32, #tpu.memory_space<vmem>>) dst(%dma_wait3A_140 : memref<10000x128xf32, #tpu.memory_space<vmem_shared>>)
    %dma_wait3A_141 = arith.constant 0 : i32
    %dma_wait3A_142 = arith.constant 0 : i32
    %dma_wait3A_143 = tpu.memref_slice %arg6[%dma_wait3A_141, %dma_wait3A_142] : memref<10000x128xf32, #tpu.memory_space<vmem_shared>> -> memref<10000x128xf32, #tpu.memory_space<vmem_shared>>
    tpu.wait_indirect_dma semaphore(%arg27 : memref<!tpu.dma_semaphore, #tpu.memory_space<semaphore_mem>>) src(%arg15 : memref<16x128xf32, #tpu.memory_space<vmem>>) dst(%dma_wait3A_143 : memref<10000x128xf32, #tpu.memory_space<vmem_shared>>)
    %barrier3A_144 = arith.constant 0 : index
    tpu.barrier barrier_id(%barrier3A_144)
    %mul3A_145 = arith.constant 624 : i32
    %mul3A_146 = arith.muli %arg1, %mul3A_145 : i32
    %mul3A_147 = arith.constant 624 : i32
    %mul3A_148 = arith.muli %arg1, %mul3A_147 : i32
    "tpu.region"() ({
      %run_scoped3A = tpu.sem_alloc : memref<!tpu.dma_semaphore, #tpu.memory_space<semaphore_mem>>
      %dma_start3A_154 = arith.constant 0 : i32
      %dma_start3A_155 = tpu.memref_slice %arg5[%arg0, %mul3A_148, %dma_start3A_154] : memref<2x10000x128xf32, #tpu.memory_space<hbm>> -> memref<1x624x128xf32, #tpu.memory_space<hbm>>
      %dma_start3A_156 = tpu.memref_squeeze %dma_start3A_155 : memref<1x624x128xf32, #tpu.memory_space<hbm>> -> memref<624x128xf32, #tpu.memory_space<hbm>>
      %dma_start3A_157 = arith.constant 0 : i32
      %dma_start3A_158 = tpu.memref_slice %arg6[%mul3A_146, %dma_start3A_157] : memref<10000x128xf32, #tpu.memory_space<vmem_shared>> -> memref<624x128xf32, #tpu.memory_space<vmem_shared>>
      tpu.enqueue_dma source(%dma_start3A_158 : memref<624x128xf32, #tpu.memory_space<vmem_shared>>) target(%dma_start3A_156 : memref<624x128xf32, #tpu.memory_space<hbm>>) target_semaphore(%run_scoped3A : memref<!tpu.dma_semaphore, #tpu.memory_space<semaphore_mem>>)
      %dma_wait3A_159 = arith.constant 0 : i32
      %dma_wait3A_160 = tpu.memref_slice %arg5[%arg0, %mul3A_148, %dma_wait3A_159] : memref<2x10000x128xf32, #tpu.memory_space<hbm>> -> memref<1x624x128xf32, #tpu.memory_space<hbm>>
      %dma_wait3A_161 = tpu.memref_squeeze %dma_wait3A_160 : memref<1x624x128xf32, #tpu.memory_space<hbm>> -> memref<624x128xf32, #tpu.memory_space<hbm>>
      %dma_wait3A_162 = arith.constant 0 : i32
      %dma_wait3A_163 = tpu.memref_slice %arg6[%mul3A_146, %dma_wait3A_162] : memref<10000x128xf32, #tpu.memory_space<vmem_shared>> -> memref<624x128xf32, #tpu.memory_space<vmem_shared>>
      tpu.wait_dma2 semaphore(%run_scoped3A : memref<!tpu.dma_semaphore, #tpu.memory_space<semaphore_mem>>) src(%dma_wait3A_163 : memref<624x128xf32, #tpu.memory_space<vmem_shared>>) dst(%dma_wait3A_161 : memref<624x128xf32, #tpu.memory_space<hbm>>)
      tpu.yield
    }) : () -> ()
    %eq3A_149 = arith.constant 15 : i32
    %eq3A_150 = arith.cmpi eq, %arg1, %eq3A_149 : i32
    %convert_element_type3A_151 = arith.extui %eq3A_150 : i1 to i32
    %cond3A_152 = arith.constant 0 : i32
    %cond3A_153 = arith.cmpi ne, %convert_element_type3A_151, %cond3A_152 : i32
    scf.if %cond3A_153 {
      "tpu.region"() ({
        %run_scoped3A = tpu.sem_alloc : memref<!tpu.dma_semaphore, #tpu.memory_space<semaphore_mem>>
        %dma_start3A_154 = arith.constant 9984 : i32
        %dma_start3A_155 = arith.constant 0 : i32
        %dma_start3A_156 = tpu.memref_slice %arg5[%arg0, %dma_start3A_154, %dma_start3A_155] : memref<2x10000x128xf32, #tpu.memory_space<hbm>> -> memref<1x16x128xf32, #tpu.memory_space<hbm>>
        %dma_start3A_157 = tpu.memref_squeeze %dma_start3A_156 : memref<1x16x128xf32, #tpu.memory_space<hbm>> -> memref<16x128xf32, #tpu.memory_space<hbm>>
        %dma_start3A_158 = arith.constant 9984 : i32
        %dma_start3A_159 = arith.constant 0 : i32
        %dma_start3A_160 = tpu.memref_slice %arg6[%dma_start3A_158, %dma_start3A_159] : memref<10000x128xf32, #tpu.memory_space<vmem_shared>> -> memref<16x128xf32, #tpu.memory_space<vmem_shared>>
        tpu.enqueue_dma source(%dma_start3A_160 : memref<16x128xf32, #tpu.memory_space<vmem_shared>>) target(%dma_start3A_157 : memref<16x128xf32, #tpu.memory_space<hbm>>) target_semaphore(%run_scoped3A : memref<!tpu.dma_semaphore, #tpu.memory_space<semaphore_mem>>)
        %dma_wait3A_161 = arith.constant 9984 : i32
        %dma_wait3A_162 = arith.constant 0 : i32
        %dma_wait3A_163 = tpu.memref_slice %arg5[%arg0, %dma_wait3A_161, %dma_wait3A_162] : memref<2x10000x128xf32, #tpu.memory_space<hbm>> -> memref<1x16x128xf32, #tpu.memory_space<hbm>>
        %dma_wait3A_164 = tpu.memref_squeeze %dma_wait3A_163 : memref<1x16x128xf32, #tpu.memory_space<hbm>> -> memref<16x128xf32, #tpu.memory_space<hbm>>
        %dma_wait3A_165 = arith.constant 9984 : i32
        %dma_wait3A_166 = arith.constant 0 : i32
        %dma_wait3A_167 = tpu.memref_slice %arg6[%dma_wait3A_165, %dma_wait3A_166] : memref<10000x128xf32, #tpu.memory_space<vmem_shared>> -> memref<16x128xf32, #tpu.memory_space<vmem_shared>>
        tpu.wait_dma2 semaphore(%run_scoped3A : memref<!tpu.dma_semaphore, #tpu.memory_space<semaphore_mem>>) src(%dma_wait3A_167 : memref<16x128xf32, #tpu.memory_space<vmem_shared>>) dst(%dma_wait3A_164 : memref<16x128xf32, #tpu.memory_space<hbm>>)
        tpu.yield
      }) : () -> ()
    } else {
    }
    return
  }
}

#map = affine_map<(d0, d1) -> (0, 0)>
#map1 = affine_map<(d0, d1) -> (0)>
#map2 = affine_map<(d0, d1) -> (0, 0, 0)>
module attributes {stable_mosaic.version = 14 : i64} {
  func.func @seg_kernel(%arg0: i32, %arg1: i32, %arg2: memref<10000x128xf32, #tpu.memory_space<hbm>>, %arg3: memref<320000xi32, #tpu.memory_space<hbm>>, %arg4: memref<320000xi32, #tpu.memory_space<hbm>>, %arg5: memref<2x10000x128xf32, #tpu.memory_space<hbm>>, %arg6: memref<10000x128xf32, #tpu.memory_space<vmem_shared>>, %arg7: memref<10000xi32, #tpu.memory_space<vmem>>, %arg8: memref<96xi32, #tpu.memory_space<vmem>>, %arg9: memref<96xi32, #tpu.memory_space<vmem>>, %arg10: memref<96xi32, #tpu.memory_space<vmem>>, %arg11: memref<96x128xf32, #tpu.memory_space<vmem>>, %arg12: memref<96x128xf32, #tpu.memory_space<vmem>>, %arg13: memref<96x128xf32, #tpu.memory_space<vmem>>, %arg14: memref<16xi32, #tpu.memory_space<vmem>>, %arg15: memref<16x128xf32, #tpu.memory_space<vmem>>, %arg16: memref<!tpu.dma_semaphore, #tpu.memory_space<semaphore_mem>>, %arg17: memref<!tpu.dma_semaphore, #tpu.memory_space<semaphore_mem>>, %arg18: memref<!tpu.dma_semaphore, #tpu.memory_space<semaphore_mem>>, %arg19: memref<!tpu.dma_semaphore, #tpu.memory_space<semaphore_mem>>, %arg20: memref<!tpu.dma_semaphore, #tpu.memory_space<semaphore_mem>>, %arg21: memref<!tpu.dma_semaphore, #tpu.memory_space<semaphore_mem>>, %arg22: memref<!tpu.dma_semaphore, #tpu.memory_space<semaphore_mem>>, %arg23: memref<!tpu.dma_semaphore, #tpu.memory_space<semaphore_mem>>, %arg24: memref<!tpu.dma_semaphore, #tpu.memory_space<semaphore_mem>>, %arg25: memref<!tpu.dma_semaphore, #tpu.memory_space<semaphore_mem>>, %arg26: memref<!tpu.dma_semaphore, #tpu.memory_space<semaphore_mem>>, %arg27: memref<!tpu.dma_semaphore, #tpu.memory_space<semaphore_mem>>) attributes {dimension_semantics = [#tpu.dimension_semantics<core_parallel>, #tpu.dimension_semantics<subcore_parallel>], iteration_bounds = array<i64: 2, 16>, scalar_prefetch = 0 : i64, scratch_operands = 22 : i64, tpu.core_type = #tpu.core_type<sc_vector_subcore>, window_params = [{transform_indices = #map}, {transform_indices = #map1}, {transform_indices = #map1}, {transform_indices = #map2}]} {
    %mul3A = arith.constant 2 : i32
    %mul3A_0 = arith.muli %arg1, %mul3A : i32
    %add3A = arith.addi %mul3A_0, %arg0 : i32
    %mul3A_1 = arith.constant 10000 : i32
    %mul3A_2 = arith.muli %add3A, %mul3A_1 : i32
    %dma_start3A = tpu.memref_slice %arg3[%mul3A_2] : memref<320000xi32, #tpu.memory_space<hbm>> -> memref<10000xi32, #tpu.memory_space<hbm>>
    %dma_start3A_3 = tpu.memref_slice %arg3[%mul3A_2] : memref<320000xi32, #tpu.memory_space<hbm>> -> memref<10000xi32, #tpu.memory_space<hbm>>
    tpu.enqueue_dma source(%dma_start3A_3 : memref<10000xi32, #tpu.memory_space<hbm>>) target(%arg7 : memref<10000xi32, #tpu.memory_space<vmem>>) target_semaphore(%arg16 : memref<!tpu.dma_semaphore, #tpu.memory_space<semaphore_mem>>)
    %broadcast_in_dim3A = arith.constant 0.000000e+00 : f32
    %broadcast_in_dim3A_4 = vector.broadcast %broadcast_in_dim3A : f32 to vector<16xf32>
    %scan3A = arith.constant 0 : i32
    %scan3A_5 = arith.constant 0 : i32
    %scan3A_6 = arith.constant 48 : i32
    %scan3A_7 = arith.addi %scan3A_5, %scan3A_6 : i32
    %scan3A_8 = arith.constant 1 : i32
    scf.for %scan3A_154 = %scan3A_5 to %scan3A_7 step %scan3A_8  : i32 {
      %swap3A = arith.index_cast %scan3A_154 : i32 to index
      %swap3A_155 = arith.constant 0 : index
      %swap3A_156 = tpu.vector_load %arg11[%swap3A, %swap3A_155] {strides = array<i32>} : memref<96x128xf32, #tpu.memory_space<vmem>>, vector<1x16xf32>,
      %swap3A_157 = vector.shape_cast %swap3A_156 : vector<1x16xf32> to vector<16xf32>
      %swap3A_158 = vector.shape_cast %broadcast_in_dim3A_4 : vector<16xf32> to vector<1x16xf32>
      tpu.vector_store %arg11[%swap3A, %swap3A_155], %swap3A_158 {strides = array<i32>} : memref<96x128xf32, #tpu.memory_space<vmem>>, vector<1x16xf32>,
      %swap3A_159 = arith.index_cast %scan3A_154 : i32 to index
      %swap3A_160 = arith.constant 16 : index
      %swap3A_161 = tpu.vector_load %arg11[%swap3A_159, %swap3A_160] {strides = array<i32>} : memref<96x128xf32, #tpu.memory_space<vmem>>, vector<1x16xf32>,
      %swap3A_162 = vector.shape_cast %swap3A_161 : vector<1x16xf32> to vector<16xf32>
      %swap3A_163 = vector.shape_cast %broadcast_in_dim3A_4 : vector<16xf32> to vector<1x16xf32>
      tpu.vector_store %arg11[%swap3A_159, %swap3A_160], %swap3A_163 {strides = array<i32>} : memref<96x128xf32, #tpu.memory_space<vmem>>, vector<1x16xf32>,
      %swap3A_164 = arith.index_cast %scan3A_154 : i32 to index
      %swap3A_165 = arith.constant 32 : index
      %swap3A_166 = tpu.vector_load %arg11[%swap3A_164, %swap3A_165] {strides = array<i32>} : memref<96x128xf32, #tpu.memory_space<vmem>>, vector<1x16xf32>,
      %swap3A_167 = vector.shape_cast %swap3A_166 : vector<1x16xf32> to vector<16xf32>
      %swap3A_168 = vector.shape_cast %broadcast_in_dim3A_4 : vector<16xf32> to vector<1x16xf32>
      tpu.vector_store %arg11[%swap3A_164, %swap3A_165], %swap3A_168 {strides = array<i32>} : memref<96x128xf32, #tpu.memory_space<vmem>>, vector<1x16xf32>,
      %swap3A_169 = arith.index_cast %scan3A_154 : i32 to index
      %swap3A_170 = arith.constant 48 : index
      %swap3A_171 = tpu.vector_load %arg11[%swap3A_169, %swap3A_170] {strides = array<i32>} : memref<96x128xf32, #tpu.memory_space<vmem>>, vector<1x16xf32>,
      %swap3A_172 = vector.shape_cast %swap3A_171 : vector<1x16xf32> to vector<16xf32>
      %swap3A_173 = vector.shape_cast %broadcast_in_dim3A_4 : vector<16xf32> to vector<1x16xf32>
      tpu.vector_store %arg11[%swap3A_169, %swap3A_170], %swap3A_173 {strides = array<i32>} : memref<96x128xf32, #tpu.memory_space<vmem>>, vector<1x16xf32>,
      %swap3A_174 = arith.index_cast %scan3A_154 : i32 to index
      %swap3A_175 = arith.constant 64 : index
      %swap3A_176 = tpu.vector_load %arg11[%swap3A_174, %swap3A_175] {strides = array<i32>} : memref<96x128xf32, #tpu.memory_space<vmem>>, vector<1x16xf32>,
      %swap3A_177 = vector.shape_cast %swap3A_176 : vector<1x16xf32> to vector<16xf32>
      %swap3A_178 = vector.shape_cast %broadcast_in_dim3A_4 : vector<16xf32> to vector<1x16xf32>
      tpu.vector_store %arg11[%swap3A_174, %swap3A_175], %swap3A_178 {strides = array<i32>} : memref<96x128xf32, #tpu.memory_space<vmem>>, vector<1x16xf32>,
      %swap3A_179 = arith.index_cast %scan3A_154 : i32 to index
      %swap3A_180 = arith.constant 80 : index
      %swap3A_181 = tpu.vector_load %arg11[%swap3A_179, %swap3A_180] {strides = array<i32>} : memref<96x128xf32, #tpu.memory_space<vmem>>, vector<1x16xf32>,
      %swap3A_182 = vector.shape_cast %swap3A_181 : vector<1x16xf32> to vector<16xf32>
      %swap3A_183 = vector.shape_cast %broadcast_in_dim3A_4 : vector<16xf32> to vector<1x16xf32>
      tpu.vector_store %arg11[%swap3A_179, %swap3A_180], %swap3A_183 {strides = array<i32>} : memref<96x128xf32, #tpu.memory_space<vmem>>, vector<1x16xf32>,
      %swap3A_184 = arith.index_cast %scan3A_154 : i32 to index
      %swap3A_185 = arith.constant 96 : index
      %swap3A_186 = tpu.vector_load %arg11[%swap3A_184, %swap3A_185] {strides = array<i32>} : memref<96x128xf32, #tpu.memory_space<vmem>>, vector<1x16xf32>,
      %swap3A_187 = vector.shape_cast %swap3A_186 : vector<1x16xf32> to vector<16xf32>
      %swap3A_188 = vector.shape_cast %broadcast_in_dim3A_4 : vector<16xf32> to vector<1x16xf32>
      tpu.vector_store %arg11[%swap3A_184, %swap3A_185], %swap3A_188 {strides = array<i32>} : memref<96x128xf32, #tpu.memory_space<vmem>>, vector<1x16xf32>,
      %swap3A_189 = arith.index_cast %scan3A_154 : i32 to index
      %swap3A_190 = arith.constant 112 : index
      %swap3A_191 = tpu.vector_load %arg11[%swap3A_189, %swap3A_190] {strides = array<i32>} : memref<96x128xf32, #tpu.memory_space<vmem>>, vector<1x16xf32>,
      %swap3A_192 = vector.shape_cast %swap3A_191 : vector<1x16xf32> to vector<16xf32>
      %swap3A_193 = vector.shape_cast %broadcast_in_dim3A_4 : vector<16xf32> to vector<1x16xf32>
      tpu.vector_store %arg11[%swap3A_189, %swap3A_190], %swap3A_193 {strides = array<i32>} : memref<96x128xf32, #tpu.memory_space<vmem>>, vector<1x16xf32>,
    }
    %scan3A_9 = arith.constant 48 : i32
    %mul3A_10 = arith.constant 624 : i32
    %mul3A_11 = arith.muli %arg1, %mul3A_10 : i32
    %add3A_12 = arith.constant 0 : i32
    %add3A_13 = arith.addi %mul3A_11, %add3A_12 : i32
    "tpu.region"() ({
      %run_scoped3A = tpu.sem_alloc : memref<!tpu.dma_semaphore, #tpu.memory_space<semaphore_mem>>
      %dma_start3A_154 = arith.constant 0 : i32
      %dma_start3A_155 = arith.constant 0 : i32
      %dma_start3A_156 = tpu.memref_slice %arg11[%dma_start3A_154, %dma_start3A_155] : memref<96x128xf32, #tpu.memory_space<vmem>> -> memref<48x128xf32, #tpu.memory_space<vmem>>
      %dma_start3A_157 = arith.constant 0 : i32
      %dma_start3A_158 = tpu.memref_slice %arg6[%add3A_13, %dma_start3A_157] : memref<10000x128xf32, #tpu.memory_space<vmem_shared>> -> memref<48x128xf32, #tpu.memory_space<vmem_shared>>
      %dma_start3A_159 = arith.constant 0 : i32
      %dma_start3A_160 = tpu.memref_slice %arg6[%add3A_13, %dma_start3A_159] : memref<10000x128xf32, #tpu.memory_space<vmem_shared>> -> memref<48x128xf32, #tpu.memory_space<vmem_shared>>
      %dma_start3A_161 = arith.constant 0 : i32
      %dma_start3A_162 = arith.constant 0 : i32
      %dma_start3A_163 = tpu.memref_slice %arg11[%dma_start3A_161, %dma_start3A_162] : memref<96x128xf32, #tpu.memory_space<vmem>> -> memref<48x128xf32, #tpu.memory_space<vmem>>
      tpu.enqueue_dma source(%dma_start3A_163 : memref<48x128xf32, #tpu.memory_space<vmem>>) target(%dma_start3A_160 : memref<48x128xf32, #tpu.memory_space<vmem_shared>>) target_semaphore(%run_scoped3A : memref<!tpu.dma_semaphore, #tpu.memory_space<semaphore_mem>>)
      %dma_wait3A_164 = arith.constant 0 : i32
      %dma_wait3A_165 = arith.constant 0 : i32
      %dma_wait3A_166 = tpu.memref_slice %arg11[%dma_wait3A_164, %dma_wait3A_165] : memref<96x128xf32, #tpu.memory_space<vmem>> -> memref<48x128xf32, #tpu.memory_space<vmem>>
      %dma_wait3A_167 = arith.constant 0 : i32
      %dma_wait3A_168 = tpu.memref_slice %arg6[%add3A_13, %dma_wait3A_167] : memref<10000x128xf32, #tpu.memory_space<vmem_shared>> -> memref<48x128xf32, #tpu.memory_space<vmem_shared>>
      %dma_wait3A_169 = arith.constant 0 : i32
      %dma_wait3A_170 = tpu.memref_slice %arg6[%add3A_13, %dma_wait3A_169] : memref<10000x128xf32, #tpu.memory_space<vmem_shared>> -> memref<48x128xf32, #tpu.memory_space<vmem_shared>>
      %dma_wait3A_171 = arith.constant 0 : i32
      %dma_wait3A_172 = arith.constant 0 : i32
      %dma_wait3A_173 = tpu.memref_slice %arg11[%dma_wait3A_171, %dma_wait3A_172] : memref<96x128xf32, #tpu.memory_space<vmem>> -> memref<48x128xf32, #tpu.memory_space<vmem>>
      tpu.wait_dma2 semaphore(%run_scoped3A : memref<!tpu.dma_semaphore, #tpu.memory_space<semaphore_mem>>) src(%dma_wait3A_173 : memref<48x128xf32, #tpu.memory_space<vmem>>) dst(%dma_wait3A_170 : memref<48x128xf32, #tpu.memory_space<vmem_shared>>)
      tpu.yield
    }) : () -> ()
    %mul3A_14 = arith.constant 624 : i32
    %mul3A_15 = arith.muli %arg1, %mul3A_14 : i32
    %add3A_16 = arith.constant 48 : i32
    %add3A_17 = arith.addi %mul3A_15, %add3A_16 : i32
    "tpu.region"() ({
      %run_scoped3A = tpu.sem_alloc : memref<!tpu.dma_semaphore, #tpu.memory_space<semaphore_mem>>
      %dma_start3A_154 = arith.constant 0 : i32
      %dma_start3A_155 = arith.constant 0 : i32
      %dma_start3A_156 = tpu.memref_slice %arg11[%dma_start3A_154, %dma_start3A_155] : memref<96x128xf32, #tpu.memory_space<vmem>> -> memref<48x128xf32, #tpu.memory_space<vmem>>
      %dma_start3A_157 = arith.constant 0 : i32
      %dma_start3A_158 = tpu.memref_slice %arg6[%add3A_17, %dma_start3A_157] : memref<10000x128xf32, #tpu.memory_space<vmem_shared>> -> memref<48x128xf32, #tpu.memory_space<vmem_shared>>
      %dma_start3A_159 = arith.constant 0 : i32
      %dma_start3A_160 = tpu.memref_slice %arg6[%add3A_17, %dma_start3A_159] : memref<10000x128xf32, #tpu.memory_space<vmem_shared>> -> memref<48x128xf32, #tpu.memory_space<vmem_shared>>
      %dma_start3A_161 = arith.constant 0 : i32
      %dma_start3A_162 = arith.constant 0 : i32
      %dma_start3A_163 = tpu.memref_slice %arg11[%dma_start3A_161, %dma_start3A_162] : memref<96x128xf32, #tpu.memory_space<vmem>> -> memref<48x128xf32, #tpu.memory_space<vmem>>
      tpu.enqueue_dma source(%dma_start3A_163 : memref<48x128xf32, #tpu.memory_space<vmem>>) target(%dma_start3A_160 : memref<48x128xf32, #tpu.memory_space<vmem_shared>>) target_semaphore(%run_scoped3A : memref<!tpu.dma_semaphore, #tpu.memory_space<semaphore_mem>>)
      %dma_wait3A_164 = arith.constant 0 : i32
      %dma_wait3A_165 = arith.constant 0 : i32
      %dma_wait3A_166 = tpu.memref_slice %arg11[%dma_wait3A_164, %dma_wait3A_165] : memref<96x128xf32, #tpu.memory_space<vmem>> -> memref<48x128xf32, #tpu.memory_space<vmem>>
      %dma_wait3A_167 = arith.constant 0 : i32
      %dma_wait3A_168 = tpu.memref_slice %arg6[%add3A_17, %dma_wait3A_167] : memref<10000x128xf32, #tpu.memory_space<vmem_shared>> -> memref<48x128xf32, #tpu.memory_space<vmem_shared>>
      %dma_wait3A_169 = arith.constant 0 : i32
      %dma_wait3A_170 = tpu.memref_slice %arg6[%add3A_17, %dma_wait3A_169] : memref<10000x128xf32, #tpu.memory_space<vmem_shared>> -> memref<48x128xf32, #tpu.memory_space<vmem_shared>>
      %dma_wait3A_171 = arith.constant 0 : i32
      %dma_wait3A_172 = arith.constant 0 : i32
      %dma_wait3A_173 = tpu.memref_slice %arg11[%dma_wait3A_171, %dma_wait3A_172] : memref<96x128xf32, #tpu.memory_space<vmem>> -> memref<48x128xf32, #tpu.memory_space<vmem>>
      tpu.wait_dma2 semaphore(%run_scoped3A : memref<!tpu.dma_semaphore, #tpu.memory_space<semaphore_mem>>) src(%dma_wait3A_173 : memref<48x128xf32, #tpu.memory_space<vmem>>) dst(%dma_wait3A_170 : memref<48x128xf32, #tpu.memory_space<vmem_shared>>)
      tpu.yield
    }) : () -> ()
    %mul3A_18 = arith.constant 624 : i32
    %mul3A_19 = arith.muli %arg1, %mul3A_18 : i32
    %add3A_20 = arith.constant 96 : i32
    %add3A_21 = arith.addi %mul3A_19, %add3A_20 : i32
    "tpu.region"() ({
      %run_scoped3A = tpu.sem_alloc : memref<!tpu.dma_semaphore, #tpu.memory_space<semaphore_mem>>
      %dma_start3A_154 = arith.constant 0 : i32
      %dma_start3A_155 = arith.constant 0 : i32
      %dma_start3A_156 = tpu.memref_slice %arg11[%dma_start3A_154, %dma_start3A_155] : memref<96x128xf32, #tpu.memory_space<vmem>> -> memref<48x128xf32, #tpu.memory_space<vmem>>
      %dma_start3A_157 = arith.constant 0 : i32
      %dma_start3A_158 = tpu.memref_slice %arg6[%add3A_21, %dma_start3A_157] : memref<10000x128xf32, #tpu.memory_space<vmem_shared>> -> memref<48x128xf32, #tpu.memory_space<vmem_shared>>
      %dma_start3A_159 = arith.constant 0 : i32
      %dma_start3A_160 = tpu.memref_slice %arg6[%add3A_21, %dma_start3A_159] : memref<10000x128xf32, #tpu.memory_space<vmem_shared>> -> memref<48x128xf32, #tpu.memory_space<vmem_shared>>
      %dma_start3A_161 = arith.constant 0 : i32
      %dma_start3A_162 = arith.constant 0 : i32
      %dma_start3A_163 = tpu.memref_slice %arg11[%dma_start3A_161, %dma_start3A_162] : memref<96x128xf32, #tpu.memory_space<vmem>> -> memref<48x128xf32, #tpu.memory_space<vmem>>
      tpu.enqueue_dma source(%dma_start3A_163 : memref<48x128xf32, #tpu.memory_space<vmem>>) target(%dma_start3A_160 : memref<48x128xf32, #tpu.memory_space<vmem_shared>>) target_semaphore(%run_scoped3A : memref<!tpu.dma_semaphore, #tpu.memory_space<semaphore_mem>>)
      %dma_wait3A_164 = arith.constant 0 : i32
      %dma_wait3A_165 = arith.constant 0 : i32
      %dma_wait3A_166 = tpu.memref_slice %arg11[%dma_wait3A_164, %dma_wait3A_165] : memref<96x128xf32, #tpu.memory_space<vmem>> -> memref<48x128xf32, #tpu.memory_space<vmem>>
      %dma_wait3A_167 = arith.constant 0 : i32
      %dma_wait3A_168 = tpu.memref_slice %arg6[%add3A_21, %dma_wait3A_167] : memref<10000x128xf32, #tpu.memory_space<vmem_shared>> -> memref<48x128xf32, #tpu.memory_space<vmem_shared>>
      %dma_wait3A_169 = arith.constant 0 : i32
      %dma_wait3A_170 = tpu.memref_slice %arg6[%add3A_21, %dma_wait3A_169] : memref<10000x128xf32, #tpu.memory_space<vmem_shared>> -> memref<48x128xf32, #tpu.memory_space<vmem_shared>>
      %dma_wait3A_171 = arith.constant 0 : i32
      %dma_wait3A_172 = arith.constant 0 : i32
      %dma_wait3A_173 = tpu.memref_slice %arg11[%dma_wait3A_171, %dma_wait3A_172] : memref<96x128xf32, #tpu.memory_space<vmem>> -> memref<48x128xf32, #tpu.memory_space<vmem>>
      tpu.wait_dma2 semaphore(%run_scoped3A : memref<!tpu.dma_semaphore, #tpu.memory_space<semaphore_mem>>) src(%dma_wait3A_173 : memref<48x128xf32, #tpu.memory_space<vmem>>) dst(%dma_wait3A_170 : memref<48x128xf32, #tpu.memory_space<vmem_shared>>)
      tpu.yield
    }) : () -> ()
    %mul3A_22 = arith.constant 624 : i32
    %mul3A_23 = arith.muli %arg1, %mul3A_22 : i32
    %add3A_24 = arith.constant 144 : i32
    %add3A_25 = arith.addi %mul3A_23, %add3A_24 : i32
    "tpu.region"() ({
      %run_scoped3A = tpu.sem_alloc : memref<!tpu.dma_semaphore, #tpu.memory_space<semaphore_mem>>
      %dma_start3A_154 = arith.constant 0 : i32
      %dma_start3A_155 = arith.constant 0 : i32
      %dma_start3A_156 = tpu.memref_slice %arg11[%dma_start3A_154, %dma_start3A_155] : memref<96x128xf32, #tpu.memory_space<vmem>> -> memref<48x128xf32, #tpu.memory_space<vmem>>
      %dma_start3A_157 = arith.constant 0 : i32
      %dma_start3A_158 = tpu.memref_slice %arg6[%add3A_25, %dma_start3A_157] : memref<10000x128xf32, #tpu.memory_space<vmem_shared>> -> memref<48x128xf32, #tpu.memory_space<vmem_shared>>
      %dma_start3A_159 = arith.constant 0 : i32
      %dma_start3A_160 = tpu.memref_slice %arg6[%add3A_25, %dma_start3A_159] : memref<10000x128xf32, #tpu.memory_space<vmem_shared>> -> memref<48x128xf32, #tpu.memory_space<vmem_shared>>
      %dma_start3A_161 = arith.constant 0 : i32
      %dma_start3A_162 = arith.constant 0 : i32
      %dma_start3A_163 = tpu.memref_slice %arg11[%dma_start3A_161, %dma_start3A_162] : memref<96x128xf32, #tpu.memory_space<vmem>> -> memref<48x128xf32, #tpu.memory_space<vmem>>
      tpu.enqueue_dma source(%dma_start3A_163 : memref<48x128xf32, #tpu.memory_space<vmem>>) target(%dma_start3A_160 : memref<48x128xf32, #tpu.memory_space<vmem_shared>>) target_semaphore(%run_scoped3A : memref<!tpu.dma_semaphore, #tpu.memory_space<semaphore_mem>>)
      %dma_wait3A_164 = arith.constant 0 : i32
      %dma_wait3A_165 = arith.constant 0 : i32
      %dma_wait3A_166 = tpu.memref_slice %arg11[%dma_wait3A_164, %dma_wait3A_165] : memref<96x128xf32, #tpu.memory_space<vmem>> -> memref<48x128xf32, #tpu.memory_space<vmem>>
      %dma_wait3A_167 = arith.constant 0 : i32
      %dma_wait3A_168 = tpu.memref_slice %arg6[%add3A_25, %dma_wait3A_167] : memref<10000x128xf32, #tpu.memory_space<vmem_shared>> -> memref<48x128xf32, #tpu.memory_space<vmem_shared>>
      %dma_wait3A_169 = arith.constant 0 : i32
      %dma_wait3A_170 = tpu.memref_slice %arg6[%add3A_25, %dma_wait3A_169] : memref<10000x128xf32, #tpu.memory_space<vmem_shared>> -> memref<48x128xf32, #tpu.memory_space<vmem_shared>>
      %dma_wait3A_171 = arith.constant 0 : i32
      %dma_wait3A_172 = arith.constant 0 : i32
      %dma_wait3A_173 = tpu.memref_slice %arg11[%dma_wait3A_171, %dma_wait3A_172] : memref<96x128xf32, #tpu.memory_space<vmem>> -> memref<48x128xf32, #tpu.memory_space<vmem>>
      tpu.wait_dma2 semaphore(%run_scoped3A : memref<!tpu.dma_semaphore, #tpu.memory_space<semaphore_mem>>) src(%dma_wait3A_173 : memref<48x128xf32, #tpu.memory_space<vmem>>) dst(%dma_wait3A_170 : memref<48x128xf32, #tpu.memory_space<vmem_shared>>)
      tpu.yield
    }) : () -> ()
    %mul3A_26 = arith.constant 624 : i32
    %mul3A_27 = arith.muli %arg1, %mul3A_26 : i32
    %add3A_28 = arith.constant 192 : i32
    %add3A_29 = arith.addi %mul3A_27, %add3A_28 : i32
    "tpu.region"() ({
      %run_scoped3A = tpu.sem_alloc : memref<!tpu.dma_semaphore, #tpu.memory_space<semaphore_mem>>
      %dma_start3A_154 = arith.constant 0 : i32
      %dma_start3A_155 = arith.constant 0 : i32
      %dma_start3A_156 = tpu.memref_slice %arg11[%dma_start3A_154, %dma_start3A_155] : memref<96x128xf32, #tpu.memory_space<vmem>> -> memref<48x128xf32, #tpu.memory_space<vmem>>
      %dma_start3A_157 = arith.constant 0 : i32
      %dma_start3A_158 = tpu.memref_slice %arg6[%add3A_29, %dma_start3A_157] : memref<10000x128xf32, #tpu.memory_space<vmem_shared>> -> memref<48x128xf32, #tpu.memory_space<vmem_shared>>
      %dma_start3A_159 = arith.constant 0 : i32
      %dma_start3A_160 = tpu.memref_slice %arg6[%add3A_29, %dma_start3A_159] : memref<10000x128xf32, #tpu.memory_space<vmem_shared>> -> memref<48x128xf32, #tpu.memory_space<vmem_shared>>
      %dma_start3A_161 = arith.constant 0 : i32
      %dma_start3A_162 = arith.constant 0 : i32
      %dma_start3A_163 = tpu.memref_slice %arg11[%dma_start3A_161, %dma_start3A_162] : memref<96x128xf32, #tpu.memory_space<vmem>> -> memref<48x128xf32, #tpu.memory_space<vmem>>
      tpu.enqueue_dma source(%dma_start3A_163 : memref<48x128xf32, #tpu.memory_space<vmem>>) target(%dma_start3A_160 : memref<48x128xf32, #tpu.memory_space<vmem_shared>>) target_semaphore(%run_scoped3A : memref<!tpu.dma_semaphore, #tpu.memory_space<semaphore_mem>>)
      %dma_wait3A_164 = arith.constant 0 : i32
      %dma_wait3A_165 = arith.constant 0 : i32
      %dma_wait3A_166 = tpu.memref_slice %arg11[%dma_wait3A_164, %dma_wait3A_165] : memref<96x128xf32, #tpu.memory_space<vmem>> -> memref<48x128xf32, #tpu.memory_space<vmem>>
      %dma_wait3A_167 = arith.constant 0 : i32
      %dma_wait3A_168 = tpu.memref_slice %arg6[%add3A_29, %dma_wait3A_167] : memref<10000x128xf32, #tpu.memory_space<vmem_shared>> -> memref<48x128xf32, #tpu.memory_space<vmem_shared>>
      %dma_wait3A_169 = arith.constant 0 : i32
      %dma_wait3A_170 = tpu.memref_slice %arg6[%add3A_29, %dma_wait3A_169] : memref<10000x128xf32, #tpu.memory_space<vmem_shared>> -> memref<48x128xf32, #tpu.memory_space<vmem_shared>>
      %dma_wait3A_171 = arith.constant 0 : i32
      %dma_wait3A_172 = arith.constant 0 : i32
      %dma_wait3A_173 = tpu.memref_slice %arg11[%dma_wait3A_171, %dma_wait3A_172] : memref<96x128xf32, #tpu.memory_space<vmem>> -> memref<48x128xf32, #tpu.memory_space<vmem>>
      tpu.wait_dma2 semaphore(%run_scoped3A : memref<!tpu.dma_semaphore, #tpu.memory_space<semaphore_mem>>) src(%dma_wait3A_173 : memref<48x128xf32, #tpu.memory_space<vmem>>) dst(%dma_wait3A_170 : memref<48x128xf32, #tpu.memory_space<vmem_shared>>)
      tpu.yield
    }) : () -> ()
    %mul3A_30 = arith.constant 624 : i32
    %mul3A_31 = arith.muli %arg1, %mul3A_30 : i32
    %add3A_32 = arith.constant 240 : i32
    %add3A_33 = arith.addi %mul3A_31, %add3A_32 : i32
    "tpu.region"() ({
      %run_scoped3A = tpu.sem_alloc : memref<!tpu.dma_semaphore, #tpu.memory_space<semaphore_mem>>
      %dma_start3A_154 = arith.constant 0 : i32
      %dma_start3A_155 = arith.constant 0 : i32
      %dma_start3A_156 = tpu.memref_slice %arg11[%dma_start3A_154, %dma_start3A_155] : memref<96x128xf32, #tpu.memory_space<vmem>> -> memref<48x128xf32, #tpu.memory_space<vmem>>
      %dma_start3A_157 = arith.constant 0 : i32
      %dma_start3A_158 = tpu.memref_slice %arg6[%add3A_33, %dma_start3A_157] : memref<10000x128xf32, #tpu.memory_space<vmem_shared>> -> memref<48x128xf32, #tpu.memory_space<vmem_shared>>
      %dma_start3A_159 = arith.constant 0 : i32
      %dma_start3A_160 = tpu.memref_slice %arg6[%add3A_33, %dma_start3A_159] : memref<10000x128xf32, #tpu.memory_space<vmem_shared>> -> memref<48x128xf32, #tpu.memory_space<vmem_shared>>
      %dma_start3A_161 = arith.constant 0 : i32
      %dma_start3A_162 = arith.constant 0 : i32
      %dma_start3A_163 = tpu.memref_slice %arg11[%dma_start3A_161, %dma_start3A_162] : memref<96x128xf32, #tpu.memory_space<vmem>> -> memref<48x128xf32, #tpu.memory_space<vmem>>
      tpu.enqueue_dma source(%dma_start3A_163 : memref<48x128xf32, #tpu.memory_space<vmem>>) target(%dma_start3A_160 : memref<48x128xf32, #tpu.memory_space<vmem_shared>>) target_semaphore(%run_scoped3A : memref<!tpu.dma_semaphore, #tpu.memory_space<semaphore_mem>>)
      %dma_wait3A_164 = arith.constant 0 : i32
      %dma_wait3A_165 = arith.constant 0 : i32
      %dma_wait3A_166 = tpu.memref_slice %arg11[%dma_wait3A_164, %dma_wait3A_165] : memref<96x128xf32, #tpu.memory_space<vmem>> -> memref<48x128xf32, #tpu.memory_space<vmem>>
      %dma_wait3A_167 = arith.constant 0 : i32
      %dma_wait3A_168 = tpu.memref_slice %arg6[%add3A_33, %dma_wait3A_167] : memref<10000x128xf32, #tpu.memory_space<vmem_shared>> -> memref<48x128xf32, #tpu.memory_space<vmem_shared>>
      %dma_wait3A_169 = arith.constant 0 : i32
      %dma_wait3A_170 = tpu.memref_slice %arg6[%add3A_33, %dma_wait3A_169] : memref<10000x128xf32, #tpu.memory_space<vmem_shared>> -> memref<48x128xf32, #tpu.memory_space<vmem_shared>>
      %dma_wait3A_171 = arith.constant 0 : i32
      %dma_wait3A_172 = arith.constant 0 : i32
      %dma_wait3A_173 = tpu.memref_slice %arg11[%dma_wait3A_171, %dma_wait3A_172] : memref<96x128xf32, #tpu.memory_space<vmem>> -> memref<48x128xf32, #tpu.memory_space<vmem>>
      tpu.wait_dma2 semaphore(%run_scoped3A : memref<!tpu.dma_semaphore, #tpu.memory_space<semaphore_mem>>) src(%dma_wait3A_173 : memref<48x128xf32, #tpu.memory_space<vmem>>) dst(%dma_wait3A_170 : memref<48x128xf32, #tpu.memory_space<vmem_shared>>)
      tpu.yield
    }) : () -> ()
    %mul3A_34 = arith.constant 624 : i32
    %mul3A_35 = arith.muli %arg1, %mul3A_34 : i32
    %add3A_36 = arith.constant 288 : i32
    %add3A_37 = arith.addi %mul3A_35, %add3A_36 : i32
    "tpu.region"() ({
      %run_scoped3A = tpu.sem_alloc : memref<!tpu.dma_semaphore, #tpu.memory_space<semaphore_mem>>
      %dma_start3A_154 = arith.constant 0 : i32
      %dma_start3A_155 = arith.constant 0 : i32
      %dma_start3A_156 = tpu.memref_slice %arg11[%dma_start3A_154, %dma_start3A_155] : memref<96x128xf32, #tpu.memory_space<vmem>> -> memref<48x128xf32, #tpu.memory_space<vmem>>
      %dma_start3A_157 = arith.constant 0 : i32
      %dma_start3A_158 = tpu.memref_slice %arg6[%add3A_37, %dma_start3A_157] : memref<10000x128xf32, #tpu.memory_space<vmem_shared>> -> memref<48x128xf32, #tpu.memory_space<vmem_shared>>
      %dma_start3A_159 = arith.constant 0 : i32
      %dma_start3A_160 = tpu.memref_slice %arg6[%add3A_37, %dma_start3A_159] : memref<10000x128xf32, #tpu.memory_space<vmem_shared>> -> memref<48x128xf32, #tpu.memory_space<vmem_shared>>
      %dma_start3A_161 = arith.constant 0 : i32
      %dma_start3A_162 = arith.constant 0 : i32
      %dma_start3A_163 = tpu.memref_slice %arg11[%dma_start3A_161, %dma_start3A_162] : memref<96x128xf32, #tpu.memory_space<vmem>> -> memref<48x128xf32, #tpu.memory_space<vmem>>
      tpu.enqueue_dma source(%dma_start3A_163 : memref<48x128xf32, #tpu.memory_space<vmem>>) target(%dma_start3A_160 : memref<48x128xf32, #tpu.memory_space<vmem_shared>>) target_semaphore(%run_scoped3A : memref<!tpu.dma_semaphore, #tpu.memory_space<semaphore_mem>>)
      %dma_wait3A_164 = arith.constant 0 : i32
      %dma_wait3A_165 = arith.constant 0 : i32
      %dma_wait3A_166 = tpu.memref_slice %arg11[%dma_wait3A_164, %dma_wait3A_165] : memref<96x128xf32, #tpu.memory_space<vmem>> -> memref<48x128xf32, #tpu.memory_space<vmem>>
      %dma_wait3A_167 = arith.constant 0 : i32
      %dma_wait3A_168 = tpu.memref_slice %arg6[%add3A_37, %dma_wait3A_167] : memref<10000x128xf32, #tpu.memory_space<vmem_shared>> -> memref<48x128xf32, #tpu.memory_space<vmem_shared>>
      %dma_wait3A_169 = arith.constant 0 : i32
      %dma_wait3A_170 = tpu.memref_slice %arg6[%add3A_37, %dma_wait3A_169] : memref<10000x128xf32, #tpu.memory_space<vmem_shared>> -> memref<48x128xf32, #tpu.memory_space<vmem_shared>>
      %dma_wait3A_171 = arith.constant 0 : i32
      %dma_wait3A_172 = arith.constant 0 : i32
      %dma_wait3A_173 = tpu.memref_slice %arg11[%dma_wait3A_171, %dma_wait3A_172] : memref<96x128xf32, #tpu.memory_space<vmem>> -> memref<48x128xf32, #tpu.memory_space<vmem>>
      tpu.wait_dma2 semaphore(%run_scoped3A : memref<!tpu.dma_semaphore, #tpu.memory_space<semaphore_mem>>) src(%dma_wait3A_173 : memref<48x128xf32, #tpu.memory_space<vmem>>) dst(%dma_wait3A_170 : memref<48x128xf32, #tpu.memory_space<vmem_shared>>)
      tpu.yield
    }) : () -> ()
    %mul3A_38 = arith.constant 624 : i32
    %mul3A_39 = arith.muli %arg1, %mul3A_38 : i32
    %add3A_40 = arith.constant 336 : i32
    %add3A_41 = arith.addi %mul3A_39, %add3A_40 : i32
    "tpu.region"() ({
      %run_scoped3A = tpu.sem_alloc : memref<!tpu.dma_semaphore, #tpu.memory_space<semaphore_mem>>
      %dma_start3A_154 = arith.constant 0 : i32
      %dma_start3A_155 = arith.constant 0 : i32
      %dma_start3A_156 = tpu.memref_slice %arg11[%dma_start3A_154, %dma_start3A_155] : memref<96x128xf32, #tpu.memory_space<vmem>> -> memref<48x128xf32, #tpu.memory_space<vmem>>
      %dma_start3A_157 = arith.constant 0 : i32
      %dma_start3A_158 = tpu.memref_slice %arg6[%add3A_41, %dma_start3A_157] : memref<10000x128xf32, #tpu.memory_space<vmem_shared>> -> memref<48x128xf32, #tpu.memory_space<vmem_shared>>
      %dma_start3A_159 = arith.constant 0 : i32
      %dma_start3A_160 = tpu.memref_slice %arg6[%add3A_41, %dma_start3A_159] : memref<10000x128xf32, #tpu.memory_space<vmem_shared>> -> memref<48x128xf32, #tpu.memory_space<vmem_shared>>
      %dma_start3A_161 = arith.constant 0 : i32
      %dma_start3A_162 = arith.constant 0 : i32
      %dma_start3A_163 = tpu.memref_slice %arg11[%dma_start3A_161, %dma_start3A_162] : memref<96x128xf32, #tpu.memory_space<vmem>> -> memref<48x128xf32, #tpu.memory_space<vmem>>
      tpu.enqueue_dma source(%dma_start3A_163 : memref<48x128xf32, #tpu.memory_space<vmem>>) target(%dma_start3A_160 : memref<48x128xf32, #tpu.memory_space<vmem_shared>>) target_semaphore(%run_scoped3A : memref<!tpu.dma_semaphore, #tpu.memory_space<semaphore_mem>>)
      %dma_wait3A_164 = arith.constant 0 : i32
      %dma_wait3A_165 = arith.constant 0 : i32
      %dma_wait3A_166 = tpu.memref_slice %arg11[%dma_wait3A_164, %dma_wait3A_165] : memref<96x128xf32, #tpu.memory_space<vmem>> -> memref<48x128xf32, #tpu.memory_space<vmem>>
      %dma_wait3A_167 = arith.constant 0 : i32
      %dma_wait3A_168 = tpu.memref_slice %arg6[%add3A_41, %dma_wait3A_167] : memref<10000x128xf32, #tpu.memory_space<vmem_shared>> -> memref<48x128xf32, #tpu.memory_space<vmem_shared>>
      %dma_wait3A_169 = arith.constant 0 : i32
      %dma_wait3A_170 = tpu.memref_slice %arg6[%add3A_41, %dma_wait3A_169] : memref<10000x128xf32, #tpu.memory_space<vmem_shared>> -> memref<48x128xf32, #tpu.memory_space<vmem_shared>>
      %dma_wait3A_171 = arith.constant 0 : i32
      %dma_wait3A_172 = arith.constant 0 : i32
      %dma_wait3A_173 = tpu.memref_slice %arg11[%dma_wait3A_171, %dma_wait3A_172] : memref<96x128xf32, #tpu.memory_space<vmem>> -> memref<48x128xf32, #tpu.memory_space<vmem>>
      tpu.wait_dma2 semaphore(%run_scoped3A : memref<!tpu.dma_semaphore, #tpu.memory_space<semaphore_mem>>) src(%dma_wait3A_173 : memref<48x128xf32, #tpu.memory_space<vmem>>) dst(%dma_wait3A_170 : memref<48x128xf32, #tpu.memory_space<vmem_shared>>)
      tpu.yield
    }) : () -> ()
    %mul3A_42 = arith.constant 624 : i32
    %mul3A_43 = arith.muli %arg1, %mul3A_42 : i32
    %add3A_44 = arith.constant 384 : i32
    %add3A_45 = arith.addi %mul3A_43, %add3A_44 : i32
    "tpu.region"() ({
      %run_scoped3A = tpu.sem_alloc : memref<!tpu.dma_semaphore, #tpu.memory_space<semaphore_mem>>
      %dma_start3A_154 = arith.constant 0 : i32
      %dma_start3A_155 = arith.constant 0 : i32
      %dma_start3A_156 = tpu.memref_slice %arg11[%dma_start3A_154, %dma_start3A_155] : memref<96x128xf32, #tpu.memory_space<vmem>> -> memref<48x128xf32, #tpu.memory_space<vmem>>
      %dma_start3A_157 = arith.constant 0 : i32
      %dma_start3A_158 = tpu.memref_slice %arg6[%add3A_45, %dma_start3A_157] : memref<10000x128xf32, #tpu.memory_space<vmem_shared>> -> memref<48x128xf32, #tpu.memory_space<vmem_shared>>
      %dma_start3A_159 = arith.constant 0 : i32
      %dma_start3A_160 = tpu.memref_slice %arg6[%add3A_45, %dma_start3A_159] : memref<10000x128xf32, #tpu.memory_space<vmem_shared>> -> memref<48x128xf32, #tpu.memory_space<vmem_shared>>
      %dma_start3A_161 = arith.constant 0 : i32
      %dma_start3A_162 = arith.constant 0 : i32
      %dma_start3A_163 = tpu.memref_slice %arg11[%dma_start3A_161, %dma_start3A_162] : memref<96x128xf32, #tpu.memory_space<vmem>> -> memref<48x128xf32, #tpu.memory_space<vmem>>
      tpu.enqueue_dma source(%dma_start3A_163 : memref<48x128xf32, #tpu.memory_space<vmem>>) target(%dma_start3A_160 : memref<48x128xf32, #tpu.memory_space<vmem_shared>>) target_semaphore(%run_scoped3A : memref<!tpu.dma_semaphore, #tpu.memory_space<semaphore_mem>>)
      %dma_wait3A_164 = arith.constant 0 : i32
      %dma_wait3A_165 = arith.constant 0 : i32
      %dma_wait3A_166 = tpu.memref_slice %arg11[%dma_wait3A_164, %dma_wait3A_165] : memref<96x128xf32, #tpu.memory_space<vmem>> -> memref<48x128xf32, #tpu.memory_space<vmem>>
      %dma_wait3A_167 = arith.constant 0 : i32
      %dma_wait3A_168 = tpu.memref_slice %arg6[%add3A_45, %dma_wait3A_167] : memref<10000x128xf32, #tpu.memory_space<vmem_shared>> -> memref<48x128xf32, #tpu.memory_space<vmem_shared>>
      %dma_wait3A_169 = arith.constant 0 : i32
      %dma_wait3A_170 = tpu.memref_slice %arg6[%add3A_45, %dma_wait3A_169] : memref<10000x128xf32, #tpu.memory_space<vmem_shared>> -> memref<48x128xf32, #tpu.memory_space<vmem_shared>>
      %dma_wait3A_171 = arith.constant 0 : i32
      %dma_wait3A_172 = arith.constant 0 : i32
      %dma_wait3A_173 = tpu.memref_slice %arg11[%dma_wait3A_171, %dma_wait3A_172] : memref<96x128xf32, #tpu.memory_space<vmem>> -> memref<48x128xf32, #tpu.memory_space<vmem>>
      tpu.wait_dma2 semaphore(%run_scoped3A : memref<!tpu.dma_semaphore, #tpu.memory_space<semaphore_mem>>) src(%dma_wait3A_173 : memref<48x128xf32, #tpu.memory_space<vmem>>) dst(%dma_wait3A_170 : memref<48x128xf32, #tpu.memory_space<vmem_shared>>)
      tpu.yield
    }) : () -> ()
    %mul3A_46 = arith.constant 624 : i32
    %mul3A_47 = arith.muli %arg1, %mul3A_46 : i32
    %add3A_48 = arith.constant 432 : i32
    %add3A_49 = arith.addi %mul3A_47, %add3A_48 : i32
    "tpu.region"() ({
      %run_scoped3A = tpu.sem_alloc : memref<!tpu.dma_semaphore, #tpu.memory_space<semaphore_mem>>
      %dma_start3A_154 = arith.constant 0 : i32
      %dma_start3A_155 = arith.constant 0 : i32
      %dma_start3A_156 = tpu.memref_slice %arg11[%dma_start3A_154, %dma_start3A_155] : memref<96x128xf32, #tpu.memory_space<vmem>> -> memref<48x128xf32, #tpu.memory_space<vmem>>
      %dma_start3A_157 = arith.constant 0 : i32
      %dma_start3A_158 = tpu.memref_slice %arg6[%add3A_49, %dma_start3A_157] : memref<10000x128xf32, #tpu.memory_space<vmem_shared>> -> memref<48x128xf32, #tpu.memory_space<vmem_shared>>
      %dma_start3A_159 = arith.constant 0 : i32
      %dma_start3A_160 = tpu.memref_slice %arg6[%add3A_49, %dma_start3A_159] : memref<10000x128xf32, #tpu.memory_space<vmem_shared>> -> memref<48x128xf32, #tpu.memory_space<vmem_shared>>
      %dma_start3A_161 = arith.constant 0 : i32
      %dma_start3A_162 = arith.constant 0 : i32
      %dma_start3A_163 = tpu.memref_slice %arg11[%dma_start3A_161, %dma_start3A_162] : memref<96x128xf32, #tpu.memory_space<vmem>> -> memref<48x128xf32, #tpu.memory_space<vmem>>
      tpu.enqueue_dma source(%dma_start3A_163 : memref<48x128xf32, #tpu.memory_space<vmem>>) target(%dma_start3A_160 : memref<48x128xf32, #tpu.memory_space<vmem_shared>>) target_semaphore(%run_scoped3A : memref<!tpu.dma_semaphore, #tpu.memory_space<semaphore_mem>>)
      %dma_wait3A_164 = arith.constant 0 : i32
      %dma_wait3A_165 = arith.constant 0 : i32
      %dma_wait3A_166 = tpu.memref_slice %arg11[%dma_wait3A_164, %dma_wait3A_165] : memref<96x128xf32, #tpu.memory_space<vmem>> -> memref<48x128xf32, #tpu.memory_space<vmem>>
      %dma_wait3A_167 = arith.constant 0 : i32
      %dma_wait3A_168 = tpu.memref_slice %arg6[%add3A_49, %dma_wait3A_167] : memref<10000x128xf32, #tpu.memory_space<vmem_shared>> -> memref<48x128xf32, #tpu.memory_space<vmem_shared>>
      %dma_wait3A_169 = arith.constant 0 : i32
      %dma_wait3A_170 = tpu.memref_slice %arg6[%add3A_49, %dma_wait3A_169] : memref<10000x128xf32, #tpu.memory_space<vmem_shared>> -> memref<48x128xf32, #tpu.memory_space<vmem_shared>>
      %dma_wait3A_171 = arith.constant 0 : i32
      %dma_wait3A_172 = arith.constant 0 : i32
      %dma_wait3A_173 = tpu.memref_slice %arg11[%dma_wait3A_171, %dma_wait3A_172] : memref<96x128xf32, #tpu.memory_space<vmem>> -> memref<48x128xf32, #tpu.memory_space<vmem>>
      tpu.wait_dma2 semaphore(%run_scoped3A : memref<!tpu.dma_semaphore, #tpu.memory_space<semaphore_mem>>) src(%dma_wait3A_173 : memref<48x128xf32, #tpu.memory_space<vmem>>) dst(%dma_wait3A_170 : memref<48x128xf32, #tpu.memory_space<vmem_shared>>)
      tpu.yield
    }) : () -> ()
    %mul3A_50 = arith.constant 624 : i32
    %mul3A_51 = arith.muli %arg1, %mul3A_50 : i32
    %add3A_52 = arith.constant 480 : i32
    %add3A_53 = arith.addi %mul3A_51, %add3A_52 : i32
    "tpu.region"() ({
      %run_scoped3A = tpu.sem_alloc : memref<!tpu.dma_semaphore, #tpu.memory_space<semaphore_mem>>
      %dma_start3A_154 = arith.constant 0 : i32
      %dma_start3A_155 = arith.constant 0 : i32
      %dma_start3A_156 = tpu.memref_slice %arg11[%dma_start3A_154, %dma_start3A_155] : memref<96x128xf32, #tpu.memory_space<vmem>> -> memref<48x128xf32, #tpu.memory_space<vmem>>
      %dma_start3A_157 = arith.constant 0 : i32
      %dma_start3A_158 = tpu.memref_slice %arg6[%add3A_53, %dma_start3A_157] : memref<10000x128xf32, #tpu.memory_space<vmem_shared>> -> memref<48x128xf32, #tpu.memory_space<vmem_shared>>
      %dma_start3A_159 = arith.constant 0 : i32
      %dma_start3A_160 = tpu.memref_slice %arg6[%add3A_53, %dma_start3A_159] : memref<10000x128xf32, #tpu.memory_space<vmem_shared>> -> memref<48x128xf32, #tpu.memory_space<vmem_shared>>
      %dma_start3A_161 = arith.constant 0 : i32
      %dma_start3A_162 = arith.constant 0 : i32
      %dma_start3A_163 = tpu.memref_slice %arg11[%dma_start3A_161, %dma_start3A_162] : memref<96x128xf32, #tpu.memory_space<vmem>> -> memref<48x128xf32, #tpu.memory_space<vmem>>
      tpu.enqueue_dma source(%dma_start3A_163 : memref<48x128xf32, #tpu.memory_space<vmem>>) target(%dma_start3A_160 : memref<48x128xf32, #tpu.memory_space<vmem_shared>>) target_semaphore(%run_scoped3A : memref<!tpu.dma_semaphore, #tpu.memory_space<semaphore_mem>>)
      %dma_wait3A_164 = arith.constant 0 : i32
      %dma_wait3A_165 = arith.constant 0 : i32
      %dma_wait3A_166 = tpu.memref_slice %arg11[%dma_wait3A_164, %dma_wait3A_165] : memref<96x128xf32, #tpu.memory_space<vmem>> -> memref<48x128xf32, #tpu.memory_space<vmem>>
      %dma_wait3A_167 = arith.constant 0 : i32
      %dma_wait3A_168 = tpu.memref_slice %arg6[%add3A_53, %dma_wait3A_167] : memref<10000x128xf32, #tpu.memory_space<vmem_shared>> -> memref<48x128xf32, #tpu.memory_space<vmem_shared>>
      %dma_wait3A_169 = arith.constant 0 : i32
      %dma_wait3A_170 = tpu.memref_slice %arg6[%add3A_53, %dma_wait3A_169] : memref<10000x128xf32, #tpu.memory_space<vmem_shared>> -> memref<48x128xf32, #tpu.memory_space<vmem_shared>>
      %dma_wait3A_171 = arith.constant 0 : i32
      %dma_wait3A_172 = arith.constant 0 : i32
      %dma_wait3A_173 = tpu.memref_slice %arg11[%dma_wait3A_171, %dma_wait3A_172] : memref<96x128xf32, #tpu.memory_space<vmem>> -> memref<48x128xf32, #tpu.memory_space<vmem>>
      tpu.wait_dma2 semaphore(%run_scoped3A : memref<!tpu.dma_semaphore, #tpu.memory_space<semaphore_mem>>) src(%dma_wait3A_173 : memref<48x128xf32, #tpu.memory_space<vmem>>) dst(%dma_wait3A_170 : memref<48x128xf32, #tpu.memory_space<vmem_shared>>)
      tpu.yield
    }) : () -> ()
    %mul3A_54 = arith.constant 624 : i32
    %mul3A_55 = arith.muli %arg1, %mul3A_54 : i32
    %add3A_56 = arith.constant 528 : i32
    %add3A_57 = arith.addi %mul3A_55, %add3A_56 : i32
    "tpu.region"() ({
      %run_scoped3A = tpu.sem_alloc : memref<!tpu.dma_semaphore, #tpu.memory_space<semaphore_mem>>
      %dma_start3A_154 = arith.constant 0 : i32
      %dma_start3A_155 = arith.constant 0 : i32
      %dma_start3A_156 = tpu.memref_slice %arg11[%dma_start3A_154, %dma_start3A_155] : memref<96x128xf32, #tpu.memory_space<vmem>> -> memref<48x128xf32, #tpu.memory_space<vmem>>
      %dma_start3A_157 = arith.constant 0 : i32
      %dma_start3A_158 = tpu.memref_slice %arg6[%add3A_57, %dma_start3A_157] : memref<10000x128xf32, #tpu.memory_space<vmem_shared>> -> memref<48x128xf32, #tpu.memory_space<vmem_shared>>
      %dma_start3A_159 = arith.constant 0 : i32
      %dma_start3A_160 = tpu.memref_slice %arg6[%add3A_57, %dma_start3A_159] : memref<10000x128xf32, #tpu.memory_space<vmem_shared>> -> memref<48x128xf32, #tpu.memory_space<vmem_shared>>
      %dma_start3A_161 = arith.constant 0 : i32
      %dma_start3A_162 = arith.constant 0 : i32
      %dma_start3A_163 = tpu.memref_slice %arg11[%dma_start3A_161, %dma_start3A_162] : memref<96x128xf32, #tpu.memory_space<vmem>> -> memref<48x128xf32, #tpu.memory_space<vmem>>
      tpu.enqueue_dma source(%dma_start3A_163 : memref<48x128xf32, #tpu.memory_space<vmem>>) target(%dma_start3A_160 : memref<48x128xf32, #tpu.memory_space<vmem_shared>>) target_semaphore(%run_scoped3A : memref<!tpu.dma_semaphore, #tpu.memory_space<semaphore_mem>>)
      %dma_wait3A_164 = arith.constant 0 : i32
      %dma_wait3A_165 = arith.constant 0 : i32
      %dma_wait3A_166 = tpu.memref_slice %arg11[%dma_wait3A_164, %dma_wait3A_165] : memref<96x128xf32, #tpu.memory_space<vmem>> -> memref<48x128xf32, #tpu.memory_space<vmem>>
      %dma_wait3A_167 = arith.constant 0 : i32
      %dma_wait3A_168 = tpu.memref_slice %arg6[%add3A_57, %dma_wait3A_167] : memref<10000x128xf32, #tpu.memory_space<vmem_shared>> -> memref<48x128xf32, #tpu.memory_space<vmem_shared>>
      %dma_wait3A_169 = arith.constant 0 : i32
      %dma_wait3A_170 = tpu.memref_slice %arg6[%add3A_57, %dma_wait3A_169] : memref<10000x128xf32, #tpu.memory_space<vmem_shared>> -> memref<48x128xf32, #tpu.memory_space<vmem_shared>>
      %dma_wait3A_171 = arith.constant 0 : i32
      %dma_wait3A_172 = arith.constant 0 : i32
      %dma_wait3A_173 = tpu.memref_slice %arg11[%dma_wait3A_171, %dma_wait3A_172] : memref<96x128xf32, #tpu.memory_space<vmem>> -> memref<48x128xf32, #tpu.memory_space<vmem>>
      tpu.wait_dma2 semaphore(%run_scoped3A : memref<!tpu.dma_semaphore, #tpu.memory_space<semaphore_mem>>) src(%dma_wait3A_173 : memref<48x128xf32, #tpu.memory_space<vmem>>) dst(%dma_wait3A_170 : memref<48x128xf32, #tpu.memory_space<vmem_shared>>)
      tpu.yield
    }) : () -> ()
    %mul3A_58 = arith.constant 624 : i32
    %mul3A_59 = arith.muli %arg1, %mul3A_58 : i32
    %add3A_60 = arith.constant 576 : i32
    %add3A_61 = arith.addi %mul3A_59, %add3A_60 : i32
    "tpu.region"() ({
      %run_scoped3A = tpu.sem_alloc : memref<!tpu.dma_semaphore, #tpu.memory_space<semaphore_mem>>
      %dma_start3A_154 = arith.constant 0 : i32
      %dma_start3A_155 = arith.constant 0 : i32
      %dma_start3A_156 = tpu.memref_slice %arg11[%dma_start3A_154, %dma_start3A_155] : memref<96x128xf32, #tpu.memory_space<vmem>> -> memref<48x128xf32, #tpu.memory_space<vmem>>
      %dma_start3A_157 = arith.constant 0 : i32
      %dma_start3A_158 = tpu.memref_slice %arg6[%add3A_61, %dma_start3A_157] : memref<10000x128xf32, #tpu.memory_space<vmem_shared>> -> memref<48x128xf32, #tpu.memory_space<vmem_shared>>
      %dma_start3A_159 = arith.constant 0 : i32
      %dma_start3A_160 = tpu.memref_slice %arg6[%add3A_61, %dma_start3A_159] : memref<10000x128xf32, #tpu.memory_space<vmem_shared>> -> memref<48x128xf32, #tpu.memory_space<vmem_shared>>
      %dma_start3A_161 = arith.constant 0 : i32
      %dma_start3A_162 = arith.constant 0 : i32
      %dma_start3A_163 = tpu.memref_slice %arg11[%dma_start3A_161, %dma_start3A_162] : memref<96x128xf32, #tpu.memory_space<vmem>> -> memref<48x128xf32, #tpu.memory_space<vmem>>
      tpu.enqueue_dma source(%dma_start3A_163 : memref<48x128xf32, #tpu.memory_space<vmem>>) target(%dma_start3A_160 : memref<48x128xf32, #tpu.memory_space<vmem_shared>>) target_semaphore(%run_scoped3A : memref<!tpu.dma_semaphore, #tpu.memory_space<semaphore_mem>>)
      %dma_wait3A_164 = arith.constant 0 : i32
      %dma_wait3A_165 = arith.constant 0 : i32
      %dma_wait3A_166 = tpu.memref_slice %arg11[%dma_wait3A_164, %dma_wait3A_165] : memref<96x128xf32, #tpu.memory_space<vmem>> -> memref<48x128xf32, #tpu.memory_space<vmem>>
      %dma_wait3A_167 = arith.constant 0 : i32
      %dma_wait3A_168 = tpu.memref_slice %arg6[%add3A_61, %dma_wait3A_167] : memref<10000x128xf32, #tpu.memory_space<vmem_shared>> -> memref<48x128xf32, #tpu.memory_space<vmem_shared>>
      %dma_wait3A_169 = arith.constant 0 : i32
      %dma_wait3A_170 = tpu.memref_slice %arg6[%add3A_61, %dma_wait3A_169] : memref<10000x128xf32, #tpu.memory_space<vmem_shared>> -> memref<48x128xf32, #tpu.memory_space<vmem_shared>>
      %dma_wait3A_171 = arith.constant 0 : i32
      %dma_wait3A_172 = arith.constant 0 : i32
      %dma_wait3A_173 = tpu.memref_slice %arg11[%dma_wait3A_171, %dma_wait3A_172] : memref<96x128xf32, #tpu.memory_space<vmem>> -> memref<48x128xf32, #tpu.memory_space<vmem>>
      tpu.wait_dma2 semaphore(%run_scoped3A : memref<!tpu.dma_semaphore, #tpu.memory_space<semaphore_mem>>) src(%dma_wait3A_173 : memref<48x128xf32, #tpu.memory_space<vmem>>) dst(%dma_wait3A_170 : memref<48x128xf32, #tpu.memory_space<vmem_shared>>)
      tpu.yield
    }) : () -> ()
    %eq3A = arith.constant 15 : i32
    %eq3A_62 = arith.cmpi eq, %arg1, %eq3A : i32
    %convert_element_type3A = arith.extui %eq3A_62 : i1 to i32
    %cond3A = arith.constant 0 : i32
    %cond3A_63 = arith.cmpi ne, %convert_element_type3A, %cond3A : i32
    scf.if %cond3A_63 {
      "tpu.region"() ({
        %run_scoped3A = tpu.sem_alloc : memref<!tpu.dma_semaphore, #tpu.memory_space<semaphore_mem>>
        %dma_start3A_154 = arith.constant 0 : i32
        %dma_start3A_155 = arith.constant 0 : i32
        %dma_start3A_156 = tpu.memref_slice %arg11[%dma_start3A_154, %dma_start3A_155] : memref<96x128xf32, #tpu.memory_space<vmem>> -> memref<16x128xf32, #tpu.memory_space<vmem>>
        %dma_start3A_157 = arith.constant 9984 : i32
        %dma_start3A_158 = arith.constant 0 : i32
        %dma_start3A_159 = tpu.memref_slice %arg6[%dma_start3A_157, %dma_start3A_158] : memref<10000x128xf32, #tpu.memory_space<vmem_shared>> -> memref<16x128xf32, #tpu.memory_space<vmem_shared>>
        %dma_start3A_160 = arith.constant 9984 : i32
        %dma_start3A_161 = arith.constant 0 : i32
        %dma_start3A_162 = tpu.memref_slice %arg6[%dma_start3A_160, %dma_start3A_161] : memref<10000x128xf32, #tpu.memory_space<vmem_shared>> -> memref<16x128xf32, #tpu.memory_space<vmem_shared>>
        %dma_start3A_163 = arith.constant 0 : i32
        %dma_start3A_164 = arith.constant 0 : i32
        %dma_start3A_165 = tpu.memref_slice %arg11[%dma_start3A_163, %dma_start3A_164] : memref<96x128xf32, #tpu.memory_space<vmem>> -> memref<16x128xf32, #tpu.memory_space<vmem>>
        tpu.enqueue_dma source(%dma_start3A_165 : memref<16x128xf32, #tpu.memory_space<vmem>>) target(%dma_start3A_162 : memref<16x128xf32, #tpu.memory_space<vmem_shared>>) target_semaphore(%run_scoped3A : memref<!tpu.dma_semaphore, #tpu.memory_space<semaphore_mem>>)
        %dma_wait3A_166 = arith.constant 0 : i32
        %dma_wait3A_167 = arith.constant 0 : i32
        %dma_wait3A_168 = tpu.memref_slice %arg11[%dma_wait3A_166, %dma_wait3A_167] : memref<96x128xf32, #tpu.memory_space<vmem>> -> memref<16x128xf32, #tpu.memory_space<vmem>>
        %dma_wait3A_169 = arith.constant 9984 : i32
        %dma_wait3A_170 = arith.constant 0 : i32
        %dma_wait3A_171 = tpu.memref_slice %arg6[%dma_wait3A_169, %dma_wait3A_170] : memref<10000x128xf32, #tpu.memory_space<vmem_shared>> -> memref<16x128xf32, #tpu.memory_space<vmem_shared>>
        %dma_wait3A_172 = arith.constant 9984 : i32
        %dma_wait3A_173 = arith.constant 0 : i32
        %dma_wait3A_174 = tpu.memref_slice %arg6[%dma_wait3A_172, %dma_wait3A_173] : memref<10000x128xf32, #tpu.memory_space<vmem_shared>> -> memref<16x128xf32, #tpu.memory_space<vmem_shared>>
        %dma_wait3A_175 = arith.constant 0 : i32
        %dma_wait3A_176 = arith.constant 0 : i32
        %dma_wait3A_177 = tpu.memref_slice %arg11[%dma_wait3A_175, %dma_wait3A_176] : memref<96x128xf32, #tpu.memory_space<vmem>> -> memref<16x128xf32, #tpu.memory_space<vmem>>
        tpu.wait_dma2 semaphore(%run_scoped3A : memref<!tpu.dma_semaphore, #tpu.memory_space<semaphore_mem>>) src(%dma_wait3A_177 : memref<16x128xf32, #tpu.memory_space<vmem>>) dst(%dma_wait3A_174 : memref<16x128xf32, #tpu.memory_space<vmem_shared>>)
        tpu.yield
      }) : () -> ()
    } else {
    }
    %dma_wait3A = tpu.memref_slice %arg3[%mul3A_2] : memref<320000xi32, #tpu.memory_space<hbm>> -> memref<10000xi32, #tpu.memory_space<hbm>>
    %dma_wait3A_64 = tpu.memref_slice %arg3[%mul3A_2] : memref<320000xi32, #tpu.memory_space<hbm>> -> memref<10000xi32, #tpu.memory_space<hbm>>
    tpu.wait_dma2 semaphore(%arg16 : memref<!tpu.dma_semaphore, #tpu.memory_space<semaphore_mem>>) src(%dma_wait3A_64 : memref<10000xi32, #tpu.memory_space<hbm>>) dst(%arg7 : memref<10000xi32, #tpu.memory_space<vmem>>)
    %add3A_65 = arith.constant 9984 : i32
    %add3A_66 = arith.addi %mul3A_2, %add3A_65 : i32
    %dma_start3A_67 = arith.constant 9984 : i32
    %dma_start3A_68 = tpu.memref_slice %arg7[%dma_start3A_67] : memref<10000xi32, #tpu.memory_space<vmem>> -> memref<16xi32, #tpu.memory_space<vmem>>
    %dma_start3A_69 = arith.constant 0 : i32
    %dma_start3A_70 = arith.constant 0 : i32
    %dma_start3A_71 = tpu.memref_slice %arg2[%dma_start3A_69, %dma_start3A_70] : memref<10000x128xf32, #tpu.memory_space<hbm>> -> memref<10000x128xf32, #tpu.memory_space<hbm>>
    tpu.enqueue_indirect_dma source(%dma_start3A_71 : memref<10000x128xf32, #tpu.memory_space<hbm>>) target(%arg15 : memref<16x128xf32, #tpu.memory_space<vmem>>) offsets(%dma_start3A_68 : memref<16xi32, #tpu.memory_space<vmem>>) semaphore(%arg25 : memref<!tpu.dma_semaphore, #tpu.memory_space<semaphore_mem>>)
    %dma_start3A_72 = tpu.memref_slice %arg4[%add3A_66] : memref<320000xi32, #tpu.memory_space<hbm>> -> memref<16xi32, #tpu.memory_space<hbm>>
    %dma_start3A_73 = tpu.memref_slice %arg4[%add3A_66] : memref<320000xi32, #tpu.memory_space<hbm>> -> memref<16xi32, #tpu.memory_space<hbm>>
    tpu.enqueue_dma source(%dma_start3A_73 : memref<16xi32, #tpu.memory_space<hbm>>) target(%arg14 : memref<16xi32, #tpu.memory_space<vmem>>) target_semaphore(%arg26 : memref<!tpu.dma_semaphore, #tpu.memory_space<semaphore_mem>>)
    %dma_start3A_74 = arith.constant 0 : i32
    %dma_start3A_75 = tpu.memref_slice %arg7[%dma_start3A_74] : memref<10000xi32, #tpu.memory_space<vmem>> -> memref<96xi32, #tpu.memory_space<vmem>>
    %dma_start3A_76 = arith.constant 0 : i32
    %dma_start3A_77 = arith.constant 0 : i32
    %dma_start3A_78 = tpu.memref_slice %arg2[%dma_start3A_76, %dma_start3A_77] : memref<10000x128xf32, #tpu.memory_space<hbm>> -> memref<10000x128xf32, #tpu.memory_space<hbm>>
    tpu.enqueue_indirect_dma source(%dma_start3A_78 : memref<10000x128xf32, #tpu.memory_space<hbm>>) target(%arg11 : memref<96x128xf32, #tpu.memory_space<vmem>>) offsets(%dma_start3A_75 : memref<96xi32, #tpu.memory_space<vmem>>) semaphore(%arg16 : memref<!tpu.dma_semaphore, #tpu.memory_space<semaphore_mem>>)
    %add3A_79 = arith.constant 0 : i32
    %add3A_80 = arith.addi %mul3A_2, %add3A_79 : i32
    %dma_start3A_81 = tpu.memref_slice %arg4[%add3A_80] : memref<320000xi32, #tpu.memory_space<hbm>> -> memref<96xi32, #tpu.memory_space<hbm>>
    %dma_start3A_82 = tpu.memref_slice %arg4[%add3A_80] : memref<320000xi32, #tpu.memory_space<hbm>> -> memref<96xi32, #tpu.memory_space<hbm>>
    tpu.enqueue_dma source(%dma_start3A_82 : memref<96xi32, #tpu.memory_space<hbm>>) target(%arg8 : memref<96xi32, #tpu.memory_space<vmem>>) target_semaphore(%arg19 : memref<!tpu.dma_semaphore, #tpu.memory_space<semaphore_mem>>)
    %dma_start3A_83 = arith.constant 96 : i32
    %dma_start3A_84 = tpu.memref_slice %arg7[%dma_start3A_83] : memref<10000xi32, #tpu.memory_space<vmem>> -> memref<96xi32, #tpu.memory_space<vmem>>
    %dma_start3A_85 = arith.constant 0 : i32
    %dma_start3A_86 = arith.constant 0 : i32
    %dma_start3A_87 = tpu.memref_slice %arg2[%dma_start3A_85, %dma_start3A_86] : memref<10000x128xf32, #tpu.memory_space<hbm>> -> memref<10000x128xf32, #tpu.memory_space<hbm>>
    tpu.enqueue_indirect_dma source(%dma_start3A_87 : memref<10000x128xf32, #tpu.memory_space<hbm>>) target(%arg12 : memref<96x128xf32, #tpu.memory_space<vmem>>) offsets(%dma_start3A_84 : memref<96xi32, #tpu.memory_space<vmem>>) semaphore(%arg17 : memref<!tpu.dma_semaphore, #tpu.memory_space<semaphore_mem>>)
    %add3A_88 = arith.constant 96 : i32
    %add3A_89 = arith.addi %mul3A_2, %add3A_88 : i32
    %dma_start3A_90 = tpu.memref_slice %arg4[%add3A_89] : memref<320000xi32, #tpu.memory_space<hbm>> -> memref<96xi32, #tpu.memory_space<hbm>>
    %dma_start3A_91 = tpu.memref_slice %arg4[%add3A_89] : memref<320000xi32, #tpu.memory_space<hbm>> -> memref<96xi32, #tpu.memory_space<hbm>>
    tpu.enqueue_dma source(%dma_start3A_91 : memref<96xi32, #tpu.memory_space<hbm>>) target(%arg9 : memref<96xi32, #tpu.memory_space<vmem>>) target_semaphore(%arg20 : memref<!tpu.dma_semaphore, #tpu.memory_space<semaphore_mem>>)
    %barrier3A = arith.constant 0 : index
    tpu.barrier barrier_id(%barrier3A)
    %scan3A_92 = arith.constant 0 : i32
    %scan3A_93 = arith.constant 0 : i32
    %scan3A_94 = arith.constant 34 : i32
    %scan3A_95 = arith.addi %scan3A_93, %scan3A_94 : i32
    %scan3A_96 = arith.constant 1 : i32
    scf.for %scan3A_154 = %scan3A_93 to %scan3A_95 step %scan3A_96  : i32 {
      %mul3A_155 = arith.constant 3 : i32
      %mul3A_156 = arith.muli %mul3A_155, %scan3A_154 : i32
      %add3A_157 = arith.constant 0 : i32
      %add3A_158 = arith.addi %mul3A_156, %add3A_157 : i32
      %mul3A_159 = arith.constant 96 : i32
      %mul3A_160 = arith.muli %add3A_158, %mul3A_159 : i32
      %dma_wait3A_161 = tpu.memref_slice %arg7[%mul3A_160] : memref<10000xi32, #tpu.memory_space<vmem>> -> memref<96xi32, #tpu.memory_space<vmem>>
      %dma_wait3A_162 = arith.constant 0 : i32
      %dma_wait3A_163 = arith.constant 0 : i32
      %dma_wait3A_164 = tpu.memref_slice %arg2[%dma_wait3A_162, %dma_wait3A_163] : memref<10000x128xf32, #tpu.memory_space<hbm>> -> memref<10000x128xf32, #tpu.memory_space<hbm>>
      tpu.wait_indirect_dma semaphore(%arg16 : memref<!tpu.dma_semaphore, #tpu.memory_space<semaphore_mem>>) src(%dma_wait3A_164 : memref<10000x128xf32, #tpu.memory_space<hbm>>) dst(%arg11 : memref<96x128xf32, #tpu.memory_space<vmem>>)
      %mul3A_165 = arith.constant 96 : i32
      %mul3A_166 = arith.muli %add3A_158, %mul3A_165 : i32
      %add3A_167 = arith.addi %mul3A_2, %mul3A_166 : i32
      %dma_wait3A_168 = tpu.memref_slice %arg4[%add3A_167] : memref<320000xi32, #tpu.memory_space<hbm>> -> memref<96xi32, #tpu.memory_space<hbm>>
      %dma_wait3A_169 = tpu.memref_slice %arg4[%add3A_167] : memref<320000xi32, #tpu.memory_space<hbm>> -> memref<96xi32, #tpu.memory_space<hbm>>
      tpu.wait_dma2 semaphore(%arg19 : memref<!tpu.dma_semaphore, #tpu.memory_space<semaphore_mem>>) src(%dma_wait3A_169 : memref<96xi32, #tpu.memory_space<hbm>>) dst(%arg8 : memref<96xi32, #tpu.memory_space<vmem>>)
      %dma_start3A_170 = arith.constant 0 : i32
      %dma_start3A_171 = arith.constant 0 : i32
      %dma_start3A_172 = tpu.memref_slice %arg6[%dma_start3A_170, %dma_start3A_171] : memref<10000x128xf32, #tpu.memory_space<vmem_shared>> -> memref<10000x128xf32, #tpu.memory_space<vmem_shared>>
      tpu.enqueue_indirect_dma source(%arg11 : memref<96x128xf32, #tpu.memory_space<vmem>>) target(%dma_start3A_172 : memref<10000x128xf32, #tpu.memory_space<vmem_shared>>) offsets(%arg8 : memref<96xi32, #tpu.memory_space<vmem>>) semaphore(%arg22 : memref<!tpu.dma_semaphore, #tpu.memory_space<semaphore_mem>>) {add = true}
      %gt3A = arith.constant 0 : i32
      %gt3A_173 = arith.cmpi sgt, %scan3A_154, %gt3A : i32
      %convert_element_type3A_174 = arith.extui %gt3A_173 : i1 to i32
      %cond3A_175 = arith.constant 0 : i32
      %cond3A_176 = arith.cmpi ne, %convert_element_type3A_174, %cond3A_175 : i32
      scf.if %cond3A_176 {
        %dma_wait3A_258 = arith.constant 0 : i32
        %dma_wait3A_259 = arith.constant 0 : i32
        %dma_wait3A_260 = tpu.memref_slice %arg6[%dma_wait3A_258, %dma_wait3A_259] : memref<10000x128xf32, #tpu.memory_space<vmem_shared>> -> memref<10000x128xf32, #tpu.memory_space<vmem_shared>>
        tpu.wait_indirect_dma semaphore(%arg24 : memref<!tpu.dma_semaphore, #tpu.memory_space<semaphore_mem>>) src(%arg13 : memref<96x128xf32, #tpu.memory_space<vmem>>) dst(%dma_wait3A_260 : memref<10000x128xf32, #tpu.memory_space<vmem_shared>>)
      } else {
      }
      %add3A_177 = arith.constant 2 : i32
      %add3A_178 = arith.addi %add3A_158, %add3A_177 : i32
      %mul3A_179 = arith.constant 96 : i32
      %mul3A_180 = arith.muli %add3A_178, %mul3A_179 : i32
      %dma_start3A_181 = tpu.memref_slice %arg7[%mul3A_180] : memref<10000xi32, #tpu.memory_space<vmem>> -> memref<96xi32, #tpu.memory_space<vmem>>
      %dma_start3A_182 = arith.constant 0 : i32
      %dma_start3A_183 = arith.constant 0 : i32
      %dma_start3A_184 = tpu.memref_slice %arg2[%dma_start3A_182, %dma_start3A_183] : memref<10000x128xf32, #tpu.memory_space<hbm>> -> memref<10000x128xf32, #tpu.memory_space<hbm>>
      tpu.enqueue_indirect_dma source(%dma_start3A_184 : memref<10000x128xf32, #tpu.memory_space<hbm>>) target(%arg13 : memref<96x128xf32, #tpu.memory_space<vmem>>) offsets(%dma_start3A_181 : memref<96xi32, #tpu.memory_space<vmem>>) semaphore(%arg18 : memref<!tpu.dma_semaphore, #tpu.memory_space<semaphore_mem>>)
      %mul3A_185 = arith.constant 96 : i32
      %mul3A_186 = arith.muli %add3A_178, %mul3A_185 : i32
      %add3A_187 = arith.addi %mul3A_2, %mul3A_186 : i32
      %dma_start3A_188 = tpu.memref_slice %arg4[%add3A_187] : memref<320000xi32, #tpu.memory_space<hbm>> -> memref<96xi32, #tpu.memory_space<hbm>>
      %dma_start3A_189 = tpu.memref_slice %arg4[%add3A_187] : memref<320000xi32, #tpu.memory_space<hbm>> -> memref<96xi32, #tpu.memory_space<hbm>>
      tpu.enqueue_dma source(%dma_start3A_189 : memref<96xi32, #tpu.memory_space<hbm>>) target(%arg10 : memref<96xi32, #tpu.memory_space<vmem>>) target_semaphore(%arg21 : memref<!tpu.dma_semaphore, #tpu.memory_space<semaphore_mem>>)
      %mul3A_190 = arith.constant 3 : i32
      %mul3A_191 = arith.muli %mul3A_190, %scan3A_154 : i32
      %add3A_192 = arith.constant 1 : i32
      %add3A_193 = arith.addi %mul3A_191, %add3A_192 : i32
      %mul3A_194 = arith.constant 96 : i32
      %mul3A_195 = arith.muli %add3A_193, %mul3A_194 : i32
      %dma_wait3A_196 = tpu.memref_slice %arg7[%mul3A_195] : memref<10000xi32, #tpu.memory_space<vmem>> -> memref<96xi32, #tpu.memory_space<vmem>>
      %dma_wait3A_197 = arith.constant 0 : i32
      %dma_wait3A_198 = arith.constant 0 : i32
      %dma_wait3A_199 = tpu.memref_slice %arg2[%dma_wait3A_197, %dma_wait3A_198] : memref<10000x128xf32, #tpu.memory_space<hbm>> -> memref<10000x128xf32, #tpu.memory_space<hbm>>
      tpu.wait_indirect_dma semaphore(%arg17 : memref<!tpu.dma_semaphore, #tpu.memory_space<semaphore_mem>>) src(%dma_wait3A_199 : memref<10000x128xf32, #tpu.memory_space<hbm>>) dst(%arg12 : memref<96x128xf32, #tpu.memory_space<vmem>>)
      %mul3A_200 = arith.constant 96 : i32
      %mul3A_201 = arith.muli %add3A_193, %mul3A_200 : i32
      %add3A_202 = arith.addi %mul3A_2, %mul3A_201 : i32
      %dma_wait3A_203 = tpu.memref_slice %arg4[%add3A_202] : memref<320000xi32, #tpu.memory_space<hbm>> -> memref<96xi32, #tpu.memory_space<hbm>>
      %dma_wait3A_204 = tpu.memref_slice %arg4[%add3A_202] : memref<320000xi32, #tpu.memory_space<hbm>> -> memref<96xi32, #tpu.memory_space<hbm>>
      tpu.wait_dma2 semaphore(%arg20 : memref<!tpu.dma_semaphore, #tpu.memory_space<semaphore_mem>>) src(%dma_wait3A_204 : memref<96xi32, #tpu.memory_space<hbm>>) dst(%arg9 : memref<96xi32, #tpu.memory_space<vmem>>)
      %dma_start3A_205 = arith.constant 0 : i32
      %dma_start3A_206 = arith.constant 0 : i32
      %dma_start3A_207 = tpu.memref_slice %arg6[%dma_start3A_205, %dma_start3A_206] : memref<10000x128xf32, #tpu.memory_space<vmem_shared>> -> memref<10000x128xf32, #tpu.memory_space<vmem_shared>>
      tpu.enqueue_indirect_dma source(%arg12 : memref<96x128xf32, #tpu.memory_space<vmem>>) target(%dma_start3A_207 : memref<10000x128xf32, #tpu.memory_space<vmem_shared>>) offsets(%arg9 : memref<96xi32, #tpu.memory_space<vmem>>) semaphore(%arg23 : memref<!tpu.dma_semaphore, #tpu.memory_space<semaphore_mem>>) {add = true}
      %dma_wait3A_208 = arith.constant 0 : i32
      %dma_wait3A_209 = arith.constant 0 : i32
      %dma_wait3A_210 = tpu.memref_slice %arg6[%dma_wait3A_208, %dma_wait3A_209] : memref<10000x128xf32, #tpu.memory_space<vmem_shared>> -> memref<10000x128xf32, #tpu.memory_space<vmem_shared>>
      tpu.wait_indirect_dma semaphore(%arg22 : memref<!tpu.dma_semaphore, #tpu.memory_space<semaphore_mem>>) src(%arg11 : memref<96x128xf32, #tpu.memory_space<vmem>>) dst(%dma_wait3A_210 : memref<10000x128xf32, #tpu.memory_space<vmem_shared>>)
      %add3A_211 = arith.constant 2 : i32
      %add3A_212 = arith.addi %add3A_193, %add3A_211 : i32
      %mul3A_213 = arith.constant 96 : i32
      %mul3A_214 = arith.muli %add3A_212, %mul3A_213 : i32
      %dma_start3A_215 = tpu.memref_slice %arg7[%mul3A_214] : memref<10000xi32, #tpu.memory_space<vmem>> -> memref<96xi32, #tpu.memory_space<vmem>>
      %dma_start3A_216 = arith.constant 0 : i32
      %dma_start3A_217 = arith.constant 0 : i32
      %dma_start3A_218 = tpu.memref_slice %arg2[%dma_start3A_216, %dma_start3A_217] : memref<10000x128xf32, #tpu.memory_space<hbm>> -> memref<10000x128xf32, #tpu.memory_space<hbm>>
      tpu.enqueue_indirect_dma source(%dma_start3A_218 : memref<10000x128xf32, #tpu.memory_space<hbm>>) target(%arg11 : memref<96x128xf32, #tpu.memory_space<vmem>>) offsets(%dma_start3A_215 : memref<96xi32, #tpu.memory_space<vmem>>) semaphore(%arg16 : memref<!tpu.dma_semaphore, #tpu.memory_space<semaphore_mem>>)
      %mul3A_219 = arith.constant 96 : i32
      %mul3A_220 = arith.muli %add3A_212, %mul3A_219 : i32
      %add3A_221 = arith.addi %mul3A_2, %mul3A_220 : i32
      %dma_start3A_222 = tpu.memref_slice %arg4[%add3A_221] : memref<320000xi32, #tpu.memory_space<hbm>> -> memref<96xi32, #tpu.memory_space<hbm>>
      %dma_start3A_223 = tpu.memref_slice %arg4[%add3A_221] : memref<320000xi32, #tpu.memory_space<hbm>> -> memref<96xi32, #tpu.memory_space<hbm>>
      tpu.enqueue_dma source(%dma_start3A_223 : memref<96xi32, #tpu.memory_space<hbm>>) target(%arg8 : memref<96xi32, #tpu.memory_space<vmem>>) target_semaphore(%arg19 : memref<!tpu.dma_semaphore, #tpu.memory_space<semaphore_mem>>)
      %mul3A_224 = arith.constant 3 : i32
      %mul3A_225 = arith.muli %mul3A_224, %scan3A_154 : i32
      %add3A_226 = arith.constant 2 : i32
      %add3A_227 = arith.addi %mul3A_225, %add3A_226 : i32
      %mul3A_228 = arith.constant 96 : i32
      %mul3A_229 = arith.muli %add3A_227, %mul3A_228 : i32
      %dma_wait3A_230 = tpu.memref_slice %arg7[%mul3A_229] : memref<10000xi32, #tpu.memory_space<vmem>> -> memref<96xi32, #tpu.memory_space<vmem>>
      %dma_wait3A_231 = arith.constant 0 : i32
      %dma_wait3A_232 = arith.constant 0 : i32
      %dma_wait3A_233 = tpu.memref_slice %arg2[%dma_wait3A_231, %dma_wait3A_232] : memref<10000x128xf32, #tpu.memory_space<hbm>> -> memref<10000x128xf32, #tpu.memory_space<hbm>>
      tpu.wait_indirect_dma semaphore(%arg18 : memref<!tpu.dma_semaphore, #tpu.memory_space<semaphore_mem>>) src(%dma_wait3A_233 : memref<10000x128xf32, #tpu.memory_space<hbm>>) dst(%arg13 : memref<96x128xf32, #tpu.memory_space<vmem>>)
      %mul3A_234 = arith.constant 96 : i32
      %mul3A_235 = arith.muli %add3A_227, %mul3A_234 : i32
      %add3A_236 = arith.addi %mul3A_2, %mul3A_235 : i32
      %dma_wait3A_237 = tpu.memref_slice %arg4[%add3A_236] : memref<320000xi32, #tpu.memory_space<hbm>> -> memref<96xi32, #tpu.memory_space<hbm>>
      %dma_wait3A_238 = tpu.memref_slice %arg4[%add3A_236] : memref<320000xi32, #tpu.memory_space<hbm>> -> memref<96xi32, #tpu.memory_space<hbm>>
      tpu.wait_dma2 semaphore(%arg21 : memref<!tpu.dma_semaphore, #tpu.memory_space<semaphore_mem>>) src(%dma_wait3A_238 : memref<96xi32, #tpu.memory_space<hbm>>) dst(%arg10 : memref<96xi32, #tpu.memory_space<vmem>>)
      %dma_start3A_239 = arith.constant 0 : i32
      %dma_start3A_240 = arith.constant 0 : i32
      %dma_start3A_241 = tpu.memref_slice %arg6[%dma_start3A_239, %dma_start3A_240] : memref<10000x128xf32, #tpu.memory_space<vmem_shared>> -> memref<10000x128xf32, #tpu.memory_space<vmem_shared>>
      tpu.enqueue_indirect_dma source(%arg13 : memref<96x128xf32, #tpu.memory_space<vmem>>) target(%dma_start3A_241 : memref<10000x128xf32, #tpu.memory_space<vmem_shared>>) offsets(%arg10 : memref<96xi32, #tpu.memory_space<vmem>>) semaphore(%arg24 : memref<!tpu.dma_semaphore, #tpu.memory_space<semaphore_mem>>) {add = true}
      %dma_wait3A_242 = arith.constant 0 : i32
      %dma_wait3A_243 = arith.constant 0 : i32
      %dma_wait3A_244 = tpu.memref_slice %arg6[%dma_wait3A_242, %dma_wait3A_243] : memref<10000x128xf32, #tpu.memory_space<vmem_shared>> -> memref<10000x128xf32, #tpu.memory_space<vmem_shared>>
      tpu.wait_indirect_dma semaphore(%arg23 : memref<!tpu.dma_semaphore, #tpu.memory_space<semaphore_mem>>) src(%arg12 : memref<96x128xf32, #tpu.memory_space<vmem>>) dst(%dma_wait3A_244 : memref<10000x128xf32, #tpu.memory_space<vmem_shared>>)
      %add3A_245 = arith.constant 2 : i32
      %add3A_246 = arith.addi %add3A_227, %add3A_245 : i32
      %mul3A_247 = arith.constant 96 : i32
      %mul3A_248 = arith.muli %add3A_246, %mul3A_247 : i32
      %dma_start3A_249 = tpu.memref_slice %arg7[%mul3A_248] : memref<10000xi32, #tpu.memory_space<vmem>> -> memref<96xi32, #tpu.memory_space<vmem>>
      %dma_start3A_250 = arith.constant 0 : i32
      %dma_start3A_251 = arith.constant 0 : i32
      %dma_start3A_252 = tpu.memref_slice %arg2[%dma_start3A_250, %dma_start3A_251] : memref<10000x128xf32, #tpu.memory_space<hbm>> -> memref<10000x128xf32, #tpu.memory_space<hbm>>
      tpu.enqueue_indirect_dma source(%dma_start3A_252 : memref<10000x128xf32, #tpu.memory_space<hbm>>) target(%arg12 : memref<96x128xf32, #tpu.memory_space<vmem>>) offsets(%dma_start3A_249 : memref<96xi32, #tpu.memory_space<vmem>>) semaphore(%arg17 : memref<!tpu.dma_semaphore, #tpu.memory_space<semaphore_mem>>)
      %mul3A_253 = arith.constant 96 : i32
      %mul3A_254 = arith.muli %add3A_246, %mul3A_253 : i32
      %add3A_255 = arith.addi %mul3A_2, %mul3A_254 : i32
      %dma_start3A_256 = tpu.memref_slice %arg4[%add3A_255] : memref<320000xi32, #tpu.memory_space<hbm>> -> memref<96xi32, #tpu.memory_space<hbm>>
      %dma_start3A_257 = tpu.memref_slice %arg4[%add3A_255] : memref<320000xi32, #tpu.memory_space<hbm>> -> memref<96xi32, #tpu.memory_space<hbm>>
      tpu.enqueue_dma source(%dma_start3A_257 : memref<96xi32, #tpu.memory_space<hbm>>) target(%arg9 : memref<96xi32, #tpu.memory_space<vmem>>) target_semaphore(%arg20 : memref<!tpu.dma_semaphore, #tpu.memory_space<semaphore_mem>>)
    }
    %scan3A_97 = arith.constant 34 : i32
    %dma_wait3A_98 = arith.constant 9792 : i32
    %dma_wait3A_99 = tpu.memref_slice %arg7[%dma_wait3A_98] : memref<10000xi32, #tpu.memory_space<vmem>> -> memref<96xi32, #tpu.memory_space<vmem>>
    %dma_wait3A_100 = arith.constant 0 : i32
    %dma_wait3A_101 = arith.constant 0 : i32
    %dma_wait3A_102 = tpu.memref_slice %arg2[%dma_wait3A_100, %dma_wait3A_101] : memref<10000x128xf32, #tpu.memory_space<hbm>> -> memref<10000x128xf32, #tpu.memory_space<hbm>>
    tpu.wait_indirect_dma semaphore(%arg16 : memref<!tpu.dma_semaphore, #tpu.memory_space<semaphore_mem>>) src(%dma_wait3A_102 : memref<10000x128xf32, #tpu.memory_space<hbm>>) dst(%arg11 : memref<96x128xf32, #tpu.memory_space<vmem>>)
    %add3A_103 = arith.constant 9792 : i32
    %add3A_104 = arith.addi %mul3A_2, %add3A_103 : i32
    %dma_wait3A_105 = tpu.memref_slice %arg4[%add3A_104] : memref<320000xi32, #tpu.memory_space<hbm>> -> memref<96xi32, #tpu.memory_space<hbm>>
    %dma_wait3A_106 = tpu.memref_slice %arg4[%add3A_104] : memref<320000xi32, #tpu.memory_space<hbm>> -> memref<96xi32, #tpu.memory_space<hbm>>
    tpu.wait_dma2 semaphore(%arg19 : memref<!tpu.dma_semaphore, #tpu.memory_space<semaphore_mem>>) src(%dma_wait3A_106 : memref<96xi32, #tpu.memory_space<hbm>>) dst(%arg8 : memref<96xi32, #tpu.memory_space<vmem>>)
    %dma_start3A_107 = arith.constant 0 : i32
    %dma_start3A_108 = arith.constant 0 : i32
    %dma_start3A_109 = tpu.memref_slice %arg6[%dma_start3A_107, %dma_start3A_108] : memref<10000x128xf32, #tpu.memory_space<vmem_shared>> -> memref<10000x128xf32, #tpu.memory_space<vmem_shared>>
    tpu.enqueue_indirect_dma source(%arg11 : memref<96x128xf32, #tpu.memory_space<vmem>>) target(%dma_start3A_109 : memref<10000x128xf32, #tpu.memory_space<vmem_shared>>) offsets(%arg8 : memref<96xi32, #tpu.memory_space<vmem>>) semaphore(%arg22 : memref<!tpu.dma_semaphore, #tpu.memory_space<semaphore_mem>>) {add = true}
    %dma_wait3A_110 = arith.constant 9888 : i32
    %dma_wait3A_111 = tpu.memref_slice %arg7[%dma_wait3A_110] : memref<10000xi32, #tpu.memory_space<vmem>> -> memref<96xi32, #tpu.memory_space<vmem>>
    %dma_wait3A_112 = arith.constant 0 : i32
    %dma_wait3A_113 = arith.constant 0 : i32
    %dma_wait3A_114 = tpu.memref_slice %arg2[%dma_wait3A_112, %dma_wait3A_113] : memref<10000x128xf32, #tpu.memory_space<hbm>> -> memref<10000x128xf32, #tpu.memory_space<hbm>>
    tpu.wait_indirect_dma semaphore(%arg17 : memref<!tpu.dma_semaphore, #tpu.memory_space<semaphore_mem>>) src(%dma_wait3A_114 : memref<10000x128xf32, #tpu.memory_space<hbm>>) dst(%arg12 : memref<96x128xf32, #tpu.memory_space<vmem>>)
    %add3A_115 = arith.constant 9888 : i32
    %add3A_116 = arith.addi %mul3A_2, %add3A_115 : i32
    %dma_wait3A_117 = tpu.memref_slice %arg4[%add3A_116] : memref<320000xi32, #tpu.memory_space<hbm>> -> memref<96xi32, #tpu.memory_space<hbm>>
    %dma_wait3A_118 = tpu.memref_slice %arg4[%add3A_116] : memref<320000xi32, #tpu.memory_space<hbm>> -> memref<96xi32, #tpu.memory_space<hbm>>
    tpu.wait_dma2 semaphore(%arg20 : memref<!tpu.dma_semaphore, #tpu.memory_space<semaphore_mem>>) src(%dma_wait3A_118 : memref<96xi32, #tpu.memory_space<hbm>>) dst(%arg9 : memref<96xi32, #tpu.memory_space<vmem>>)
    %dma_start3A_119 = arith.constant 0 : i32
    %dma_start3A_120 = arith.constant 0 : i32
    %dma_start3A_121 = tpu.memref_slice %arg6[%dma_start3A_119, %dma_start3A_120] : memref<10000x128xf32, #tpu.memory_space<vmem_shared>> -> memref<10000x128xf32, #tpu.memory_space<vmem_shared>>
    tpu.enqueue_indirect_dma source(%arg12 : memref<96x128xf32, #tpu.memory_space<vmem>>) target(%dma_start3A_121 : memref<10000x128xf32, #tpu.memory_space<vmem_shared>>) offsets(%arg9 : memref<96xi32, #tpu.memory_space<vmem>>) semaphore(%arg23 : memref<!tpu.dma_semaphore, #tpu.memory_space<semaphore_mem>>) {add = true}
    %dma_wait3A_122 = arith.constant 9984 : i32
    %dma_wait3A_123 = tpu.memref_slice %arg7[%dma_wait3A_122] : memref<10000xi32, #tpu.memory_space<vmem>> -> memref<16xi32, #tpu.memory_space<vmem>>
    %dma_wait3A_124 = arith.constant 0 : i32
    %dma_wait3A_125 = arith.constant 0 : i32
    %dma_wait3A_126 = tpu.memref_slice %arg2[%dma_wait3A_124, %dma_wait3A_125] : memref<10000x128xf32, #tpu.memory_space<hbm>> -> memref<10000x128xf32, #tpu.memory_space<hbm>>
    tpu.wait_indirect_dma semaphore(%arg25 : memref<!tpu.dma_semaphore, #tpu.memory_space<semaphore_mem>>) src(%dma_wait3A_126 : memref<10000x128xf32, #tpu.memory_space<hbm>>) dst(%arg15 : memref<16x128xf32, #tpu.memory_space<vmem>>)
    %dma_wait3A_127 = tpu.memref_slice %arg4[%add3A_66] : memref<320000xi32, #tpu.memory_space<hbm>> -> memref<16xi32, #tpu.memory_space<hbm>>
    %dma_wait3A_128 = tpu.memref_slice %arg4[%add3A_66] : memref<320000xi32, #tpu.memory_space<hbm>> -> memref<16xi32, #tpu.memory_space<hbm>>
    tpu.wait_dma2 semaphore(%arg26 : memref<!tpu.dma_semaphore, #tpu.memory_space<semaphore_mem>>) src(%dma_wait3A_128 : memref<16xi32, #tpu.memory_space<hbm>>) dst(%arg14 : memref<16xi32, #tpu.memory_space<vmem>>)
    %dma_start3A_129 = arith.constant 0 : i32
    %dma_start3A_130 = arith.constant 0 : i32
    %dma_start3A_131 = tpu.memref_slice %arg6[%dma_start3A_129, %dma_start3A_130] : memref<10000x128xf32, #tpu.memory_space<vmem_shared>> -> memref<10000x128xf32, #tpu.memory_space<vmem_shared>>
    tpu.enqueue_indirect_dma source(%arg15 : memref<16x128xf32, #tpu.memory_space<vmem>>) target(%dma_start3A_131 : memref<10000x128xf32, #tpu.memory_space<vmem_shared>>) offsets(%arg14 : memref<16xi32, #tpu.memory_space<vmem>>) semaphore(%arg27 : memref<!tpu.dma_semaphore, #tpu.memory_space<semaphore_mem>>) {add = true}
    %dma_wait3A_132 = arith.constant 0 : i32
    %dma_wait3A_133 = arith.constant 0 : i32
    %dma_wait3A_134 = tpu.memref_slice %arg6[%dma_wait3A_132, %dma_wait3A_133] : memref<10000x128xf32, #tpu.memory_space<vmem_shared>> -> memref<10000x128xf32, #tpu.memory_space<vmem_shared>>
    tpu.wait_indirect_dma semaphore(%arg22 : memref<!tpu.dma_semaphore, #tpu.memory_space<semaphore_mem>>) src(%arg11 : memref<96x128xf32, #tpu.memory_space<vmem>>) dst(%dma_wait3A_134 : memref<10000x128xf32, #tpu.memory_space<vmem_shared>>)
    %dma_wait3A_135 = arith.constant 0 : i32
    %dma_wait3A_136 = arith.constant 0 : i32
    %dma_wait3A_137 = tpu.memref_slice %arg6[%dma_wait3A_135, %dma_wait3A_136] : memref<10000x128xf32, #tpu.memory_space<vmem_shared>> -> memref<10000x128xf32, #tpu.memory_space<vmem_shared>>
    tpu.wait_indirect_dma semaphore(%arg23 : memref<!tpu.dma_semaphore, #tpu.memory_space<semaphore_mem>>) src(%arg12 : memref<96x128xf32, #tpu.memory_space<vmem>>) dst(%dma_wait3A_137 : memref<10000x128xf32, #tpu.memory_space<vmem_shared>>)
    %dma_wait3A_138 = arith.constant 0 : i32
    %dma_wait3A_139 = arith.constant 0 : i32
    %dma_wait3A_140 = tpu.memref_slice %arg6[%dma_wait3A_138, %dma_wait3A_139] : memref<10000x128xf32, #tpu.memory_space<vmem_shared>> -> memref<10000x128xf32, #tpu.memory_space<vmem_shared>>
    tpu.wait_indirect_dma semaphore(%arg24 : memref<!tpu.dma_semaphore, #tpu.memory_space<semaphore_mem>>) src(%arg13 : memref<96x128xf32, #tpu.memory_space<vmem>>) dst(%dma_wait3A_140 : memref<10000x128xf32, #tpu.memory_space<vmem_shared>>)
    %dma_wait3A_141 = arith.constant 0 : i32
    %dma_wait3A_142 = arith.constant 0 : i32
    %dma_wait3A_143 = tpu.memref_slice %arg6[%dma_wait3A_141, %dma_wait3A_142] : memref<10000x128xf32, #tpu.memory_space<vmem_shared>> -> memref<10000x128xf32, #tpu.memory_space<vmem_shared>>
    tpu.wait_indirect_dma semaphore(%arg27 : memref<!tpu.dma_semaphore, #tpu.memory_space<semaphore_mem>>) src(%arg15 : memref<16x128xf32, #tpu.memory_space<vmem>>) dst(%dma_wait3A_143 : memref<10000x128xf32, #tpu.memory_space<vmem_shared>>)
    %barrier3A_144 = arith.constant 0 : index
    tpu.barrier barrier_id(%barrier3A_144)
    %mul3A_145 = arith.constant 624 : i32
    %mul3A_146 = arith.muli %arg1, %mul3A_145 : i32
    %mul3A_147 = arith.constant 624 : i32
    %mul3A_148 = arith.muli %arg1, %mul3A_147 : i32
    "tpu.region"() ({
      %run_scoped3A = tpu.sem_alloc : memref<!tpu.dma_semaphore, #tpu.memory_space<semaphore_mem>>
      %dma_start3A_154 = arith.constant 0 : i32
      %dma_start3A_155 = tpu.memref_slice %arg5[%arg0, %mul3A_148, %dma_start3A_154] : memref<2x10000x128xf32, #tpu.memory_space<hbm>> -> memref<1x624x128xf32, #tpu.memory_space<hbm>>
      %dma_start3A_156 = tpu.memref_squeeze %dma_start3A_155 : memref<1x624x128xf32, #tpu.memory_space<hbm>> -> memref<624x128xf32, #tpu.memory_space<hbm>>
      %dma_start3A_157 = arith.constant 0 : i32
      %dma_start3A_158 = tpu.memref_slice %arg6[%mul3A_146, %dma_start3A_157] : memref<10000x128xf32, #tpu.memory_space<vmem_shared>> -> memref<624x128xf32, #tpu.memory_space<vmem_shared>>
      tpu.enqueue_dma source(%dma_start3A_158 : memref<624x128xf32, #tpu.memory_space<vmem_shared>>) target(%dma_start3A_156 : memref<624x128xf32, #tpu.memory_space<hbm>>) target_semaphore(%run_scoped3A : memref<!tpu.dma_semaphore, #tpu.memory_space<semaphore_mem>>)
      %dma_wait3A_159 = arith.constant 0 : i32
      %dma_wait3A_160 = tpu.memref_slice %arg5[%arg0, %mul3A_148, %dma_wait3A_159] : memref<2x10000x128xf32, #tpu.memory_space<hbm>> -> memref<1x624x128xf32, #tpu.memory_space<hbm>>
      %dma_wait3A_161 = tpu.memref_squeeze %dma_wait3A_160 : memref<1x624x128xf32, #tpu.memory_space<hbm>> -> memref<624x128xf32, #tpu.memory_space<hbm>>
      %dma_wait3A_162 = arith.constant 0 : i32
      %dma_wait3A_163 = tpu.memref_slice %arg6[%mul3A_146, %dma_wait3A_162] : memref<10000x128xf32, #tpu.memory_space<vmem_shared>> -> memref<624x128xf32, #tpu.memory_space<vmem_shared>>
      tpu.wait_dma2 semaphore(%run_scoped3A : memref<!tpu.dma_semaphore, #tpu.memory_space<semaphore_mem>>) src(%dma_wait3A_163 : memref<624x128xf32, #tpu.memory_space<vmem_shared>>) dst(%dma_wait3A_161 : memref<624x128xf32, #tpu.memory_space<hbm>>)
      tpu.yield
    }) : () -> ()
    %eq3A_149 = arith.constant 15 : i32
    %eq3A_150 = arith.cmpi eq, %arg1, %eq3A_149 : i32
    %convert_element_type3A_151 = arith.extui %eq3A_150 : i1 to i32
    %cond3A_152 = arith.constant 0 : i32
    %cond3A_153 = arith.cmpi ne, %convert_element_type3A_151, %cond3A_152 : i32
    scf.if %cond3A_153 {
      "tpu.region"() ({
        %run_scoped3A = tpu.sem_alloc : memref<!tpu.dma_semaphore, #tpu.memory_space<semaphore_mem>>
        %dma_start3A_154 = arith.constant 9984 : i32
        %dma_start3A_155 = arith.constant 0 : i32
        %dma_start3A_156 = tpu.memref_slice %arg5[%arg0, %dma_start3A_154, %dma_start3A_155] : memref<2x10000x128xf32, #tpu.memory_space<hbm>> -> memref<1x16x128xf32, #tpu.memory_space<hbm>>
        %dma_start3A_157 = tpu.memref_squeeze %dma_start3A_156 : memref<1x16x128xf32, #tpu.memory_space<hbm>> -> memref<16x128xf32, #tpu.memory_space<hbm>>
        %dma_start3A_158 = arith.constant 9984 : i32
        %dma_start3A_159 = arith.constant 0 : i32
        %dma_start3A_160 = tpu.memref_slice %arg6[%dma_start3A_158, %dma_start3A_159] : memref<10000x128xf32, #tpu.memory_space<vmem_shared>> -> memref<16x128xf32, #tpu.memory_space<vmem_shared>>
        tpu.enqueue_dma source(%dma_start3A_160 : memref<16x128xf32, #tpu.memory_space<vmem_shared>>) target(%dma_start3A_157 : memref<16x128xf32, #tpu.memory_space<hbm>>) target_semaphore(%run_scoped3A : memref<!tpu.dma_semaphore, #tpu.memory_space<semaphore_mem>>)
        %dma_wait3A_161 = arith.constant 9984 : i32
        %dma_wait3A_162 = arith.constant 0 : i32
        %dma_wait3A_163 = tpu.memref_slice %arg5[%arg0, %dma_wait3A_161, %dma_wait3A_162] : memref<2x10000x128xf32, #tpu.memory_space<hbm>> -> memref<1x16x128xf32, #tpu.memory_space<hbm>>
        %dma_wait3A_164 = tpu.memref_squeeze %dma_wait3A_163 : memref<1x16x128xf32, #tpu.memory_space<hbm>> -> memref<16x128xf32, #tpu.memory_space<hbm>>
        %dma_wait3A_165 = arith.constant 9984 : i32
        %dma_wait3A_166 = arith.constant 0 : i32
        %dma_wait3A_167 = tpu.memref_slice %arg6[%dma_wait3A_165, %dma_wait3A_166] : memref<10000x128xf32, #tpu.memory_space<vmem_shared>> -> memref<16x128xf32, #tpu.memory_space<vmem_shared>>
        tpu.wait_dma2 semaphore(%run_scoped3A : memref<!tpu.dma_semaphore, #tpu.memory_space<semaphore_mem>>) src(%dma_wait3A_167 : memref<16x128xf32, #tpu.memory_space<vmem_shared>>) dst(%dma_wait3A_164 : memref<16x128xf32, #tpu.memory_space<hbm>>)
        tpu.yield
      }) : () -> ()
    } else {
    }
    return
  }
}

module attributes {stable_mosaic.version = 14 : i64} {
  func.func @body(%arg0: memref<10000x128xf32, #tpu.memory_space<vmem>>, %arg1: memref<128x128xf32, #tpu.memory_space<vmem>>, %arg2: memref<128xf32, #tpu.memory_space<vmem>>, %arg3: memref<2x10000x128xf32, #tpu.memory_space<vmem>>, %arg4: memref<128x128xf32, #tpu.memory_space<vmem>>, %arg5: memref<128xf32, #tpu.memory_space<vmem>>, %arg6: memref<128xf32, #tpu.memory_space<vmem>>, %arg7: memref<128xf32, #tpu.memory_space<vmem>>, %arg8: memref<128x128xf32, #tpu.memory_space<vmem>>, %arg9: memref<128xf32, #tpu.memory_space<vmem>>, %arg10: memref<1xf32, #tpu.memory_space<smem>>, %arg11: memref<10000x128xf32, #tpu.memory_space<vmem>>) attributes {dimension_semantics = [], scalar_prefetch = 0 : i64, scratch_operands = 0 : i64, tpu.core_type = #tpu.core_type<tc>} {
    %get3A = arith.constant 0 : index
    %get3A_0 = arith.constant 0 : index
    %get3A_1 = vector.load %arg0[%get3A, %get3A_0] : memref<10000x128xf32, #tpu.memory_space<vmem>>, vector<10000x128xf32>
    %get3A_2 = arith.constant 0 : index
    %get3A_3 = arith.constant 0 : index
    %get3A_4 = vector.load %arg1[%get3A_2, %get3A_3] : memref<128x128xf32, #tpu.memory_space<vmem>>, vector<128x128xf32>
    %dot_general3A = arith.constant dense<0.000000e+00> : vector<10000x128xf32>
    %dot_general3A_5 = tpu.matmul %get3A_1, %get3A_4, %dot_general3A {dimension_numbers = #tpu.dot_dimension_numbers<[1], [1], [0], [0], [0, 0, 1, 0], [], []>, transpose_lhs_hint = false} : vector<10000x128xf32>, vector<128x128xf32>, vector<10000x128xf32> -> vector<10000x128xf32>
    %get3A_6 = arith.constant 0 : index
    %get3A_7 = vector.load %arg2[%get3A_6] : memref<128xf32, #tpu.memory_space<vmem>>, vector<128xf32>
    %broadcast_in_dim3A = vector.shape_cast %get3A_7 : vector<128xf32> to vector<1x128xf32>
    %add3A = vector.broadcast %broadcast_in_dim3A : vector<1x128xf32> to vector<10000x128xf32>
    %add3A_8 = arith.addf %dot_general3A_5, %add3A : vector<10000x128xf32>
    %get3A_9 = arith.constant 0 : index
    %get3A_10 = memref.load %arg10[%get3A_9] : memref<1xf32, #tpu.memory_space<smem>>
    %add3A_11 = arith.constant 1.000000e+00 : f32
    %add3A_12 = arith.addf %add3A_11, %get3A_10 : f32
    %mul3A = vector.broadcast %add3A_12 : f32 to vector<10000x128xf32>
    %mul3A_13 = arith.mulf %mul3A, %add3A_8 : vector<10000x128xf32>
    %get3A_14 = arith.constant 0 : index
    %get3A_15 = arith.constant 0 : index
    %get3A_16 = arith.constant 0 : index
    %get3A_17 = vector.load %arg3[%get3A_14, %get3A_15, %get3A_16] : memref<2x10000x128xf32, #tpu.memory_space<vmem>>, vector<1x10000x128xf32>
    %get3A_18 = vector.shape_cast %get3A_17 : vector<1x10000x128xf32> to vector<10000x128xf32>
    %add3A_19 = arith.addf %mul3A_13, %get3A_18 : vector<10000x128xf32>
    %get3A_20 = arith.constant 1 : index
    %get3A_21 = arith.constant 0 : index
    %get3A_22 = arith.constant 0 : index
    %get3A_23 = vector.load %arg3[%get3A_20, %get3A_21, %get3A_22] : memref<2x10000x128xf32, #tpu.memory_space<vmem>>, vector<1x10000x128xf32>
    %get3A_24 = vector.shape_cast %get3A_23 : vector<1x10000x128xf32> to vector<10000x128xf32>
    %add3A_25 = arith.addf %add3A_19, %get3A_24 : vector<10000x128xf32>
    %get3A_26 = arith.constant 0 : index
    %get3A_27 = arith.constant 0 : index
    %get3A_28 = vector.load %arg4[%get3A_26, %get3A_27] : memref<128x128xf32, #tpu.memory_space<vmem>>, vector<128x128xf32>
    %dot_general3A_29 = arith.constant dense<0.000000e+00> : vector<10000x128xf32>
    %dot_general3A_30 = tpu.matmul %add3A_25, %get3A_28, %dot_general3A_29 {dimension_numbers = #tpu.dot_dimension_numbers<[1], [1], [0], [0], [0, 0, 1, 0], [], []>, transpose_lhs_hint = false} : vector<10000x128xf32>, vector<128x128xf32>, vector<10000x128xf32> -> vector<10000x128xf32>
    %get3A_31 = arith.constant 0 : index
    %get3A_32 = vector.load %arg5[%get3A_31] : memref<128xf32, #tpu.memory_space<vmem>>, vector<128xf32>
    %broadcast_in_dim3A_33 = vector.shape_cast %get3A_32 : vector<128xf32> to vector<1x128xf32>
    %add3A_34 = vector.broadcast %broadcast_in_dim3A_33 : vector<1x128xf32> to vector<10000x128xf32>
    %add3A_35 = arith.addf %dot_general3A_30, %add3A_34 : vector<10000x128xf32>
    %reduce_sum3A = arith.constant dense<0.000000e+00> : vector<128xf32>
    %reduce_sum3A_36 = vector.multi_reduction <add>, %add3A_35, %reduce_sum3A [0] : vector<10000x128xf32> to vector<128xf32>
    %broadcast_in_dim3A_37 = vector.shape_cast %reduce_sum3A_36 : vector<128xf32> to vector<1x128xf32>
    %div3A = arith.constant 1.000000e+04 : f32
    %div3A_38 = vector.broadcast %div3A : f32 to vector<1x128xf32>
    %div3A_39 = arith.divf %broadcast_in_dim3A_37, %div3A_38 : vector<1x128xf32>
    %sub3A = vector.broadcast %div3A_39 : vector<1x128xf32> to vector<10000x128xf32>
    %sub3A_40 = arith.subf %add3A_35, %sub3A : vector<10000x128xf32>
    %integer_pow3A = arith.mulf %sub3A_40, %sub3A_40 : vector<10000x128xf32>
    %reduce_sum3A_41 = arith.constant dense<0.000000e+00> : vector<128xf32>
    %reduce_sum3A_42 = vector.multi_reduction <add>, %integer_pow3A, %reduce_sum3A_41 [0] : vector<10000x128xf32> to vector<128xf32>
    %broadcast_in_dim3A_43 = vector.shape_cast %reduce_sum3A_42 : vector<128xf32> to vector<1x128xf32>
    %div3A_44 = arith.constant 1.000000e+04 : f32
    %div3A_45 = vector.broadcast %div3A_44 : f32 to vector<1x128xf32>
    %div3A_46 = arith.divf %broadcast_in_dim3A_43, %div3A_45 : vector<1x128xf32>
    %sub3A_47 = vector.broadcast %div3A_39 : vector<1x128xf32> to vector<10000x128xf32>
    %sub3A_48 = arith.subf %add3A_35, %sub3A_47 : vector<10000x128xf32>
    %add3A_49 = arith.constant 9.99999974E-6 : f32
    %add3A_50 = vector.broadcast %add3A_49 : f32 to vector<1x128xf32>
    %add3A_51 = arith.addf %div3A_46, %add3A_50 : vector<1x128xf32>
    %rsqrt3A = math.rsqrt %add3A_51 : vector<1x128xf32>
    %mul3A_52 = vector.broadcast %rsqrt3A : vector<1x128xf32> to vector<10000x128xf32>
    %mul3A_53 = arith.mulf %sub3A_48, %mul3A_52 : vector<10000x128xf32>
    %get3A_54 = arith.constant 0 : index
    %get3A_55 = vector.load %arg6[%get3A_54] : memref<128xf32, #tpu.memory_space<vmem>>, vector<128xf32>
    %broadcast_in_dim3A_56 = vector.shape_cast %get3A_55 : vector<128xf32> to vector<1x128xf32>
    %mul3A_57 = vector.broadcast %broadcast_in_dim3A_56 : vector<1x128xf32> to vector<10000x128xf32>
    %mul3A_58 = arith.mulf %mul3A_53, %mul3A_57 : vector<10000x128xf32>
    %get3A_59 = arith.constant 0 : index
    %get3A_60 = vector.load %arg7[%get3A_59] : memref<128xf32, #tpu.memory_space<vmem>>, vector<128xf32>
    %broadcast_in_dim3A_61 = vector.shape_cast %get3A_60 : vector<128xf32> to vector<1x128xf32>
    %add3A_62 = vector.broadcast %broadcast_in_dim3A_61 : vector<1x128xf32> to vector<10000x128xf32>
    %add3A_63 = arith.addf %mul3A_58, %add3A_62 : vector<10000x128xf32>
    %max3A = arith.constant 0.000000e+00 : f32
    %max3A_64 = vector.broadcast %max3A : f32 to vector<10000x128xf32>
    %max3A_65 = arith.maximumf %add3A_63, %max3A_64 : vector<10000x128xf32>
    %get3A_66 = arith.constant 0 : index
    %get3A_67 = arith.constant 0 : index
    %get3A_68 = vector.load %arg8[%get3A_66, %get3A_67] : memref<128x128xf32, #tpu.memory_space<vmem>>, vector<128x128xf32>
    %dot_general3A_69 = arith.constant dense<0.000000e+00> : vector<10000x128xf32>
    %dot_general3A_70 = tpu.matmul %max3A_65, %get3A_68, %dot_general3A_69 {dimension_numbers = #tpu.dot_dimension_numbers<[1], [1], [0], [0], [0, 0, 1, 0], [], []>, transpose_lhs_hint = false} : vector<10000x128xf32>, vector<128x128xf32>, vector<10000x128xf32> -> vector<10000x128xf32>
    %get3A_71 = arith.constant 0 : index
    %get3A_72 = vector.load %arg9[%get3A_71] : memref<128xf32, #tpu.memory_space<vmem>>, vector<128xf32>
    %broadcast_in_dim3A_73 = vector.shape_cast %get3A_72 : vector<128xf32> to vector<1x128xf32>
    %add3A_74 = vector.broadcast %broadcast_in_dim3A_73 : vector<1x128xf32> to vector<10000x128xf32>
    %add3A_75 = arith.addf %dot_general3A_70, %add3A_74 : vector<10000x128xf32>
    %swap3A = arith.constant 0 : index
    %swap3A_76 = arith.constant 0 : index
    %swap3A_77 = vector.load %arg11[%swap3A, %swap3A_76] : memref<10000x128xf32, #tpu.memory_space<vmem>>, vector<10000x128xf32>
    tpu.vector_store %arg11[%swap3A, %swap3A_76], %add3A_75 {strides = array<i32>} : memref<10000x128xf32, #tpu.memory_space<vmem>>, vector<10000x128xf32>,
    return
  }
}

module attributes {stable_mosaic.version = 14 : i64} {
  func.func @body(%arg0: memref<10000x128xf32, #tpu.memory_space<vmem>>, %arg1: memref<2x10000x128xf32, #tpu.memory_space<vmem>>, %arg2: memref<128x128xf32, #tpu.memory_space<vmem>>, %arg3: memref<128xf32, #tpu.memory_space<vmem>>, %arg4: memref<128xf32, #tpu.memory_space<vmem>>, %arg5: memref<128xf32, #tpu.memory_space<vmem>>, %arg6: memref<128x128xf32, #tpu.memory_space<vmem>>, %arg7: memref<128xf32, #tpu.memory_space<vmem>>, %arg8: memref<1xf32, #tpu.memory_space<smem>>, %arg9: memref<10000x128xf32, #tpu.memory_space<vmem>>) attributes {dimension_semantics = [], scalar_prefetch = 0 : i64, scratch_operands = 0 : i64, tpu.core_type = #tpu.core_type<tc>} {
    %get3A = arith.constant 0 : index
    %get3A_0 = memref.load %arg8[%get3A] : memref<1xf32, #tpu.memory_space<smem>>
    %add3A = arith.constant 1.000000e+00 : f32
    %add3A_1 = arith.addf %add3A, %get3A_0 : f32
    %get3A_2 = arith.constant 0 : index
    %get3A_3 = arith.constant 0 : index
    %get3A_4 = vector.load %arg0[%get3A_2, %get3A_3] : memref<10000x128xf32, #tpu.memory_space<vmem>>, vector<10000x128xf32>
    %mul3A = vector.broadcast %add3A_1 : f32 to vector<10000x128xf32>
    %mul3A_5 = arith.mulf %mul3A, %get3A_4 : vector<10000x128xf32>
    %get3A_6 = arith.constant 0 : index
    %get3A_7 = arith.constant 0 : index
    %get3A_8 = arith.constant 0 : index
    %get3A_9 = vector.load %arg1[%get3A_6, %get3A_7, %get3A_8] : memref<2x10000x128xf32, #tpu.memory_space<vmem>>, vector<1x10000x128xf32>
    %get3A_10 = vector.shape_cast %get3A_9 : vector<1x10000x128xf32> to vector<10000x128xf32>
    %add3A_11 = arith.addf %mul3A_5, %get3A_10 : vector<10000x128xf32>
    %get3A_12 = arith.constant 1 : index
    %get3A_13 = arith.constant 0 : index
    %get3A_14 = arith.constant 0 : index
    %get3A_15 = vector.load %arg1[%get3A_12, %get3A_13, %get3A_14] : memref<2x10000x128xf32, #tpu.memory_space<vmem>>, vector<1x10000x128xf32>
    %get3A_16 = vector.shape_cast %get3A_15 : vector<1x10000x128xf32> to vector<10000x128xf32>
    %add3A_17 = arith.addf %add3A_11, %get3A_16 : vector<10000x128xf32>
    %get3A_18 = arith.constant 0 : index
    %get3A_19 = arith.constant 0 : index
    %get3A_20 = vector.load %arg2[%get3A_18, %get3A_19] : memref<128x128xf32, #tpu.memory_space<vmem>>, vector<128x128xf32>
    %dot_general3A = arith.constant dense<0.000000e+00> : vector<10000x128xf32>
    %dot_general3A_21 = tpu.matmul %add3A_17, %get3A_20, %dot_general3A {dimension_numbers = #tpu.dot_dimension_numbers<[1], [1], [0], [0], [0, 0, 1, 0], [], []>, transpose_lhs_hint = false} : vector<10000x128xf32>, vector<128x128xf32>, vector<10000x128xf32> -> vector<10000x128xf32>
    %get3A_22 = arith.constant 0 : index
    %get3A_23 = vector.load %arg3[%get3A_22] : memref<128xf32, #tpu.memory_space<vmem>>, vector<128xf32>
    %broadcast_in_dim3A = vector.shape_cast %get3A_23 : vector<128xf32> to vector<1x128xf32>
    %add3A_24 = vector.broadcast %broadcast_in_dim3A : vector<1x128xf32> to vector<10000x128xf32>
    %add3A_25 = arith.addf %dot_general3A_21, %add3A_24 : vector<10000x128xf32>
    %reduce_sum3A = arith.constant dense<0.000000e+00> : vector<128xf32>
    %reduce_sum3A_26 = vector.multi_reduction <add>, %add3A_25, %reduce_sum3A [0] : vector<10000x128xf32> to vector<128xf32>
    %broadcast_in_dim3A_27 = vector.shape_cast %reduce_sum3A_26 : vector<128xf32> to vector<1x128xf32>
    %div3A = arith.constant 1.000000e+04 : f32
    %div3A_28 = vector.broadcast %div3A : f32 to vector<1x128xf32>
    %div3A_29 = arith.divf %broadcast_in_dim3A_27, %div3A_28 : vector<1x128xf32>
    %sub3A = vector.broadcast %div3A_29 : vector<1x128xf32> to vector<10000x128xf32>
    %sub3A_30 = arith.subf %add3A_25, %sub3A : vector<10000x128xf32>
    %integer_pow3A = arith.mulf %sub3A_30, %sub3A_30 : vector<10000x128xf32>
    %reduce_sum3A_31 = arith.constant dense<0.000000e+00> : vector<128xf32>
    %reduce_sum3A_32 = vector.multi_reduction <add>, %integer_pow3A, %reduce_sum3A_31 [0] : vector<10000x128xf32> to vector<128xf32>
    %broadcast_in_dim3A_33 = vector.shape_cast %reduce_sum3A_32 : vector<128xf32> to vector<1x128xf32>
    %div3A_34 = arith.constant 1.000000e+04 : f32
    %div3A_35 = vector.broadcast %div3A_34 : f32 to vector<1x128xf32>
    %div3A_36 = arith.divf %broadcast_in_dim3A_33, %div3A_35 : vector<1x128xf32>
    %sub3A_37 = vector.broadcast %div3A_29 : vector<1x128xf32> to vector<10000x128xf32>
    %sub3A_38 = arith.subf %add3A_25, %sub3A_37 : vector<10000x128xf32>
    %add3A_39 = arith.constant 9.99999974E-6 : f32
    %add3A_40 = vector.broadcast %add3A_39 : f32 to vector<1x128xf32>
    %add3A_41 = arith.addf %div3A_36, %add3A_40 : vector<1x128xf32>
    %rsqrt3A = math.rsqrt %add3A_41 : vector<1x128xf32>
    %mul3A_42 = vector.broadcast %rsqrt3A : vector<1x128xf32> to vector<10000x128xf32>
    %mul3A_43 = arith.mulf %sub3A_38, %mul3A_42 : vector<10000x128xf32>
    %get3A_44 = arith.constant 0 : index
    %get3A_45 = vector.load %arg4[%get3A_44] : memref<128xf32, #tpu.memory_space<vmem>>, vector<128xf32>
    %broadcast_in_dim3A_46 = vector.shape_cast %get3A_45 : vector<128xf32> to vector<1x128xf32>
    %mul3A_47 = vector.broadcast %broadcast_in_dim3A_46 : vector<1x128xf32> to vector<10000x128xf32>
    %mul3A_48 = arith.mulf %mul3A_43, %mul3A_47 : vector<10000x128xf32>
    %get3A_49 = arith.constant 0 : index
    %get3A_50 = vector.load %arg5[%get3A_49] : memref<128xf32, #tpu.memory_space<vmem>>, vector<128xf32>
    %broadcast_in_dim3A_51 = vector.shape_cast %get3A_50 : vector<128xf32> to vector<1x128xf32>
    %add3A_52 = vector.broadcast %broadcast_in_dim3A_51 : vector<1x128xf32> to vector<10000x128xf32>
    %add3A_53 = arith.addf %mul3A_48, %add3A_52 : vector<10000x128xf32>
    %max3A = arith.constant 0.000000e+00 : f32
    %max3A_54 = vector.broadcast %max3A : f32 to vector<10000x128xf32>
    %max3A_55 = arith.maximumf %add3A_53, %max3A_54 : vector<10000x128xf32>
    %get3A_56 = arith.constant 0 : index
    %get3A_57 = arith.constant 0 : index
    %get3A_58 = vector.load %arg6[%get3A_56, %get3A_57] : memref<128x128xf32, #tpu.memory_space<vmem>>, vector<128x128xf32>
    %dot_general3A_59 = arith.constant dense<0.000000e+00> : vector<10000x128xf32>
    %dot_general3A_60 = tpu.matmul %max3A_55, %get3A_58, %dot_general3A_59 {dimension_numbers = #tpu.dot_dimension_numbers<[1], [1], [0], [0], [0, 0, 1, 0], [], []>, transpose_lhs_hint = false} : vector<10000x128xf32>, vector<128x128xf32>, vector<10000x128xf32> -> vector<10000x128xf32>
    %get3A_61 = arith.constant 0 : index
    %get3A_62 = vector.load %arg7[%get3A_61] : memref<128xf32, #tpu.memory_space<vmem>>, vector<128xf32>
    %broadcast_in_dim3A_63 = vector.shape_cast %get3A_62 : vector<128xf32> to vector<1x128xf32>
    %add3A_64 = vector.broadcast %broadcast_in_dim3A_63 : vector<1x128xf32> to vector<10000x128xf32>
    %add3A_65 = arith.addf %dot_general3A_60, %add3A_64 : vector<10000x128xf32>
    %swap3A = arith.constant 0 : index
    %swap3A_66 = arith.constant 0 : index
    %swap3A_67 = vector.load %arg9[%swap3A, %swap3A_66] : memref<10000x128xf32, #tpu.memory_space<vmem>>, vector<10000x128xf32>
    tpu.vector_store %arg9[%swap3A, %swap3A_66], %add3A_65 {strides = array<i32>} : memref<10000x128xf32, #tpu.memory_space<vmem>>, vector<10000x128xf32>,
    return
  }
}

</mosaic_0001>

<sc_bundles>
// kernel: kernel.6.cloned.1.call-start
scs
__scs_entry_jumppad:
0x0: {  	(pc) =	sbr.rel $0x88, $3  }
0x1: {  	(tag) =	ssettag $0x0;
	lr =	simm.s32 $0x1  }
0x2: {  	[smem:$0x3F8D] =	sst lr;
	_ =	strace $0xD0000000  }
0x3: {  	_ = 	snop  }
0x4: {  	_ = 	snop  }
0x5: {  	_ = 	snop  }
0x6: {  	_ = 	snop  }
0x7: {  	_ = 	snop  }
__scs_overlays_trampoline_lowered:
0x8: {  	[smem:$0x3F9C] =	sst s0  }
0x9: {  	[smem:$0x3F9D] =	sst s1  }
0xa: {  	[smem:$0x3F9E] =	sst s2  }
0xb: {  	[smem:$0x3F9F] =	sst s3  }
0xc: {  	[smem:$0x3FA0] =	sst s4  }
0xd: {  	[smem:$0x3FA1] =	sst s5  }
0xe: {  	[smem:$0x3FA2] =	sst s6  }
0xf: {  	[smem:$0x3FA3] =	sst s7  }
0x10: {  	[smem:$0x3FA4] =	sst s8  }
0x11: {  	[smem:$0x3FA5] =	sst s9;
	s0 =	simm.s32 @!p0 $0x0  }
0x12: {  	s1 =	sld [smem:$0x3F8B];
	s0 =	simm.s32 @p0 $0x1  }
0x13: {  	[smem:$0x3FA6] =	sst s0;
	s0 =	simm.s32 @!p1 $0x0  }
0x14: {  	s2 =	sld [smem:$0x3F8A];
	s0 =	simm.s32 @p1 $0x1  }
0x15: {  	[smem:$0x3FA7] =	sst s0;
	s0 =	simm.s32 @!p2 $0x0  }
0x16: {  	s3 =	sld [smem:$0x3FDB];
	s0 =	simm.s32 @p2 $0x1  }
0x17: {  	s4 =	simm.s32 $0x1BF5;
	[smem:$0x3FA9] =	sst s0  }
0x18: {  	s0 =	sld [smem:$0x3F8C];
	_ =	swait.ge [sflag:s4], $0x0  }
0x19: {  	s7 =	sld [smem:$0x3F8D]  }
0x1a: {  	s8 =	sadd.s32 $0xFFFFE003, lr  }
0x1b: {  	s9 =	sadd.s32 $0xFFFFFEF7, lr;
	s5 =	simm.s32 $0xFFFFFFFF;
	p2 =	slt.u32 s8, $0xFFFFF086  }
0x1c: {  	p1 =	slt.u32 s9, $0xF7A;
	s5 =	simm.s32 @!p2 $0x0  }
0x1d: {  	s5 =	simm.s32 @p1 $0x1;
	p0 =	seq.s32 s7, s2  }
0x1e: {  	s7 =	smul.u32 @!p0 $0xF7A, s2;
	p2 =	seq.s32 @!p0 s5, $0x0  }
0x1f: {  	s9 =	smul.u32 $0xF7A, s1;
	s8 =	simm.s32 @!p0 $0x1BF5;
	p2 =	por !p2, p0  }
0x20: {  	[sflag:s8] =	ssyncset.s32 @!p0 $0xFFFFF086;
	s6 =	sadd.s32 @!p0 s3, s7;
	s7 =	simm.s32 @!p0 $0x108  }
0x21: {  	s3 =	sadd.s32 s3, s9;
	s6 =	sadd.s32 @!p0 $0x88, s6;
	s7 =	simm.s32 @p2 $0x1082  }
0x22: {  	[simem:s7], [sflag:s8] =	dma.local @!p0 [hbm:s6], $0xF7A  }
0x23: {  	s9 =	sor.u32 $0xD0000000, s2;
	s6 =	simm.s32 $0x108;
	_ =	swait.ge @!p0 [sflag:s8], $0x0  }
0x24: {  	s3 =	sadd.s32 $0x88, s3;
	s6 =	simm.s32 @!p1 $0x1082;
	[sflag:s4] =	ssyncset.s32 $0xFFFFF086  }
0x25: {  	[simem:s6], [sflag:s4] =	dma.local [hbm:s3], $0xF7A  }
0x26: {  	[smem:$0x3F8D] =	sst s1;
	(tag) =	ssettag s2;
	_ =	strace s9  }
0x27: {  	s1 =	sld [smem:$0x3F9D]  }
0x28: {  	s2 =	sld [smem:$0x3F9E]  }
0x29: {  	s4 =	sld [smem:$0x3FA0]  }
0x2a: {  	p0 =	seq.s32 s5, $0x0;
	s5 =	sld [smem:$0x3FA1]  }
0x2b: {  	s6 =	sld [smem:$0x3FA2]  }
0x2c: {  	s7 =	sld [smem:$0x3FA3]  }
0x2d: {  	s3 =	simm.s32 $0x108;
	s8 =	sld [smem:$0x3FA4]  }
0x2e: {  	s3 =	simm.s32 @!p0 $0x1082;
	s9 =	sld [smem:$0x3FA5]  }
0x2f: {  	lr =	sadd.s32 s0, s3;
	s0 =	sld [smem:$0x3F9C]  }
0x30: {  	s3 =	sld [smem:$0x3F9F]  }
0x31: {  	[smem:$0x3FA8] =	sst s10  }
0x32: {  	s10 =	sld [smem:$0x3FA6];
	_ =	sdelay $0x3  }
0x33: {  	p0 =	seq.s32 s10, $0x1;
	s10 =	sld [smem:$0x3FA8];
	_ =	sdelay $0x3  }
0x34: {  	[smem:$0x3FA8] =	sst s10  }
0x35: {  	s10 =	sld [smem:$0x3FA7];
	_ =	sdelay $0x3  }
0x36: {  	p1 =	seq.s32 s10, $0x1;
	s10 =	sld [smem:$0x3FA8];
	_ =	sdelay $0x3  }
0x37: {  	[smem:$0x3FA8] =	sst s10  }
0x38: {  	s10 =	sld [smem:$0x3FA9]  }
0x39: {  	_ = 	snop;
	(pc) =	sbr.ind lr, $3  }
0x3a: {  	_ = 	snop  }
0x3b: {  	_ = 	snop  }
0x3c: {  	p2 =	seq.s32 s10, $0x1;
	s10 =	sld [smem:$0x3FA8]  }
0x3d: {  	_ =	shalt  }
0x3e: {  	_ =	shalt  }
0x3f: {  	_ =	shalt  }
0x40: {  	_ =	shalt  }
0x41: {  	_ =	shalt  }
0x42: {  	_ =	shalt  }
0x43: {  	_ =	shalt  }
0x44: {  	_ =	shalt  }
0x45: {  	_ =	shalt  }
0x46: {  	_ =	shalt  }
0x47: {  	_ =	shalt  }
0x48: {  	_ =	shalt  }
0x49: {  	_ =	shalt  }
0x4a: {  	_ =	shalt  }
0x4b: {  	_ =	shalt  }
0x4c: {  	_ =	shalt  }
0x4d: {  	_ =	shalt  }
0x4e: {  	_ =	shalt  }
0x4f: {  	_ =	shalt  }
0x50: {  	_ =	shalt  }
0x51: {  	_ =	shalt  }
0x52: {  	_ =	shalt  }
0x53: {  	_ =	shalt  }
0x54: {  	_ =	shalt  }
0x55: {  	_ =	shalt  }
0x56: {  	_ =	shalt  }
0x57: {  	_ =	shalt  }
0x58: {  	_ =	shalt  }
0x59: {  	_ =	shalt  }
0x5a: {  	_ =	shalt  }
0x5b: {  	_ =	shalt  }
0x5c: {  	_ =	shalt  }
0x5d: {  	_ =	shalt  }
0x5e: {  	_ =	shalt  }
0x5f: {  	_ =	shalt  }
0x60: {  	_ =	shalt  }
0x61: {  	_ =	shalt  }
0x62: {  	_ =	shalt  }
0x63: {  	_ =	shalt  }
0x64: {  	_ =	shalt  }
0x65: {  	_ =	shalt  }
0x66: {  	_ =	shalt  }
0x67: {  	_ =	shalt  }
0x68: {  	_ =	shalt  }
0x69: {  	_ =	shalt  }
0x6a: {  	_ =	shalt  }
0x6b: {  	_ =	shalt  }
0x6c: {  	_ =	shalt  }
0x6d: {  	_ =	shalt  }
0x6e: {  	_ =	shalt  }
0x6f: {  	_ =	shalt  }
0x70: {  	_ =	shalt  }
0x71: {  	_ =	shalt  }
0x72: {  	_ =	shalt  }
0x73: {  	_ =	shalt  }
0x74: {  	_ =	shalt  }
0x75: {  	_ =	shalt  }
0x76: {  	_ =	shalt  }
0x77: {  	_ =	shalt  }
0x78: {  	_ =	shalt  }
0x79: {  	_ =	shalt  }
0x7a: {  	_ =	shalt  }
0x7b: {  	_ =	shalt  }
0x7c: {  	_ =	shalt  }
0x7d: {  	_ =	shalt  }
0x7e: {  	_ =	shalt  }
0x7f: {  	_ =	shalt  }
0x80: {  	_ =	shalt  }
0x81: {  	_ =	shalt  }
0x82: {  	_ =	shalt  }
0x83: {  	_ =	shalt  }
0x84: {  	_ =	shalt  }
0x85: {  	_ =	shalt  }
0x86: {  	_ =	shalt  }
0x87: {  	_ =	shalt  }
.Lfunc_end0:
.L_simem_size_0:
called_computation_lowered:
.L_overlay_start_0:
0x88: {  	s2 =	sld [smem:$0x3FD9]  }
0x89: {  	s3 =	sld [smem:$0x3FFE];
	_ =	sdelay $0x1  }
0x8a: {  	s1 =	srdreg.scid  }
0x8b: {  	s0 =	sand.u32 $0x1, s1  }
0x8c: {  	s14 =	sshll.u32 s0, $0xA;
	s2 =	sadd.s32 s3, s2  }
0x8d: {  	s2 =	sadd.s32 s2, s14  }
0x8e: {  	[smem:$0x3FB4] =	sst s2  }
0x8f: {  	_ = 	snop  }
0x90: {  	s2 =	sld [smem:$0x3FD0];
	_ =	sdelay $0x2  }
0x91: {  	s4 =	simm.s32 $0xA;
	s5 =	simm.s32 $0x10;
	s15 =	sld [smem:$0x3FC9]  }
0x92: {  	[smem:s5], [sflag:s4] =	dma.local [hbm:s2], $0x1  }
0x93: {  	_ =	swait.eq [sflag:s4], $0x1  }
0x94: {  	[sflag:s4] =	ssyncset.done $0x0  }
0x95: {  	s16 =	sld [smem:$0x10];
	[sflag:s4] =	ssyncadd.s32 $0xFFFFFFFF  }
0x96: {  	s17 =	sld [smem:$0x11];
	(tm) =	ssettm $0x1  }
0x97: {  	s18 =	sld [smem:$0x3FFB];
	_ =	sdelay $0x3  }
0x98: {  	_ =	strace s18  }
0x99: {  	s5 =	sld [smem:$0x3FFC];
	_ =	sdelay $0x3  }
0x9a: {  	_ =	strace s5  }
0x9b: {  	s5 =	sld [smem:$0x3FFD];
	_ =	sdelay $0x3  }
0x9c: {  	_ =	strace s5  }
0x9d: {  	_ =	strace $0x8FFFFFFF  }
0x9e: {  	s19 =	sld [smem:$0x3FDB];
	_ =	sdelay $0x1  }
0x9f: {  	s6 =	simm.s32 $_scs_section_size  }
0xa0: {  	s7 =	simm.s32 $_size__tile_overlayer_lowered;
	s8 =	simm.s32 $_tile_overlayer_lowered  }
0xa1: {  	s22 =	simm.s32 $0x1BFF;
	s21 =	sshll.u32 s8, $0x1;
	s5 =	sadd.s32 s6, s19  }
0xa2: {  	s9 =	simm.s32 $0x0;
	s20 =	sshll.u32 s7, $0x1;
	s7 =	sadd.s32 s21, s5  }
0xa3: {  	[timem:s9], [sflag:s22] =	dma.local [hbm:s7], s20  }
0xa4: {  	_ =	swait.ge [sflag:s22], s20  }
0xa5: {  	s6 =	ssub.s32 $0x0, s20;
	[sflag:s22] =	ssyncset.done $0x0  }
0xa6: {  	[sflag:s22] =	ssyncadd.s32 s6;
	_ =	sdelay $0x1  }
0xa7: {  	s23 =	simm.s32 $0x1B8B  }
0xa8: {  	_ =	swait.ge [sflag:s23], $0x1  }
0xa9: {  	[sflag:s23] =	ssyncset.done $0x0  }
0xaa: {  	s25 =	simm.s32 $0x1B8E;
	s24 =	sld [smem:$0x3FFE];
	[sflag:s23] =	ssyncadd.s32 $0xFFFFFFFF  }
0xab: {  	s26 =	simm.s32 $execute0_lowered;
	[smem:$0x3FD2] =	sst s25  }
0xac: {  	s7 =	sshll.u32 s26, $0x1;
	_ =	strace $0x80000046;
	[dreg:$0x1] =	wrdreg $0xFFFFFFFF  }
0xad: {  	s28 =	simm.s32 $_size_execute0_lowered;
	s5 =	sadd.s32 s5, s7;
	[dreg:$0x0] =	wrdreg $0x0  }
0xae: {  	s7 =	sshll.u32 s28, $0x1;
	[dreg:$0x2] =	wrdreg s5  }
0xaf: {  	[dreg:$0x3] =	wrdreg s7  }
0xb0: {  	[dreg:$0x4] =	wrdreg $0xC0  }
0xb1: {  	_ =	task [dreg:s9], $0x5FFFF  }
0xb2: {  	[dreg:$0x1] =	wrdreg $0xFFFFFFFF  }
0xb3: {  	[dreg:$0x0] =	wrdreg $0x60  }
0xb4: {  	[dreg:$0x2] =	wrdreg s15  }
0xb5: {  	[dreg:$0x3] =	wrdreg s17  }
0xb6: {  	[dreg:$0x4] =	wrdreg s16  }
0xb7: {  	[dreg:$0x5] =	wrdreg s24  }
0xb8: {  	[dreg:$0x6] =	wrdreg $0x0  }
0xb9: {  	[dreg:$0x7] =	wrdreg $0x9  }
0xba: {  	_ =	task.clear_ibuf [dreg:s9], $0x8FFFF;
	_ =	strace $0x90000046  }
0xbb: {  	s29 =	simm.s32 $0x9;
	_ =	strace $0x80000048  }
0xbc: {  	_ =	swait.ge [sflag:s29], $0x1  }
0xbd: {  	[sflag:s29] =	ssyncadd.s32 $0xFFFFFFFF  }
0xbe: {  	_ =	strace $0x90000048  }
0xbf: {  	_ =	sfence  }
0xc0: {  	s30 =	sld [smem:$0x0];
	_ =	sdelay $0x2  }
0xc1: {  	s31 =	sshll.u32 s1, $0xD;
	s1 =	sshrl.u32 s1, $0x2  }
0xc2: {  	s3 =	sand.u32 $0x4000, s31;
	s1 =	sadd.s32 s1, s30  }
0xc3: {  	s0 =	sor.u32 s3, s0;
	s1 =	sshll.u32 s1, $0x11  }
0xc4: {  	s0 =	sor.u32 s1, s0  }
0xc5: {  	s0 =	sadd.s32 $0x8F2B, s0  }
0xc6: {  	[sflag:s0] =	ssyncadd.remote.s32 $0x1  }
0xc7: {  	_ =	sfence.sel $0xFFFF  }
0xc8: {  	[dreg:$0x0] =	wrdreg $0xFFFFFFFF;
	(pc) =	sbr.abs _section_cstart, $3  }
0xc9: {  	[dreg:$0x1] =	wrdreg $0xFFFFFFFF  }
0xca: {  	_ =	task.clear_ibuf [dreg:s9], $0x2FFFF;
	_ =	strace $0x9FFFFFFF  }
0xcb: {  	(tm) =	ssettm $0x7FFFFFFF  }
tec
execute0_lowered:
.L_overlay_start_1:
0x0: {  	(tag) =	ssettag $0x1  }
0x1: {  	s1 =	rddreg [dreg:$0x0]  }
0x2: {  	s0 =	rddreg [dreg:$0x1]  }
0x3: {  	s2 =	rddreg [dreg:$0x2]  }
0x4: {  	s5 =	rddreg [dreg:$0x3]  }
0x5: {  	s3 =	rddreg [dreg:$0x4]  }
0x6: {  	s6 =	srdreg.scid;
	s12 =	stileid.u32  }
0x7: {  	s4 =	simm.s32 $0x0;
	s31 =	simm.s32 $0x13880;
	s28 =	simm.s32 $0x6  }
0x8: {  	s29 =	simm.s32 $0x8;
	s30 =	simm.s32 $0x9;
	s8 =	smul.u32 $0x4E000, s12  }
0x9: {  	s6 =	sand.u32 $0x1, s6;
	s7 =	sshll.u32 s12, $0x1;
	[smem:$0x7FF] =	sst s4  }
0xa: {  	s10 =	sadd.s32 $0x2800, s5;
	s20 =	smul.u32 $0x13800, s12;
	s8 =	sshrl.u32 s8, $0x2  }
0xb: {  	s22 =	smul.u32 $0x4E20, s12;
	p0 =	sne.s32 s12, $0xF;
	s5 =	sadd.s32 s8, s3  }
0xc: {  	s26 =	sadd.s32 $0x138000, s3;
	s12 =	simm.s32 $0x60;
	s14 =	sadd.s32 $0x1800, s5  }
0xd: {  	_ =	strace $0x80000047;
	s15 =	sadd.s32 $0x3000, s5;
	[dreg:$0x7] =	wrdreg s14  }
0xe: {  	s7 =	sor.u32 s6, s7;
	s16 =	sadd.s32 $0x4800, s5;
	[dreg:$0x8] =	wrdreg s15  }
0xf: {  	s9 =	ssub.s32 $0x2, s6;
	s17 =	sadd.s32 $0x6000, s5;
	[dreg:$0x9] =	wrdreg s16  }
0x10: {  	s18 =	smul.u32 $0x138800, s6;
	s8 =	sadd.s32 $0x7800, s5;
	[dreg:$0xa] =	wrdreg s17  }
0x11: {  	s6 =	smul.u32 $0x2710, s6;
	s19 =	sadd.s32 $0x9000, s5;
	[dreg:$0xb] =	wrdreg s8  }
0x12: {  	s7 =	smul.u32 $0x2710, s7;
	s11 =	sadd.s32 $0xA800, s5;
	[dreg:$0xc] =	wrdreg s19  }
0x13: {  	s13 =	sshrl.u32 s9, $0x1;
	s21 =	sadd.s32 $0xC000, s5;
	[dreg:$0xd] =	wrdreg s11  }
0x14: {  	s9 =	ssub.s32 s9, s13;
	s13 =	sadd.s32 $0xD800, s5;
	[dreg:$0xe] =	wrdreg s21  }
0x15: {  	s6 =	sadd.s32 s6, s22;
	s23 =	sadd.s32 $0xF000, s5;
	[dreg:$0xf] =	wrdreg s13  }
0x16: {  	s7 =	sshrl.u32 s7, $0x3;
	s24 =	sadd.s32 $0x10800, s5;
	[dreg:$0x10] =	wrdreg s23  }
0x17: {  	s0 =	sadd.s32 s0, s7;
	[dreg:$0x11] =	wrdreg s24;
	s25 =	sadd.s32 s2, s7  }
0x18: {  	s8 =	sadd.s32 s20, s18;
	s11 =	sadd.s32 $0x2A0, s6;
	s14 =	sadd.s32 $0x240, s6  }
0x19: {  	s6 =	sadd.s32 $0x1E0, s6;
	s16 =	sadd.s32 $0x12000, s5;
	s17 =	smax.u32 s9, $0x1  }
0x1a: {  	s13 =	simm.s32 $0x16000;
	[dreg:$0x6] =	wrdreg s0;
	s7 =	sshrl.u32 s8, $0x3  }
0x1b: {  	s0 =	sshrl.u32 s18, $0x3;
	s15 =	sshrl.u32 s14, $0x3;
	[dreg:$0x14] =	wrdreg s16  }
0x1c: {  	s6 =	sshrl.u32 s6, $0x3;
	[dreg:$0x16] =	wrdreg s17;
	s18 =	sadd.s32 $0x4E0, s25  }
0x1d: {  	s19 =	sadd.s32 $0xC, s25;
	s23 =	sadd.s32 $0x18, s25;
	[dreg:$0x12] =	wrdreg s25  }
0x1e: {  	s24 =	sadd.s32 $0x24, s25;
	s25 =	sadd.s32 $0x30, s25;
	[dreg:$0x17] =	wrdreg s18  }
0x1f: {  	s8 =	simm.s32 $0x1;
	s14 =	simm.s32 $0x19180;
	[dreg:$0x18] =	wrdreg s19  }
0x20: {  	s16 =	simm.s32 $0x4;
	s17 =	simm.s32 $0x1C180;
	[dreg:$0x19] =	wrdreg s23  }
0x21: {  	s7 =	sadd.s32 s10, s7;
	s0 =	sadd.s32 s10, s0;
	[dreg:$0x1a] =	wrdreg s24  }
0x22: {  	s21 =	sadd.s32 s15, s2;
	s22 =	sadd.s32 s6, s2;
	[dreg:$0x1b] =	wrdreg s25  }
0x23: {  	s6 =	simm.s32 $0x16180;
	s15 =	simm.s32 $0x16080;
	s19 =	simm.s32 $0x16100  }
0x24: {  	s23 =	simm.s32 $0x2;
	s24 =	simm.s32 $0x5;
	s25 =	simm.s32 $0x7  }
0x25: {  	[dreg:$0x13] =	wrdreg s7;
	s7 =	sshrl.u32 s11, $0x3;
	s0 =	sadd.s32 $0x27000, s0  }
0x26: {  	s10 =	simm.s32 $0x0;
	s20 =	sadd.s32 s7, s2;
	[dreg:$0x15] =	wrdreg s0  }
0x27: {  	v0 =	vimm.f32 $0.0e+00;
	s7 =	simm.s32 $0xD;
	s2 =	simm.s32 $0x3;
	s0 =	simm.s32 $0xC  }
.LBB2_1:
0x28: {  	s9 =	rddreg [dreg:$0x6];
	s11 =	simm.s32 $0x0;
	s18 =	simm.s32 $0x200  }
0x29: {  	[tilespmem:s31], [sflag:$0x1] =	stream.linear.gather [hbm4b:s9+s4], $0x2710, $0x38;
	[tilespmem:$0x1FA00] =	vst v63  }
.LBB2_2:
0x2a: {  	p1 =	sne.s32 s18, $0x5E00;
	[tilespmem:s11+$0x161F0] =	vst v0  }
0x2b: {  	[tilespmem:s11+$0x16180] =	vst v0  }
0x2c: {  	[tilespmem:s11+$0x16190] =	vst v0  }
.Ltmp0:
0x2d: {  	[tilespmem:s11+$0x161A0] =	vst v0;
	(pc) =	sbr.rel @p1 .LBB2_2-.Ltmp0, $4  }
0x2e: {  	[tilespmem:s11+$0x161B0] =	vst v0  }
0x2f: {  	[tilespmem:s11+$0x161C0] =	vst v0  }
0x30: {  	[tilespmem:s11+$0x161D0] =	vst v0  }
0x31: {  	[tilespmem:s11+$0x161E0] =	vst v0;
	s11 =	sshra.s32 s18, $0x2;
	s18 =	sadd.s32 $0x200, s18  }
0x32: {  	[tilespmem:s11+$0x161F0] =	vst v0  }
0x33: {  	[tilespmem:s11+$0x16180] =	vst v0  }
0x34: {  	[tilespmem:s11+$0x16190] =	vst v0  }
0x35: {  	[tilespmem:s11+$0x161A0] =	vst v0  }
0x36: {  	[tilespmem:s11+$0x161B0] =	vst v0  }
0x37: {  	[tilespmem:s11+$0x161C0] =	vst v0  }
0x38: {  	[tilespmem:s11+$0x161D0] =	vst v0  }
0x39: {  	[tilespmem:s11+$0x161E0] =	vst v0  }
0x3a: {  	[spmem:s5] =	stream.linear.scatter [tilespmem:s6], [sflag:$0xD], $0x1800, $0x38;
	[tilespmem:$0x1FA00] =	vst v63  }
0x3b: {  	_ =	swait.ge [sflag:s7], $0x1800  }
0x3c: {  	[sflag:s7] =	ssyncset.done $0x0  }
0x3d: {  	s9 =	rddreg [dreg:$0x7];
	[sflag:s7] =	ssyncadd.s32 $0xFFFFE800  }
0x3e: {  	[spmem:s9] =	stream.linear.scatter [tilespmem:s6], [sflag:$0xD], $0x1800, $0x38;
	[tilespmem:$0x1FA00] =	vst v63  }
0x3f: {  	_ =	swait.ge [sflag:s7], $0x1800  }
0x40: {  	[sflag:s7] =	ssyncset.done $0x0  }
0x41: {  	s11 =	rddreg [dreg:$0x8];
	[sflag:s7] =	ssyncadd.s32 $0xFFFFE800  }
0x42: {  	[spmem:s11] =	stream.linear.scatter [tilespmem:s6], [sflag:$0xD], $0x1800, $0x38;
	[tilespmem:$0x1FA00] =	vst v63  }
0x43: {  	_ =	swait.ge [sflag:s7], $0x1800  }
0x44: {  	[sflag:s7] =	ssyncset.done $0x0  }
0x45: {  	s18 =	rddreg [dreg:$0x9];
	[sflag:s7] =	ssyncadd.s32 $0xFFFFE800  }
0x46: {  	[spmem:s18] =	stream.linear.scatter [tilespmem:s6], [sflag:$0xD], $0x1800, $0x38;
	[tilespmem:$0x1FA00] =	vst v63  }
0x47: {  	_ =	swait.ge [sflag:s7], $0x1800  }
0x48: {  	[sflag:s7] =	ssyncset.done $0x0  }
0x49: {  	s11 =	rddreg [dreg:$0xa];
	[sflag:s7] =	ssyncadd.s32 $0xFFFFE800  }
0x4a: {  	[spmem:s11] =	stream.linear.scatter [tilespmem:s6], [sflag:$0xD], $0x1800, $0x38;
	[tilespmem:$0x1FA00] =	vst v63  }
0x4b: {  	_ =	swait.ge [sflag:s7], $0x1800  }
0x4c: {  	[sflag:s7] =	ssyncset.done $0x0  }
0x4d: {  	s18 =	rddreg [dreg:$0xb];
	[sflag:s7] =	ssyncadd.s32 $0xFFFFE800  }
0x4e: {  	[spmem:s18] =	stream.linear.scatter [tilespmem:s6], [sflag:$0xD], $0x1800, $0x38;
	[tilespmem:$0x1FA00] =	vst v63  }
0x4f: {  	_ =	swait.ge [sflag:s7], $0x1800  }
0x50: {  	[sflag:s7] =	ssyncset.done $0x0  }
0x51: {  	s11 =	rddreg [dreg:$0xc];
	[sflag:s7] =	ssyncadd.s32 $0xFFFFE800  }
0x52: {  	[spmem:s11] =	stream.linear.scatter [tilespmem:s6], [sflag:$0xD], $0x1800, $0x38;
	[tilespmem:$0x1FA00] =	vst v63  }
0x53: {  	_ =	swait.ge [sflag:s7], $0x1800  }
0x54: {  	[sflag:s7] =	ssyncset.done $0x0  }
0x55: {  	s18 =	rddreg [dreg:$0xd];
	[sflag:s7] =	ssyncadd.s32 $0xFFFFE800  }
0x56: {  	[spmem:s18] =	stream.linear.scatter [tilespmem:s6], [sflag:$0xD], $0x1800, $0x38;
	[tilespmem:$0x1FA00] =	vst v63  }
0x57: {  	_ =	swait.ge [sflag:s7], $0x1800  }
0x58: {  	[sflag:s7] =	ssyncset.done $0x0  }
0x59: {  	s11 =	rddreg [dreg:$0xe];
	[sflag:s7] =	ssyncadd.s32 $0xFFFFE800  }
0x5a: {  	[spmem:s11] =	stream.linear.scatter [tilespmem:s6], [sflag:$0xD], $0x1800, $0x38;
	[tilespmem:$0x1FA00] =	vst v63  }
0x5b: {  	_ =	swait.ge [sflag:s7], $0x1800  }
0x5c: {  	[sflag:s7] =	ssyncset.done $0x0  }
0x5d: {  	s18 =	rddreg [dreg:$0xf];
	[sflag:s7] =	ssyncadd.s32 $0xFFFFE800  }
0x5e: {  	[spmem:s18] =	stream.linear.scatter [tilespmem:s6], [sflag:$0xD], $0x1800, $0x38;
	[tilespmem:$0x1FA00] =	vst v63  }
0x5f: {  	_ =	swait.ge [sflag:s7], $0x1800  }
0x60: {  	[sflag:s7] =	ssyncset.done $0x0  }
0x61: {  	s11 =	rddreg [dreg:$0x10];
	[sflag:s7] =	ssyncadd.s32 $0xFFFFE800  }
0x62: {  	[spmem:s11] =	stream.linear.scatter [tilespmem:s6], [sflag:$0xD], $0x1800, $0x38;
	[tilespmem:$0x1FA00] =	vst v63  }
0x63: {  	_ =	swait.ge [sflag:s7], $0x1800  }
0x64: {  	[sflag:s7] =	ssyncset.done $0x0  }
0x65: {  	s18 =	rddreg [dreg:$0x11];
	[sflag:s7] =	ssyncadd.s32 $0xFFFFE800  }
0x66: {  	[spmem:s18] =	stream.linear.scatter [tilespmem:s6], [sflag:$0xD], $0x1800, $0x38;
	[tilespmem:$0x1FA00] =	vst v63  }
0x67: {  	_ =	swait.ge [sflag:s7], $0x1800  }
0x68: {  	[sflag:s7] =	ssyncset.done $0x0  }
0x69: {  	s11 =	rddreg [dreg:$0x14];
	[sflag:s7] =	ssyncadd.s32 $0xFFFFE800  }
0x6a: {  	[spmem:s11] =	stream.linear.scatter [tilespmem:s6], [sflag:$0xD], $0x1800, $0x38;
	[tilespmem:$0x1FA00] =	vst v63  }
0x6b: {  	_ =	swait.ge [sflag:s7], $0x1800  }
0x6c: {  	[sflag:s7] =	ssyncset.done $0x0  }
0x6d: {  	s11 =	simm.s32 @!p0 $0x16180;
	[sflag:s7] =	ssyncadd.s32 $0xFFFFE800  }
0x6e: {  	[spmem:s26] =	stream.linear.scatter @!p0 [tilespmem:s11], [sflag:$0xD], $0x800, $0x38;
	[tilespmem:$0x1FA00] =	vst v63  }
0x6f: {  	s11 =	simm.s32 @!p0 $0xD  }
0x70: {  	_ =	swait.ge @!p0 [sflag:s11], $0x800  }
0x71: {  	[sflag:s11] =	ssyncset.done @!p0 $0x0  }
0x72: {  	[sflag:s11] =	ssyncadd.s32 @!p0 $0xFFFFF800  }
0x73: {  	_ =	swait.ge [sflag:s8], $0x2710  }
0x74: {  	s9 =	simm.s32 $0x10;
	[sflag:s8] =	ssyncset.done $0x0  }
0x75: {  	s18 =	simm.s32 $0x1F200;
	s11 =	simm.s32 $0x15F80;
	[sflag:s8] =	ssyncadd.s32 $0xFFFFD8F0  }
0x76: {  	[tilespmem:s18], [sflag:$0xA] =	stream.indirect.gather [hbm4b:s1+s9], $0x80, s11, s9, $0xb8;
	[tilespmem:$0x1FA00] =	vst v63  }
0x77: {  	s11 =	simm.s32 $0x0;
	s9 =	rddreg [dreg:$0x17];
	s18 =	simm.s32 $0x1F180  }
0x78: {  	[tilespmem:s18], [sflag:$0xB] =	stream.linear.gather [hbm4b:s9+s11], $0x10, $0x38;
	[tilespmem:$0x1FA00] =	vst v63  }
0x79: {  	_ = 	snop  }
0x7a: {  	[tilespmem:s6], [sflag:$0x1] =	stream.indirect.gather [hbm4b:s1+s12], $0x80, s31, s12, $0xb8;
	[tilespmem:$0x1FA00] =	vst v63  }
0x7b: {  	s18 =	rddreg [dreg:$0x12]  }
0x7c: {  	[tilespmem:s13], [sflag:$0x4] =	stream.linear.gather [hbm4b:s18+s11], $0x60, $0x38;
	[tilespmem:$0x1FA00] =	vst v63  }
0x7d: {  	s18 =	simm.s32 $0x138E0  }
0x7e: {  	[tilespmem:s14], [sflag:$0x2] =	stream.indirect.gather [hbm4b:s1+s12], $0x80, s18, s12, $0xb8;
	[tilespmem:$0x1FA00] =	vst v63  }
0x7f: {  	s18 =	rddreg [dreg:$0x18]  }
0x80: {  	[tilespmem:s15], [sflag:$0x5] =	stream.linear.gather [hbm4b:s18+s11], $0x60, $0x38;
	[tilespmem:$0x1FA00] =	vst v63  }
0x81: {  	[bflag:$0x0] =	sbarrier.arrive $0xFFFF  }
0x82: {  	_ =	swait.ge [sflag:s8], $0x3000  }
0x83: {  	[sflag:s8] =	ssyncset.done $0x0  }
0x84: {  	[sflag:s8] =	ssyncadd.s32 $0xFFFFD000  }
0x85: {  	_ =	swait.ge [sflag:s16], $0x60  }
0x86: {  	[sflag:s16] =	ssyncset.done $0x0  }
0x87: {  	[sflag:s16] =	ssyncadd.s32 $0xFFFFFFA0  }
0x88: {  	[spmem:s3] =	stream.indirect.scatter.add.f32 [tilespmem:s6], [sflag:$0x7], $0x80, s13, s12, $0xb8;
	[tilespmem:$0x1FA00] =	vst v63  }
0x89: {  	s18 =	simm.s32 $0x13940  }
0x8a: {  	[tilespmem:s17], [sflag:$0x3] =	stream.indirect.gather [hbm4b:s1+s12], $0x80, s18, s12, $0xb8;
	[tilespmem:$0x1FA00] =	vst v63  }
0x8b: {  	s18 =	rddreg [dreg:$0x19]  }
0x8c: {  	[tilespmem:s19], [sflag:$0x6] =	stream.linear.gather [hbm4b:s18+s11], $0x60, $0x38;
	[tilespmem:$0x1FA00] =	vst v63  }
0x8d: {  	_ =	swait.ge [sflag:s23], $0x3000  }
0x8e: {  	[sflag:s23] =	ssyncset.done $0x0  }
0x8f: {  	[sflag:s23] =	ssyncadd.s32 $0xFFFFD000  }
0x90: {  	_ =	swait.ge [sflag:s24], $0x60  }
0x91: {  	[sflag:s24] =	ssyncset.done $0x0  }
0x92: {  	[sflag:s24] =	ssyncadd.s32 $0xFFFFFFA0  }
0x93: {  	[spmem:s3] =	stream.indirect.scatter.add.f32 [tilespmem:s14], [sflag:$0x8], $0x80, s15, s12, $0xb8;
	[tilespmem:$0x1FA00] =	vst v63  }
0x94: {  	_ =	swait.ge [sflag:s25], $0x3000  }
0x95: {  	[sflag:s25] =	ssyncset.done $0x0  }
0x96: {  	s18 =	simm.s32 $0x139A0;
	[sflag:s25] =	ssyncadd.s32 $0xFFFFD000  }
0x97: {  	[tilespmem:s6], [sflag:$0x1] =	stream.indirect.gather [hbm4b:s1+s12], $0x80, s18, s12, $0xb8;
	[tilespmem:$0x1FA00] =	vst v63  }
0x98: {  	s18 =	rddreg [dreg:$0x1a]  }
0x99: {  	[tilespmem:s13], [sflag:$0x4] =	stream.linear.gather [hbm4b:s18+s11], $0x60, $0x38;
	[tilespmem:$0x1FA00] =	vst v63  }
0x9a: {  	_ =	swait.ge [sflag:s2], $0x3000  }
0x9b: {  	[sflag:s2] =	ssyncset.done $0x0  }
0x9c: {  	[sflag:s2] =	ssyncadd.s32 $0xFFFFD000  }
0x9d: {  	_ =	swait.ge [sflag:s28], $0x60  }
0x9e: {  	[sflag:s28] =	ssyncset.done $0x0  }
0x9f: {  	[sflag:s28] =	ssyncadd.s32 $0xFFFFFFA0  }
0xa0: {  	[spmem:s3] =	stream.indirect.scatter.add.f32 [tilespmem:s17], [sflag:$0x9], $0x80, s19, s12, $0xb8;
	[tilespmem:$0x1FA00] =	vst v63  }
0xa1: {  	_ =	swait.ge [sflag:s29], $0x3000  }
0xa2: {  	[sflag:s29] =	ssyncset.done $0x0  }
0xa3: {  	s18 =	simm.s32 $0x13A00;
	[sflag:s29] =	ssyncadd.s32 $0xFFFFD000  }
0xa4: {  	[tilespmem:s14], [sflag:$0x2] =	stream.indirect.gather [hbm4b:s1+s12], $0x80, s18, s12, $0xb8;
	[tilespmem:$0x1FA00] =	vst v63  }
0xa5: {  	s18 =	rddreg [dreg:$0x1b]  }
0xa6: {  	[tilespmem:s15], [sflag:$0x5] =	stream.linear.gather [hbm4b:s18+s11], $0x60, $0x38;
	[tilespmem:$0x1FA00] =	vst v63  }
0xa7: {  	_ =	swait.ge [sflag:s8], $0x3000  }
0xa8: {  	[sflag:s8] =	ssyncset.done $0x0  }
0xa9: {  	[sflag:s8] =	ssyncadd.s32 $0xFFFFD000  }
0xaa: {  	_ =	swait.ge [sflag:s16], $0x60  }
0xab: {  	[sflag:s16] =	ssyncset.done $0x0  }
0xac: {  	[sflag:s16] =	ssyncadd.s32 $0xFFFFFFA0  }
0xad: {  	[spmem:s3] =	stream.indirect.scatter.add.f32 [tilespmem:s6], [sflag:$0x7], $0x80, s13, s12, $0xb8;
	[tilespmem:$0x1FA00] =	vst v63  }
0xae: {  	_ =	swait.ge [sflag:s30], $0x3000  }
0xaf: {  	[sflag:s30] =	ssyncset.done $0x0  }
0xb0: {  	s18 =	simm.s32 $0x13A60;
	[sflag:s30] =	ssyncadd.s32 $0xFFFFD000  }
0xb1: {  	[tilespmem:s17], [sflag:$0x3] =	stream.indirect.gather [hbm4b:s1+s12], $0x80, s18, s12, $0xb8;
	[tilespmem:$0x1FA00] =	vst v63  }
0xb2: {  	s9 =	sadd.s32 $0x0, s22  }
0xb3: {  	[tilespmem:s19], [sflag:$0x6] =	stream.linear.gather [hbm4b:s9+s4], $0x60, $0x38;
	[tilespmem:$0x1FA00] =	vst v63  }
0xb4: {  	_ =	swait.ge [sflag:s23], $0x3000  }
0xb5: {  	[sflag:s23] =	ssyncset.done $0x0  }
0xb6: {  	[sflag:s23] =	ssyncadd.s32 $0xFFFFD000  }
0xb7: {  	_ =	swait.ge [sflag:s24], $0x60  }
0xb8: {  	[sflag:s24] =	ssyncset.done $0x0  }
0xb9: {  	[sflag:s24] =	ssyncadd.s32 $0xFFFFFFA0  }
0xba: {  	[spmem:s3] =	stream.indirect.scatter.add.f32 [tilespmem:s14], [sflag:$0x8], $0x80, s15, s12, $0xb8;
	[tilespmem:$0x1FA00] =	vst v63  }
0xbb: {  	_ =	swait.ge [sflag:s25], $0x3000  }
0xbc: {  	[sflag:s25] =	ssyncset.done $0x0  }
0xbd: {  	s18 =	simm.s32 $0x13AC0;
	[sflag:s25] =	ssyncadd.s32 $0xFFFFD000  }
0xbe: {  	[tilespmem:s6], [sflag:$0x1] =	stream.indirect.gather [hbm4b:s1+s12], $0x80, s18, s12, $0xb8;
	[tilespmem:$0x1FA00] =	vst v63  }
0xbf: {  	s9 =	sadd.s32 $0x0, s21  }
0xc0: {  	[tilespmem:s13], [sflag:$0x4] =	stream.linear.gather [hbm4b:s9+s4], $0x60, $0x38;
	[tilespmem:$0x1FA00] =	vst v63  }
0xc1: {  	_ =	swait.ge [sflag:s2], $0x3000  }
0xc2: {  	[sflag:s2] =	ssyncset.done $0x0  }
0xc3: {  	[sflag:s2] =	ssyncadd.s32 $0xFFFFD000  }
0xc4: {  	_ =	swait.ge [sflag:s28], $0x60  }
0xc5: {  	[sflag:s28] =	ssyncset.done $0x0  }
0xc6: {  	[sflag:s28] =	ssyncadd.s32 $0xFFFFFFA0  }
0xc7: {  	[spmem:s3] =	stream.indirect.scatter.add.f32 [tilespmem:s17], [sflag:$0x9], $0x80, s19, s12, $0xb8;
	[tilespmem:$0x1FA00] =	vst v63  }
0xc8: {  	_ =	swait.ge [sflag:s29], $0x3000  }
0xc9: {  	[sflag:s29] =	ssyncset.done $0x0  }
0xca: {  	s18 =	simm.s32 $0x13B20;
	[sflag:s29] =	ssyncadd.s32 $0xFFFFD000  }
0xcb: {  	[tilespmem:s14], [sflag:$0x2] =	stream.indirect.gather [hbm4b:s1+s12], $0x80, s18, s12, $0xb8;
	[tilespmem:$0x1FA00] =	vst v63  }
0xcc: {  	s31 =	sadd.s32 $0x0, s20;
	s11 =	simm.s32 $0x24;
	s18 =	simm.s32 $0x13C40  }
.LBB2_4:
0xcd: {  	[tilespmem:s15], [sflag:$0x5] =	stream.linear.gather [hbm4b:s31+s4], $0x60, $0x38;
	[tilespmem:$0x1FA00] =	vst v63  }
0xce: {  	s31 =	smov.u32 s11  }
0xcf: {  	p1 =	sne.s32 s11, $0x480;
	s11 =	sadd.s32 $0x24, s11;
	_ =	swait.ge [sflag:s8], $0x3000  }
0xd0: {  	[sflag:s8] =	ssyncset.done $0x0  }
0xd1: {  	[sflag:s8] =	ssyncadd.s32 $0xFFFFD000  }
0xd2: {  	_ =	swait.ge [sflag:s16], $0x60  }
0xd3: {  	[sflag:s16] =	ssyncset.done $0x0  }
0xd4: {  	[sflag:s16] =	ssyncadd.s32 $0xFFFFFFA0  }
0xd5: {  	[spmem:s3] =	stream.indirect.scatter.add.f32 [tilespmem:s6], [sflag:$0x7], $0x80, s13, s12, $0xb8;
	[tilespmem:$0x1FA00] =	vst v63  }
0xd6: {  	_ =	swait.ge [sflag:s30], $0x3000  }
0xd7: {  	[sflag:s30] =	ssyncset.done $0x0  }
0xd8: {  	s9 =	sadd.s32 $0xFFFFFF40, s18;
	[sflag:s30] =	ssyncadd.s32 $0xFFFFD000  }
0xd9: {  	[tilespmem:s17], [sflag:$0x3] =	stream.indirect.gather [hbm4b:s1+s12], $0x80, s9, s12, $0xb8;
	[tilespmem:$0x1FA00] =	vst v63  }
0xda: {  	s9 =	sadd.s32 s31, s22  }
0xdb: {  	[tilespmem:s19], [sflag:$0x6] =	stream.linear.gather [hbm4b:s9+s4], $0x60, $0x38;
	[tilespmem:$0x1FA00] =	vst v63  }
0xdc: {  	_ =	swait.ge [sflag:s23], $0x3000  }
0xdd: {  	[sflag:s23] =	ssyncset.done $0x0  }
0xde: {  	[sflag:s23] =	ssyncadd.s32 $0xFFFFD000  }
0xdf: {  	_ =	swait.ge [sflag:s24], $0x60  }
0xe0: {  	[sflag:s24] =	ssyncset.done $0x0  }
0xe1: {  	[sflag:s24] =	ssyncadd.s32 $0xFFFFFFA0  }
0xe2: {  	[spmem:s3] =	stream.indirect.scatter.add.f32 [tilespmem:s14], [sflag:$0x8], $0x80, s15, s12, $0xb8;
	[tilespmem:$0x1FA00] =	vst v63  }
0xe3: {  	_ =	swait.ge [sflag:s25], $0x3000  }
0xe4: {  	[sflag:s25] =	ssyncset.done $0x0  }
0xe5: {  	s9 =	sadd.s32 $0xFFFFFFA0, s18;
	[sflag:s25] =	ssyncadd.s32 $0xFFFFD000  }
0xe6: {  	[tilespmem:s6], [sflag:$0x1] =	stream.indirect.gather [hbm4b:s1+s12], $0x80, s9, s12, $0xb8;
	[tilespmem:$0x1FA00] =	vst v63  }
0xe7: {  	s9 =	sadd.s32 s31, s21  }
0xe8: {  	[tilespmem:s13], [sflag:$0x4] =	stream.linear.gather [hbm4b:s9+s4], $0x60, $0x38;
	[tilespmem:$0x1FA00] =	vst v63  }
0xe9: {  	_ =	swait.ge [sflag:s2], $0x3000  }
0xea: {  	[sflag:s2] =	ssyncset.done $0x0  }
0xeb: {  	[sflag:s2] =	ssyncadd.s32 $0xFFFFD000  }
0xec: {  	_ =	swait.ge [sflag:s28], $0x60  }
0xed: {  	[sflag:s28] =	ssyncset.done $0x0  }
0xee: {  	[sflag:s28] =	ssyncadd.s32 $0xFFFFFFA0  }
0xef: {  	[spmem:s3] =	stream.indirect.scatter.add.f32 [tilespmem:s17], [sflag:$0x9], $0x80, s19, s12, $0xb8;
	[tilespmem:$0x1FA00] =	vst v63  }
.Ltmp1:
0xf0: {  	_ =	swait.ge [sflag:s29], $0x3000;
	(pc) =	sbr.rel @p1 .LBB2_4-.Ltmp1, $4  }
0xf1: {  	[sflag:s29] =	ssyncset.done $0x0  }
0xf2: {  	[sflag:s29] =	ssyncadd.s32 $0xFFFFD000  }
0xf3: {  	[tilespmem:s14], [sflag:$0x2] =	stream.indirect.gather [hbm4b:s1+s12], $0x80, s18, s12, $0xb8;
	[tilespmem:$0x1FA00] =	vst v63  }
0xf4: {  	s31 =	sadd.s32 s31, s20;
	s18 =	sadd.s32 $0x120, s18  }
0xf5: {  	[tilespmem:s15], [sflag:$0x5] =	stream.linear.gather [hbm4b:s31+s4], $0x60, $0x38;
	[tilespmem:$0x1FA00] =	vst v63  }
0xf6: {  	_ =	swait.ge [sflag:s8], $0x3000  }
0xf7: {  	[sflag:s8] =	ssyncset.done $0x0  }
0xf8: {  	[sflag:s8] =	ssyncadd.s32 $0xFFFFD000  }
0xf9: {  	_ =	swait.ge [sflag:s16], $0x60  }
0xfa: {  	[sflag:s16] =	ssyncset.done $0x0  }
0xfb: {  	[sflag:s16] =	ssyncadd.s32 $0xFFFFFFA0  }
0xfc: {  	[spmem:s3] =	stream.indirect.scatter.add.f32 [tilespmem:s6], [sflag:$0x7], $0x80, s13, s12, $0xb8;
	[tilespmem:$0x1FA00] =	vst v63  }
0xfd: {  	_ =	swait.ge [sflag:s23], $0x3000  }
0xfe: {  	[sflag:s23] =	ssyncset.done $0x0  }
0xff: {  	[sflag:s23] =	ssyncadd.s32 $0xFFFFD000  }
0x100: {  	_ =	swait.ge [sflag:s24], $0x60  }
0x101: {  	[sflag:s24] =	ssyncset.done $0x0  }
0x102: {  	s9 =	simm.s32 $0xA;
	[sflag:s24] =	ssyncadd.s32 $0xFFFFFFA0  }
0x103: {  	[spmem:s3] =	stream.indirect.scatter.add.f32 [tilespmem:s14], [sflag:$0x8], $0x80, s15, s12, $0xb8;
	[tilespmem:$0x1FA00] =	vst v63  }
0x104: {  	_ =	swait.ge [sflag:s9], $0x800  }
0x105: {  	[sflag:s9] =	ssyncset.done $0x0  }
0x106: {  	s18 =	simm.s32 $0xB;
	[sflag:s9] =	ssyncadd.s32 $0xFFFFF800  }
0x107: {  	_ =	swait.ge [sflag:s18], $0x10  }
0x108: {  	s11 =	simm.s32 $0x1F200;
	[sflag:s18] =	ssyncset.done $0x0  }
0x109: {  	s9 =	simm.s32 $0x10;
	[sflag:s18] =	ssyncadd.s32 $0xFFFFFFF0;
	s18 =	simm.s32 $0x1F180  }
0x10a: {  	[spmem:s3] =	stream.indirect.scatter.add.f32 [tilespmem:s11], [sflag:$0xC], $0x80, s18, s9, $0xb8;
	[tilespmem:$0x1FA00] =	vst v63  }
0x10b: {  	_ =	swait.ge [sflag:s25], $0x3000  }
0x10c: {  	[sflag:s25] =	ssyncset.done $0x0  }
0x10d: {  	[sflag:s25] =	ssyncadd.s32 $0xFFFFD000  }
0x10e: {  	_ =	swait.ge [sflag:s29], $0x3000  }
0x10f: {  	[sflag:s29] =	ssyncset.done $0x0  }
0x110: {  	[sflag:s29] =	ssyncadd.s32 $0xFFFFD000  }
0x111: {  	_ =	swait.ge [sflag:s30], $0x3000  }
0x112: {  	[sflag:s30] =	ssyncset.done $0x0  }
0x113: {  	[sflag:s30] =	ssyncadd.s32 $0xFFFFD000  }
0x114: {  	_ =	swait.ge [sflag:s0], $0x800  }
0x115: {  	[sflag:s0] =	ssyncset.done $0x0  }
0x116: {  	s11 =	stileid.u32;
	[sflag:s0] =	ssyncadd.s32 $0xFFFFF800  }
0x117: {  	s9 =	sshll.u32 s11, $0x6;
	[bflag:$0x0] =	sbarrier.arrive $0xFFFF  }
0x118: {  	s11 =	sshrl.u32 s5, $0x3;
	s9 =	sor.u32 $0x1C0D, s9;
	s18 =	rddreg [dreg:$0x13]  }
0x119: {  	[hbm:s18], [sflag:s9] =	dma.local [spmem:s11], $0x2700  }
0x11a: {  	_ =	swait.ge [sflag:s7], $0x2700  }
0x11b: {  	[sflag:s7] =	ssyncset.done $0x0  }
0x11c: {  	s11 =	sshrl.u32 @!p0 s26, $0x3;
	s18 =	rddreg [dreg:$0x15];
	[sflag:s7] =	ssyncadd.s32 $0xFFFFD900  }
0x11d: {  	[hbm:s18], [sflag:s9] =	dma.local @!p0 [spmem:s11], $0x100  }
0x11e: {  	s9 =	simm.s32 @!p0 $0xD  }
0x11f: {  	_ =	swait.ge @!p0 [sflag:s9], $0x100  }
0x120: {  	s10 =	sadd.s32 $0x1, s10;
	s18 =	rddreg [dreg:$0x16]  }
0x121: {  	p1 =	sne.s32 s10, s18  }
.Ltmp2:
0x122: {  	_ = 	snop;
	(pc) =	sbr.rel @p1 .LBB2_1-.Ltmp2, $3  }
0x123: {  	_ =	sdelay $0x1  }
0x124: {  	[sflag:s9] =	ssyncset.done @!p0 $0x0  }
0x125: {  	s31 =	simm.s32 $0x13880;
	[sflag:s9] =	ssyncadd.s32 @!p0 $0xFFFFFF00  }
0x126: {  	_ =	sfence.sel $0x180000  }
0x127: {  	[bflag:$0x0] =	sbarrier.arrive $0xFFFF  }
0x128: {  	_ =	strace $0x90000047  }
0x129: {  	s0 =	stileid.u32;
	[bflag:$0x2] =	sbarrier.arrive $0xFFFF  }
0x12a: {  	p0 =	sne.s32 s0, $0x0;
	s0 =	rddreg [dreg:$0x5]  }
0x12b: {  	s0 =	sadd.s32 @!p0 $0x100000, s0  }
0x12c: {  	[sflag:s0] =	ssyncadd.tile.s32 @!p0 $0x1;
	_ =	shalt  }
.Lfunc_end2:
_tile_overlayer_lowered:
.L_overlay_start_2:
0x12d: {  	(tag) =	ssettag $0x2  }
0x12e: {  	s0 =	rddreg [dreg:$0x0];
	s2 =	stileid.u32  }
0x12f: {  	s1 =	rddreg [dreg:$0x1];
	p0 =	sne.s32 s2, $0x0  }
0x130: {  	s3 =	rddreg [dreg:$0x2];
	[bflag:$0x3] =	sbarrier.arrive $0xFFFF;
	s2 =	simm.s32 @!p0 $0x1C0D  }
0x131: {  	[timem:s3], [sflag:s2] =	dma.local @!p0 [hbm:s0], s1  }
0x132: {  	s0 =	simm.s32 @!p0 $0xD  }
0x133: {  	_ =	swait.ge @!p0 [sflag:s0], s1  }
0x134: {  	s1 =	ssub.s32 @!p0 $0x0, s1;
	[sflag:s0] =	ssyncset.done @!p0 $0x0  }
0x135: {  	[sflag:s0] =	ssyncadd.s32 @!p0 s1  }
0x136: {  	[bflag:$0x3] =	sbarrier.arrive $0xFFFF  }
0x137: {  	_ =	shalt  }

// kernel: kernel.9.cloned.1.call-start
scs
__scs_entry_jumppad:
0x0: {  	(pc) =	sbr.rel $0x88, $3  }
0x1: {  	(tag) =	ssettag $0x0;
	lr =	simm.s32 $0x1  }
0x2: {  	[smem:$0x3F8D] =	sst lr;
	_ =	strace $0xD0000000  }
0x3: {  	_ = 	snop  }
0x4: {  	_ = 	snop  }
0x5: {  	_ = 	snop  }
0x6: {  	_ = 	snop  }
0x7: {  	_ = 	snop  }
__scs_overlays_trampoline_lowered:
0x8: {  	[smem:$0x3F9C] =	sst s0  }
0x9: {  	[smem:$0x3F9D] =	sst s1  }
0xa: {  	[smem:$0x3F9E] =	sst s2  }
0xb: {  	[smem:$0x3F9F] =	sst s3  }
0xc: {  	[smem:$0x3FA0] =	sst s4  }
0xd: {  	[smem:$0x3FA1] =	sst s5  }
0xe: {  	[smem:$0x3FA2] =	sst s6  }
0xf: {  	[smem:$0x3FA3] =	sst s7  }
0x10: {  	[smem:$0x3FA4] =	sst s8  }
0x11: {  	[smem:$0x3FA5] =	sst s9;
	s0 =	simm.s32 @!p0 $0x0  }
0x12: {  	s1 =	sld [smem:$0x3F8B];
	s0 =	simm.s32 @p0 $0x1  }
0x13: {  	[smem:$0x3FA6] =	sst s0;
	s0 =	simm.s32 @!p1 $0x0  }
0x14: {  	s2 =	sld [smem:$0x3F8A];
	s0 =	simm.s32 @p1 $0x1  }
0x15: {  	[smem:$0x3FA7] =	sst s0;
	s0 =	simm.s32 @!p2 $0x0  }
0x16: {  	s3 =	sld [smem:$0x3FDB];
	s0 =	simm.s32 @p2 $0x1  }
0x17: {  	s4 =	simm.s32 $0x1BF5;
	[smem:$0x3FA9] =	sst s0  }
0x18: {  	s0 =	sld [smem:$0x3F8C];
	_ =	swait.ge [sflag:s4], $0x0  }
0x19: {  	s7 =	sld [smem:$0x3F8D]  }
0x1a: {  	s8 =	sadd.s32 $0xFFFFE003, lr  }
0x1b: {  	s9 =	sadd.s32 $0xFFFFFEF7, lr;
	s5 =	simm.s32 $0xFFFFFFFF;
	p2 =	slt.u32 s8, $0xFFFFF086  }
0x1c: {  	p1 =	slt.u32 s9, $0xF7A;
	s5 =	simm.s32 @!p2 $0x0  }
0x1d: {  	s5 =	simm.s32 @p1 $0x1;
	p0 =	seq.s32 s7, s2  }
0x1e: {  	s7 =	smul.u32 @!p0 $0xF7A, s2;
	p2 =	seq.s32 @!p0 s5, $0x0  }
0x1f: {  	s9 =	smul.u32 $0xF7A, s1;
	s8 =	simm.s32 @!p0 $0x1BF5;
	p2 =	por !p2, p0  }
0x20: {  	[sflag:s8] =	ssyncset.s32 @!p0 $0xFFFFF086;
	s6 =	sadd.s32 @!p0 s3, s7;
	s7 =	simm.s32 @!p0 $0x108  }
0x21: {  	s3 =	sadd.s32 s3, s9;
	s6 =	sadd.s32 @!p0 $0x88, s6;
	s7 =	simm.s32 @p2 $0x1082  }
0x22: {  	[simem:s7], [sflag:s8] =	dma.local @!p0 [hbm:s6], $0xF7A  }
0x23: {  	s9 =	sor.u32 $0xD0000000, s2;
	s6 =	simm.s32 $0x108;
	_ =	swait.ge @!p0 [sflag:s8], $0x0  }
0x24: {  	s3 =	sadd.s32 $0x88, s3;
	s6 =	simm.s32 @!p1 $0x1082;
	[sflag:s4] =	ssyncset.s32 $0xFFFFF086  }
0x25: {  	[simem:s6], [sflag:s4] =	dma.local [hbm:s3], $0xF7A  }
0x26: {  	[smem:$0x3F8D] =	sst s1;
	(tag) =	ssettag s2;
	_ =	strace s9  }
0x27: {  	s1 =	sld [smem:$0x3F9D]  }
0x28: {  	s2 =	sld [smem:$0x3F9E]  }
0x29: {  	s4 =	sld [smem:$0x3FA0]  }
0x2a: {  	p0 =	seq.s32 s5, $0x0;
	s5 =	sld [smem:$0x3FA1]  }
0x2b: {  	s6 =	sld [smem:$0x3FA2]  }
0x2c: {  	s7 =	sld [smem:$0x3FA3]  }
0x2d: {  	s3 =	simm.s32 $0x108;
	s8 =	sld [smem:$0x3FA4]  }
0x2e: {  	s3 =	simm.s32 @!p0 $0x1082;
	s9 =	sld [smem:$0x3FA5]  }
0x2f: {  	lr =	sadd.s32 s0, s3;
	s0 =	sld [smem:$0x3F9C]  }
0x30: {  	s3 =	sld [smem:$0x3F9F]  }
0x31: {  	[smem:$0x3FA8] =	sst s10  }
0x32: {  	s10 =	sld [smem:$0x3FA6];
	_ =	sdelay $0x3  }
0x33: {  	p0 =	seq.s32 s10, $0x1;
	s10 =	sld [smem:$0x3FA8];
	_ =	sdelay $0x3  }
0x34: {  	[smem:$0x3FA8] =	sst s10  }
0x35: {  	s10 =	sld [smem:$0x3FA7];
	_ =	sdelay $0x3  }
0x36: {  	p1 =	seq.s32 s10, $0x1;
	s10 =	sld [smem:$0x3FA8];
	_ =	sdelay $0x3  }
0x37: {  	[smem:$0x3FA8] =	sst s10  }
0x38: {  	s10 =	sld [smem:$0x3FA9]  }
0x39: {  	_ = 	snop;
	(pc) =	sbr.ind lr, $3  }
0x3a: {  	_ = 	snop  }
0x3b: {  	_ = 	snop  }
0x3c: {  	p2 =	seq.s32 s10, $0x1;
	s10 =	sld [smem:$0x3FA8]  }
0x3d: {  	_ =	shalt  }
0x3e: {  	_ =	shalt  }
0x3f: {  	_ =	shalt  }
0x40: {  	_ =	shalt  }
0x41: {  	_ =	shalt  }
0x42: {  	_ =	shalt  }
0x43: {  	_ =	shalt  }
0x44: {  	_ =	shalt  }
0x45: {  	_ =	shalt  }
0x46: {  	_ =	shalt  }
0x47: {  	_ =	shalt  }
0x48: {  	_ =	shalt  }
0x49: {  	_ =	shalt  }
0x4a: {  	_ =	shalt  }
0x4b: {  	_ =	shalt  }
0x4c: {  	_ =	shalt  }
0x4d: {  	_ =	shalt  }
0x4e: {  	_ =	shalt  }
0x4f: {  	_ =	shalt  }
0x50: {  	_ =	shalt  }
0x51: {  	_ =	shalt  }
0x52: {  	_ =	shalt  }
0x53: {  	_ =	shalt  }
0x54: {  	_ =	shalt  }
0x55: {  	_ =	shalt  }
0x56: {  	_ =	shalt  }
0x57: {  	_ =	shalt  }
0x58: {  	_ =	shalt  }
0x59: {  	_ =	shalt  }
0x5a: {  	_ =	shalt  }
0x5b: {  	_ =	shalt  }
0x5c: {  	_ =	shalt  }
0x5d: {  	_ =	shalt  }
0x5e: {  	_ =	shalt  }
0x5f: {  	_ =	shalt  }
0x60: {  	_ =	shalt  }
0x61: {  	_ =	shalt  }
0x62: {  	_ =	shalt  }
0x63: {  	_ =	shalt  }
0x64: {  	_ =	shalt  }
0x65: {  	_ =	shalt  }
0x66: {  	_ =	shalt  }
0x67: {  	_ =	shalt  }
0x68: {  	_ =	shalt  }
0x69: {  	_ =	shalt  }
0x6a: {  	_ =	shalt  }
0x6b: {  	_ =	shalt  }
0x6c: {  	_ =	shalt  }
0x6d: {  	_ =	shalt  }
0x6e: {  	_ =	shalt  }
0x6f: {  	_ =	shalt  }
0x70: {  	_ =	shalt  }
0x71: {  	_ =	shalt  }
0x72: {  	_ =	shalt  }
0x73: {  	_ =	shalt  }
0x74: {  	_ =	shalt  }
0x75: {  	_ =	shalt  }
0x76: {  	_ =	shalt  }
0x77: {  	_ =	shalt  }
0x78: {  	_ =	shalt  }
0x79: {  	_ =	shalt  }
0x7a: {  	_ =	shalt  }
0x7b: {  	_ =	shalt  }
0x7c: {  	_ =	shalt  }
0x7d: {  	_ =	shalt  }
0x7e: {  	_ =	shalt  }
0x7f: {  	_ =	shalt  }
0x80: {  	_ =	shalt  }
0x81: {  	_ =	shalt  }
0x82: {  	_ =	shalt  }
0x83: {  	_ =	shalt  }
0x84: {  	_ =	shalt  }
0x85: {  	_ =	shalt  }
0x86: {  	_ =	shalt  }
0x87: {  	_ =	shalt  }
.Lfunc_end0:
.L_simem_size_0:
called_computation.1_lowered:
.L_overlay_start_0:
0x88: {  	s2 =	sld [smem:$0x3FD9]  }
0x89: {  	s3 =	sld [smem:$0x3FFE];
	_ =	sdelay $0x1  }
0x8a: {  	s1 =	srdreg.scid  }
0x8b: {  	s0 =	sand.u32 $0x1, s1  }
0x8c: {  	s14 =	sshll.u32 s0, $0xA;
	s2 =	sadd.s32 s3, s2  }
0x8d: {  	s2 =	sadd.s32 s2, s14  }
0x8e: {  	[smem:$0x3FB4] =	sst s2  }
0x8f: {  	_ = 	snop  }
0x90: {  	s2 =	sld [smem:$0x3FD0];
	_ =	sdelay $0x2  }
0x91: {  	s15 =	simm.s32 $0xA;
	s4 =	simm.s32 $0x10  }
0x92: {  	[smem:s4], [sflag:s15] =	dma.local [hbm:s2], $0x1  }
0x93: {  	_ =	swait.eq [sflag:s15], $0x1  }
0x94: {  	[sflag:s15] =	ssyncset.done $0x0  }
0x95: {  	[sflag:s15] =	ssyncadd.s32 $0xFFFFFFFF  }
0x96: {  	s16 =	sld [smem:$0x11];
	(tm) =	ssettm $0x1  }
0x97: {  	s17 =	sld [smem:$0x3FFB];
	_ =	sdelay $0x3  }
0x98: {  	_ =	strace s17  }
0x99: {  	s3 =	sld [smem:$0x3FFC];
	_ =	sdelay $0x3  }
0x9a: {  	_ =	strace s3  }
0x9b: {  	s3 =	sld [smem:$0x3FFD];
	_ =	sdelay $0x3  }
0x9c: {  	_ =	strace s3  }
0x9d: {  	_ =	strace $0x8FFFFFFF  }
0x9e: {  	s18 =	sld [smem:$0x3FDB];
	_ =	sdelay $0x1  }
0x9f: {  	s19 =	simm.s32 $_scs_section_size  }
0xa0: {  	s5 =	simm.s32 $_size__tile_overlayer_lowered;
	s6 =	simm.s32 $_tile_overlayer_lowered  }
0xa1: {  	s22 =	simm.s32 $0x1BFF;
	s21 =	sshll.u32 s6, $0x1;
	s3 =	sadd.s32 s19, s18  }
0xa2: {  	s7 =	simm.s32 $0x0;
	s20 =	sshll.u32 s5, $0x1;
	s5 =	sadd.s32 s21, s3  }
0xa3: {  	[timem:s7], [sflag:s22] =	dma.local [hbm:s5], s20  }
0xa4: {  	_ =	swait.ge [sflag:s22], s20  }
0xa5: {  	s4 =	ssub.s32 $0x0, s20;
	[sflag:s22] =	ssyncset.done $0x0  }
0xa6: {  	[sflag:s22] =	ssyncadd.s32 s4;
	_ =	sdelay $0x1  }
0xa7: {  	s23 =	simm.s32 $0x1B8B  }
0xa8: {  	_ =	swait.ge [sflag:s23], $0x1  }
0xa9: {  	[sflag:s23] =	ssyncset.done $0x0  }
0xaa: {  	s25 =	simm.s32 $0x1B8E;
	s24 =	sld [smem:$0x3FFE];
	[sflag:s23] =	ssyncadd.s32 $0xFFFFFFFF  }
0xab: {  	s26 =	simm.s32 $execute0_lowered;
	[smem:$0x3FD2] =	sst s25  }
0xac: {  	s5 =	sshll.u32 s26, $0x1;
	_ =	strace $0x80000049;
	[dreg:$0x1] =	wrdreg $0xFFFFFFFF  }
0xad: {  	s28 =	simm.s32 $_size_execute0_lowered;
	s3 =	sadd.s32 s3, s5;
	[dreg:$0x0] =	wrdreg $0x0  }
0xae: {  	s5 =	sshll.u32 s28, $0x1;
	[dreg:$0x2] =	wrdreg s3  }
0xaf: {  	[dreg:$0x3] =	wrdreg s5  }
0xb0: {  	[dreg:$0x4] =	wrdreg $0xC0  }
0xb1: {  	_ =	task [dreg:s7], $0x5FFFF  }
0xb2: {  	[dreg:$0x1] =	wrdreg $0xFFFFFFFF  }
0xb3: {  	[dreg:$0x0] =	wrdreg $0x60  }
0xb4: {  	[dreg:$0x2] =	wrdreg s16  }
0xb5: {  	[dreg:$0x3] =	wrdreg s24  }
0xb6: {  	[dreg:$0x4] =	wrdreg $0x0  }
0xb7: {  	[dreg:$0x5] =	wrdreg $0x9  }
0xb8: {  	_ =	task.clear_ibuf [dreg:s7], $0x6FFFF;
	_ =	strace $0x90000049  }
0xb9: {  	s29 =	simm.s32 $0x9;
	_ =	strace $0x8000004B  }
0xba: {  	_ =	swait.ge [sflag:s29], $0x1  }
0xbb: {  	[sflag:s29] =	ssyncadd.s32 $0xFFFFFFFF  }
0xbc: {  	_ =	strace $0x9000004B  }
0xbd: {  	_ =	sfence  }
0xbe: {  	s30 =	sld [smem:$0x0];
	_ =	sdelay $0x2  }
0xbf: {  	s31 =	sshll.u32 s1, $0xD;
	s1 =	sshrl.u32 s1, $0x2  }
0xc0: {  	s3 =	sand.u32 $0x4000, s31;
	s1 =	sadd.s32 s1, s30  }
0xc1: {  	s0 =	sor.u32 s3, s0;
	s1 =	sshll.u32 s1, $0x11  }
0xc2: {  	s0 =	sor.u32 s1, s0  }
0xc3: {  	s0 =	sadd.s32 $0x8F2B, s0  }
0xc4: {  	[sflag:s0] =	ssyncadd.remote.s32 $0x1  }
0xc5: {  	_ =	sfence.sel $0xFFFF  }
0xc6: {  	[dreg:$0x0] =	wrdreg $0xFFFFFFFF;
	(pc) =	sbr.abs _section_cstart, $3  }
0xc7: {  	[dreg:$0x1] =	wrdreg $0xFFFFFFFF  }
0xc8: {  	_ =	task.clear_ibuf [dreg:s7], $0x2FFFF;
	_ =	strace $0x9FFFFFFF  }
0xc9: {  	(tm) =	ssettm $0x7FFFFFFF  }
tec
execute0_lowered:
.L_overlay_start_1:
0x0: {  	(tag) =	ssettag $0x1  }
0x1: {  	s0 =	srdreg.scid;
	s1 =	rddreg [dreg:$0x0]  }
0x2: {  	s12 =	stileid.u32;
	s5 =	rddreg [dreg:$0x1]  }
0x3: {  	s3 =	rddreg [dreg:$0x2];
	s4 =	simm.s32 $0x0;
	s31 =	simm.s32 $0x13880  }
0x4: {  	s28 =	simm.s32 $0x6;
	s0 =	sand.u32 $0x1, s0;
	s2 =	sshll.u32 s12, $0x1  }
0x5: {  	s29 =	simm.s32 $0x8;
	s6 =	smul.u32 $0x4E000, s12;
	s2 =	sor.u32 s0, s2  }
0x6: {  	s30 =	simm.s32 $0x9;
	[smem:$0x7FF] =	sst s4;
	s2 =	smul.u32 $0x2710, s2  }
0x7: {  	s9 =	sadd.s32 $0x50A00, s5;
	s11 =	sadd.s32 $0x2800, s5;
	s19 =	smul.u32 $0x13800, s12  }
0x8: {  	s22 =	smul.u32 $0x4E20, s12;
	_ =	strace $0x8000004A;
	s2 =	sshrl.u32 s2, $0x3  }
0x9: {  	s8 =	ssub.s32 $0x2, s0;
	s6 =	sshrl.u32 s6, $0x2;
	s7 =	sadd.s32 s2, s5  }
0xa: {  	s10 =	sshrl.u32 s8, $0x1;
	s5 =	sadd.s32 s6, s3;
	s7 =	sadd.s32 $0x5A800, s7  }
0xb: {  	s8 =	ssub.s32 s8, s10;
	s10 =	sadd.s32 $0x1800, s5;
	[dreg:$0x4] =	wrdreg s7  }
0xc: {  	p0 =	sne.s32 s12, $0xF;
	s13 =	sadd.s32 $0x3000, s5;
	[dreg:$0x5] =	wrdreg s10  }
0xd: {  	s12 =	simm.s32 $0x60;
	s14 =	sadd.s32 $0x4800, s5;
	[dreg:$0x6] =	wrdreg s13  }
0xe: {  	s16 =	smul.u32 $0x138800, s0;
	s15 =	sadd.s32 $0x6000, s5;
	[dreg:$0x7] =	wrdreg s14  }
0xf: {  	s0 =	smul.u32 $0x2710, s0;
	s17 =	sadd.s32 $0x7800, s5;
	[dreg:$0x8] =	wrdreg s15  }
0x10: {  	s25 =	sadd.s32 s19, s16;
	s18 =	sadd.s32 $0x9000, s5;
	[dreg:$0x9] =	wrdreg s17  }
0x11: {  	s0 =	sadd.s32 s0, s22;
	s20 =	sadd.s32 $0xA800, s5;
	[dreg:$0xa] =	wrdreg s18  }
0x12: {  	s6 =	sshrl.u32 s16, $0x3;
	s21 =	sadd.s32 $0xC000, s5;
	[dreg:$0xb] =	wrdreg s20  }
0x13: {  	s23 =	sadd.s32 $0xF000, s5;
	s24 =	sadd.s32 $0x10800, s5;
	[dreg:$0xc] =	wrdreg s21  }
0x14: {  	s26 =	sadd.s32 s11, s6;
	s13 =	sadd.s32 $0xD800, s5;
	[dreg:$0xe] =	wrdreg s23  }
0x15: {  	[dreg:$0xf] =	wrdreg s24;
	s10 =	sadd.s32 $0x2A0, s0;
	s15 =	sadd.s32 $0x12000, s5  }
0x16: {  	s16 =	sadd.s32 $0x27000, s26;
	s17 =	smax.u32 s8, $0x1;
	[dreg:$0xd] =	wrdreg s13  }
0x17: {  	s26 =	sadd.s32 $0x138000, s3;
	s7 =	simm.s32 $0xD;
	[dreg:$0x12] =	wrdreg s15  }
0x18: {  	s8 =	simm.s32 $0x1;
	s13 =	sadd.s32 s9, s2;
	[dreg:$0x13] =	wrdreg s16  }
0x19: {  	s2 =	sshrl.u32 s25, $0x3;
	s6 =	sshrl.u32 s10, $0x3;
	[dreg:$0x14] =	wrdreg s17  }
0x1a: {  	s15 =	simm.s32 $0x16080;
	s16 =	simm.s32 $0x4;
	s17 =	simm.s32 $0x1C180  }
0x1b: {  	s10 =	simm.s32 $0x0;
	s2 =	sadd.s32 s11, s2;
	[dreg:$0x10] =	wrdreg s13  }
0x1c: {  	s11 =	sadd.s32 $0x240, s0;
	s18 =	sadd.s32 $0x4E0, s13;
	[dreg:$0x11] =	wrdreg s2  }
0x1d: {  	s0 =	sadd.s32 $0x1E0, s0;
	s19 =	sadd.s32 $0xC, s13;
	[dreg:$0x15] =	wrdreg s18  }
0x1e: {  	s20 =	sadd.s32 s6, s9;
	s23 =	sadd.s32 $0x18, s13;
	[dreg:$0x16] =	wrdreg s19  }
0x1f: {  	s24 =	sadd.s32 $0x24, s13;
	s25 =	sadd.s32 $0x30, s13;
	[dreg:$0x17] =	wrdreg s23  }
0x20: {  	s6 =	simm.s32 $0x16180;
	s13 =	simm.s32 $0x16000;
	[dreg:$0x18] =	wrdreg s24  }
0x21: {  	s14 =	sshrl.u32 s11, $0x3;
	s0 =	sshrl.u32 s0, $0x3;
	[dreg:$0x19] =	wrdreg s25  }
0x22: {  	s19 =	simm.s32 $0x16100;
	s23 =	simm.s32 $0x2;
	s24 =	simm.s32 $0x5  }
0x23: {  	s25 =	simm.s32 $0x7;
	s2 =	simm.s32 $0xC;
	s21 =	sadd.s32 s14, s9  }
0x24: {  	v0 =	vimm.f32 $0.0e+00;
	s22 =	sadd.s32 s0, s9;
	s14 =	simm.s32 $0x19180;
	s0 =	simm.s32 $0x3  }
.LBB2_1:
0x25: {  	s9 =	rddreg [dreg:$0x4];
	s11 =	simm.s32 $0x0;
	s18 =	simm.s32 $0x200  }
0x26: {  	[tilespmem:s31], [sflag:$0x1] =	stream.linear.gather [hbm4b:s9+s4], $0x2710, $0x38;
	[tilespmem:$0x1FA00] =	vst v63  }
.LBB2_2:
0x27: {  	p1 =	sne.s32 s18, $0x5E00;
	[tilespmem:s11+$0x161F0] =	vst v0  }
0x28: {  	[tilespmem:s11+$0x16180] =	vst v0  }
0x29: {  	[tilespmem:s11+$0x16190] =	vst v0  }
.Ltmp0:
0x2a: {  	[tilespmem:s11+$0x161A0] =	vst v0;
	(pc) =	sbr.rel @p1 .LBB2_2-.Ltmp0, $4  }
0x2b: {  	[tilespmem:s11+$0x161B0] =	vst v0  }
0x2c: {  	[tilespmem:s11+$0x161C0] =	vst v0  }
0x2d: {  	[tilespmem:s11+$0x161D0] =	vst v0  }
0x2e: {  	[tilespmem:s11+$0x161E0] =	vst v0;
	s11 =	sshra.s32 s18, $0x2;
	s18 =	sadd.s32 $0x200, s18  }
0x2f: {  	[tilespmem:s11+$0x161F0] =	vst v0  }
0x30: {  	[tilespmem:s11+$0x16180] =	vst v0  }
0x31: {  	[tilespmem:s11+$0x16190] =	vst v0  }
0x32: {  	[tilespmem:s11+$0x161A0] =	vst v0  }
0x33: {  	[tilespmem:s11+$0x161B0] =	vst v0  }
0x34: {  	[tilespmem:s11+$0x161C0] =	vst v0  }
0x35: {  	[tilespmem:s11+$0x161D0] =	vst v0  }
0x36: {  	[tilespmem:s11+$0x161E0] =	vst v0  }
0x37: {  	[spmem:s5] =	stream.linear.scatter [tilespmem:s6], [sflag:$0xD], $0x1800, $0x38;
	[tilespmem:$0x1FA00] =	vst v63  }
0x38: {  	_ =	swait.ge [sflag:s7], $0x1800  }
0x39: {  	[sflag:s7] =	ssyncset.done $0x0  }
0x3a: {  	s9 =	rddreg [dreg:$0x5];
	[sflag:s7] =	ssyncadd.s32 $0xFFFFE800  }
0x3b: {  	[spmem:s9] =	stream.linear.scatter [tilespmem:s6], [sflag:$0xD], $0x1800, $0x38;
	[tilespmem:$0x1FA00] =	vst v63  }
0x3c: {  	_ =	swait.ge [sflag:s7], $0x1800  }
0x3d: {  	[sflag:s7] =	ssyncset.done $0x0  }
0x3e: {  	s11 =	rddreg [dreg:$0x6];
	[sflag:s7] =	ssyncadd.s32 $0xFFFFE800  }
0x3f: {  	[spmem:s11] =	stream.linear.scatter [tilespmem:s6], [sflag:$0xD], $0x1800, $0x38;
	[tilespmem:$0x1FA00] =	vst v63  }
0x40: {  	_ =	swait.ge [sflag:s7], $0x1800  }
0x41: {  	[sflag:s7] =	ssyncset.done $0x0  }
0x42: {  	s18 =	rddreg [dreg:$0x7];
	[sflag:s7] =	ssyncadd.s32 $0xFFFFE800  }
0x43: {  	[spmem:s18] =	stream.linear.scatter [tilespmem:s6], [sflag:$0xD], $0x1800, $0x38;
	[tilespmem:$0x1FA00] =	vst v63  }
0x44: {  	_ =	swait.ge [sflag:s7], $0x1800  }
0x45: {  	[sflag:s7] =	ssyncset.done $0x0  }
0x46: {  	s11 =	rddreg [dreg:$0x8];
	[sflag:s7] =	ssyncadd.s32 $0xFFFFE800  }
0x47: {  	[spmem:s11] =	stream.linear.scatter [tilespmem:s6], [sflag:$0xD], $0x1800, $0x38;
	[tilespmem:$0x1FA00] =	vst v63  }
0x48: {  	_ =	swait.ge [sflag:s7], $0x1800  }
0x49: {  	[sflag:s7] =	ssyncset.done $0x0  }
0x4a: {  	s18 =	rddreg [dreg:$0x9];
	[sflag:s7] =	ssyncadd.s32 $0xFFFFE800  }
0x4b: {  	[spmem:s18] =	stream.linear.scatter [tilespmem:s6], [sflag:$0xD], $0x1800, $0x38;
	[tilespmem:$0x1FA00] =	vst v63  }
0x4c: {  	_ =	swait.ge [sflag:s7], $0x1800  }
0x4d: {  	[sflag:s7] =	ssyncset.done $0x0  }
0x4e: {  	s11 =	rddreg [dreg:$0xa];
	[sflag:s7] =	ssyncadd.s32 $0xFFFFE800  }
0x4f: {  	[spmem:s11] =	stream.linear.scatter [tilespmem:s6], [sflag:$0xD], $0x1800, $0x38;
	[tilespmem:$0x1FA00] =	vst v63  }
0x50: {  	_ =	swait.ge [sflag:s7], $0x1800  }
0x51: {  	[sflag:s7] =	ssyncset.done $0x0  }
0x52: {  	s18 =	rddreg [dreg:$0xb];
	[sflag:s7] =	ssyncadd.s32 $0xFFFFE800  }
0x53: {  	[spmem:s18] =	stream.linear.scatter [tilespmem:s6], [sflag:$0xD], $0x1800, $0x38;
	[tilespmem:$0x1FA00] =	vst v63  }
0x54: {  	_ =	swait.ge [sflag:s7], $0x1800  }
0x55: {  	[sflag:s7] =	ssyncset.done $0x0  }
0x56: {  	s11 =	rddreg [dreg:$0xc];
	[sflag:s7] =	ssyncadd.s32 $0xFFFFE800  }
0x57: {  	[spmem:s11] =	stream.linear.scatter [tilespmem:s6], [sflag:$0xD], $0x1800, $0x38;
	[tilespmem:$0x1FA00] =	vst v63  }
0x58: {  	_ =	swait.ge [sflag:s7], $0x1800  }
0x59: {  	[sflag:s7] =	ssyncset.done $0x0  }
0x5a: {  	s18 =	rddreg [dreg:$0xd];
	[sflag:s7] =	ssyncadd.s32 $0xFFFFE800  }
0x5b: {  	[spmem:s18] =	stream.linear.scatter [tilespmem:s6], [sflag:$0xD], $0x1800, $0x38;
	[tilespmem:$0x1FA00] =	vst v63  }
0x5c: {  	_ =	swait.ge [sflag:s7], $0x1800  }
0x5d: {  	[sflag:s7] =	ssyncset.done $0x0  }
0x5e: {  	s11 =	rddreg [dreg:$0xe];
	[sflag:s7] =	ssyncadd.s32 $0xFFFFE800  }
0x5f: {  	[spmem:s11] =	stream.linear.scatter [tilespmem:s6], [sflag:$0xD], $0x1800, $0x38;
	[tilespmem:$0x1FA00] =	vst v63  }
0x60: {  	_ =	swait.ge [sflag:s7], $0x1800  }
0x61: {  	[sflag:s7] =	ssyncset.done $0x0  }
0x62: {  	s18 =	rddreg [dreg:$0xf];
	[sflag:s7] =	ssyncadd.s32 $0xFFFFE800  }
0x63: {  	[spmem:s18] =	stream.linear.scatter [tilespmem:s6], [sflag:$0xD], $0x1800, $0x38;
	[tilespmem:$0x1FA00] =	vst v63  }
0x64: {  	_ =	swait.ge [sflag:s7], $0x1800  }
0x65: {  	[sflag:s7] =	ssyncset.done $0x0  }
0x66: {  	s11 =	rddreg [dreg:$0x12];
	[sflag:s7] =	ssyncadd.s32 $0xFFFFE800  }
0x67: {  	[spmem:s11] =	stream.linear.scatter [tilespmem:s6], [sflag:$0xD], $0x1800, $0x38;
	[tilespmem:$0x1FA00] =	vst v63  }
0x68: {  	_ =	swait.ge [sflag:s7], $0x1800  }
0x69: {  	[sflag:s7] =	ssyncset.done $0x0  }
0x6a: {  	s11 =	simm.s32 @!p0 $0x16180;
	[sflag:s7] =	ssyncadd.s32 $0xFFFFE800  }
0x6b: {  	[spmem:s26] =	stream.linear.scatter @!p0 [tilespmem:s11], [sflag:$0xD], $0x800, $0x38;
	[tilespmem:$0x1FA00] =	vst v63  }
0x6c: {  	s11 =	simm.s32 @!p0 $0xD  }
0x6d: {  	_ =	swait.ge @!p0 [sflag:s11], $0x800  }
0x6e: {  	[sflag:s11] =	ssyncset.done @!p0 $0x0  }
0x6f: {  	[sflag:s11] =	ssyncadd.s32 @!p0 $0xFFFFF800  }
0x70: {  	_ =	swait.ge [sflag:s8], $0x2710  }
0x71: {  	s9 =	simm.s32 $0x10;
	[sflag:s8] =	ssyncset.done $0x0  }
0x72: {  	s18 =	simm.s32 $0x1F200;
	s11 =	simm.s32 $0x15F80;
	[sflag:s8] =	ssyncadd.s32 $0xFFFFD8F0  }
0x73: {  	[tilespmem:s18], [sflag:$0xA] =	stream.indirect.gather [hbm4b:s1+s9], $0x80, s11, s9, $0xb8;
	[tilespmem:$0x1FA00] =	vst v63  }
0x74: {  	s11 =	simm.s32 $0x0;
	s9 =	rddreg [dreg:$0x15];
	s18 =	simm.s32 $0x1F180  }
0x75: {  	[tilespmem:s18], [sflag:$0xB] =	stream.linear.gather [hbm4b:s9+s11], $0x10, $0x38;
	[tilespmem:$0x1FA00] =	vst v63  }
0x76: {  	_ = 	snop  }
0x77: {  	[tilespmem:s6], [sflag:$0x1] =	stream.indirect.gather [hbm4b:s1+s12], $0x80, s31, s12, $0xb8;
	[tilespmem:$0x1FA00] =	vst v63  }
0x78: {  	s18 =	rddreg [dreg:$0x10]  }
0x79: {  	[tilespmem:s13], [sflag:$0x4] =	stream.linear.gather [hbm4b:s18+s11], $0x60, $0x38;
	[tilespmem:$0x1FA00] =	vst v63  }
0x7a: {  	s18 =	simm.s32 $0x138E0  }
0x7b: {  	[tilespmem:s14], [sflag:$0x2] =	stream.indirect.gather [hbm4b:s1+s12], $0x80, s18, s12, $0xb8;
	[tilespmem:$0x1FA00] =	vst v63  }
0x7c: {  	s18 =	rddreg [dreg:$0x16]  }
0x7d: {  	[tilespmem:s15], [sflag:$0x5] =	stream.linear.gather [hbm4b:s18+s11], $0x60, $0x38;
	[tilespmem:$0x1FA00] =	vst v63  }
0x7e: {  	[bflag:$0x0] =	sbarrier.arrive $0xFFFF  }
0x7f: {  	_ =	swait.ge [sflag:s8], $0x3000  }
0x80: {  	[sflag:s8] =	ssyncset.done $0x0  }
0x81: {  	[sflag:s8] =	ssyncadd.s32 $0xFFFFD000  }
0x82: {  	_ =	swait.ge [sflag:s16], $0x60  }
0x83: {  	[sflag:s16] =	ssyncset.done $0x0  }
0x84: {  	[sflag:s16] =	ssyncadd.s32 $0xFFFFFFA0  }
0x85: {  	[spmem:s3] =	stream.indirect.scatter.add.f32 [tilespmem:s6], [sflag:$0x7], $0x80, s13, s12, $0xb8;
	[tilespmem:$0x1FA00] =	vst v63  }
0x86: {  	s18 =	simm.s32 $0x13940  }
0x87: {  	[tilespmem:s17], [sflag:$0x3] =	stream.indirect.gather [hbm4b:s1+s12], $0x80, s18, s12, $0xb8;
	[tilespmem:$0x1FA00] =	vst v63  }
0x88: {  	s18 =	rddreg [dreg:$0x17]  }
0x89: {  	[tilespmem:s19], [sflag:$0x6] =	stream.linear.gather [hbm4b:s18+s11], $0x60, $0x38;
	[tilespmem:$0x1FA00] =	vst v63  }
0x8a: {  	_ =	swait.ge [sflag:s23], $0x3000  }
0x8b: {  	[sflag:s23] =	ssyncset.done $0x0  }
0x8c: {  	[sflag:s23] =	ssyncadd.s32 $0xFFFFD000  }
0x8d: {  	_ =	swait.ge [sflag:s24], $0x60  }
0x8e: {  	[sflag:s24] =	ssyncset.done $0x0  }
0x8f: {  	[sflag:s24] =	ssyncadd.s32 $0xFFFFFFA0  }
0x90: {  	[spmem:s3] =	stream.indirect.scatter.add.f32 [tilespmem:s14], [sflag:$0x8], $0x80, s15, s12, $0xb8;
	[tilespmem:$0x1FA00] =	vst v63  }
0x91: {  	_ =	swait.ge [sflag:s25], $0x3000  }
0x92: {  	[sflag:s25] =	ssyncset.done $0x0  }
0x93: {  	s18 =	simm.s32 $0x139A0;
	[sflag:s25] =	ssyncadd.s32 $0xFFFFD000  }
0x94: {  	[tilespmem:s6], [sflag:$0x1] =	stream.indirect.gather [hbm4b:s1+s12], $0x80, s18, s12, $0xb8;
	[tilespmem:$0x1FA00] =	vst v63  }
0x95: {  	s18 =	rddreg [dreg:$0x18]  }
0x96: {  	[tilespmem:s13], [sflag:$0x4] =	stream.linear.gather [hbm4b:s18+s11], $0x60, $0x38;
	[tilespmem:$0x1FA00] =	vst v63  }
0x97: {  	_ =	swait.ge [sflag:s0], $0x3000  }
0x98: {  	[sflag:s0] =	ssyncset.done $0x0  }
0x99: {  	[sflag:s0] =	ssyncadd.s32 $0xFFFFD000  }
0x9a: {  	_ =	swait.ge [sflag:s28], $0x60  }
0x9b: {  	[sflag:s28] =	ssyncset.done $0x0  }
0x9c: {  	[sflag:s28] =	ssyncadd.s32 $0xFFFFFFA0  }
0x9d: {  	[spmem:s3] =	stream.indirect.scatter.add.f32 [tilespmem:s17], [sflag:$0x9], $0x80, s19, s12, $0xb8;
	[tilespmem:$0x1FA00] =	vst v63  }
0x9e: {  	_ =	swait.ge [sflag:s29], $0x3000  }
0x9f: {  	[sflag:s29] =	ssyncset.done $0x0  }
0xa0: {  	s18 =	simm.s32 $0x13A00;
	[sflag:s29] =	ssyncadd.s32 $0xFFFFD000  }
0xa1: {  	[tilespmem:s14], [sflag:$0x2] =	stream.indirect.gather [hbm4b:s1+s12], $0x80, s18, s12, $0xb8;
	[tilespmem:$0x1FA00] =	vst v63  }
0xa2: {  	s18 =	rddreg [dreg:$0x19]  }
0xa3: {  	[tilespmem:s15], [sflag:$0x5] =	stream.linear.gather [hbm4b:s18+s11], $0x60, $0x38;
	[tilespmem:$0x1FA00] =	vst v63  }
0xa4: {  	_ =	swait.ge [sflag:s8], $0x3000  }
0xa5: {  	[sflag:s8] =	ssyncset.done $0x0  }
0xa6: {  	[sflag:s8] =	ssyncadd.s32 $0xFFFFD000  }
0xa7: {  	_ =	swait.ge [sflag:s16], $0x60  }
0xa8: {  	[sflag:s16] =	ssyncset.done $0x0  }
0xa9: {  	[sflag:s16] =	ssyncadd.s32 $0xFFFFFFA0  }
0xaa: {  	[spmem:s3] =	stream.indirect.scatter.add.f32 [tilespmem:s6], [sflag:$0x7], $0x80, s13, s12, $0xb8;
	[tilespmem:$0x1FA00] =	vst v63  }
0xab: {  	_ =	swait.ge [sflag:s30], $0x3000  }
0xac: {  	[sflag:s30] =	ssyncset.done $0x0  }
0xad: {  	s18 =	simm.s32 $0x13A60;
	[sflag:s30] =	ssyncadd.s32 $0xFFFFD000  }
0xae: {  	[tilespmem:s17], [sflag:$0x3] =	stream.indirect.gather [hbm4b:s1+s12], $0x80, s18, s12, $0xb8;
	[tilespmem:$0x1FA00] =	vst v63  }
0xaf: {  	s9 =	sadd.s32 $0x0, s22  }
0xb0: {  	[tilespmem:s19], [sflag:$0x6] =	stream.linear.gather [hbm4b:s9+s4], $0x60, $0x38;
	[tilespmem:$0x1FA00] =	vst v63  }
0xb1: {  	_ =	swait.ge [sflag:s23], $0x3000  }
0xb2: {  	[sflag:s23] =	ssyncset.done $0x0  }
0xb3: {  	[sflag:s23] =	ssyncadd.s32 $0xFFFFD000  }
0xb4: {  	_ =	swait.ge [sflag:s24], $0x60  }
0xb5: {  	[sflag:s24] =	ssyncset.done $0x0  }
0xb6: {  	[sflag:s24] =	ssyncadd.s32 $0xFFFFFFA0  }
0xb7: {  	[spmem:s3] =	stream.indirect.scatter.add.f32 [tilespmem:s14], [sflag:$0x8], $0x80, s15, s12, $0xb8;
	[tilespmem:$0x1FA00] =	vst v63  }
0xb8: {  	_ =	swait.ge [sflag:s25], $0x3000  }
0xb9: {  	[sflag:s25] =	ssyncset.done $0x0  }
0xba: {  	s18 =	simm.s32 $0x13AC0;
	[sflag:s25] =	ssyncadd.s32 $0xFFFFD000  }
0xbb: {  	[tilespmem:s6], [sflag:$0x1] =	stream.indirect.gather [hbm4b:s1+s12], $0x80, s18, s12, $0xb8;
	[tilespmem:$0x1FA00] =	vst v63  }
0xbc: {  	s9 =	sadd.s32 $0x0, s21  }
0xbd: {  	[tilespmem:s13], [sflag:$0x4] =	stream.linear.gather [hbm4b:s9+s4], $0x60, $0x38;
	[tilespmem:$0x1FA00] =	vst v63  }
0xbe: {  	_ =	swait.ge [sflag:s0], $0x3000  }
0xbf: {  	[sflag:s0] =	ssyncset.done $0x0  }
0xc0: {  	[sflag:s0] =	ssyncadd.s32 $0xFFFFD000  }
0xc1: {  	_ =	swait.ge [sflag:s28], $0x60  }
0xc2: {  	[sflag:s28] =	ssyncset.done $0x0  }
0xc3: {  	[sflag:s28] =	ssyncadd.s32 $0xFFFFFFA0  }
0xc4: {  	[spmem:s3] =	stream.indirect.scatter.add.f32 [tilespmem:s17], [sflag:$0x9], $0x80, s19, s12, $0xb8;
	[tilespmem:$0x1FA00] =	vst v63  }
0xc5: {  	_ =	swait.ge [sflag:s29], $0x3000  }
0xc6: {  	[sflag:s29] =	ssyncset.done $0x0  }
0xc7: {  	s18 =	simm.s32 $0x13B20;
	[sflag:s29] =	ssyncadd.s32 $0xFFFFD000  }
0xc8: {  	[tilespmem:s14], [sflag:$0x2] =	stream.indirect.gather [hbm4b:s1+s12], $0x80, s18, s12, $0xb8;
	[tilespmem:$0x1FA00] =	vst v63  }
0xc9: {  	s31 =	sadd.s32 $0x0, s20;
	s11 =	simm.s32 $0x24;
	s18 =	simm.s32 $0x13C40  }
.LBB2_4:
0xca: {  	[tilespmem:s15], [sflag:$0x5] =	stream.linear.gather [hbm4b:s31+s4], $0x60, $0x38;
	[tilespmem:$0x1FA00] =	vst v63  }
0xcb: {  	s31 =	smov.u32 s11  }
0xcc: {  	p1 =	sne.s32 s11, $0x480;
	s11 =	sadd.s32 $0x24, s11;
	_ =	swait.ge [sflag:s8], $0x3000  }
0xcd: {  	[sflag:s8] =	ssyncset.done $0x0  }
0xce: {  	[sflag:s8] =	ssyncadd.s32 $0xFFFFD000  }
0xcf: {  	_ =	swait.ge [sflag:s16], $0x60  }
0xd0: {  	[sflag:s16] =	ssyncset.done $0x0  }
0xd1: {  	[sflag:s16] =	ssyncadd.s32 $0xFFFFFFA0  }
0xd2: {  	[spmem:s3] =	stream.indirect.scatter.add.f32 [tilespmem:s6], [sflag:$0x7], $0x80, s13, s12, $0xb8;
	[tilespmem:$0x1FA00] =	vst v63  }
0xd3: {  	_ =	swait.ge [sflag:s30], $0x3000  }
0xd4: {  	[sflag:s30] =	ssyncset.done $0x0  }
0xd5: {  	s9 =	sadd.s32 $0xFFFFFF40, s18;
	[sflag:s30] =	ssyncadd.s32 $0xFFFFD000  }
0xd6: {  	[tilespmem:s17], [sflag:$0x3] =	stream.indirect.gather [hbm4b:s1+s12], $0x80, s9, s12, $0xb8;
	[tilespmem:$0x1FA00] =	vst v63  }
0xd7: {  	s9 =	sadd.s32 s31, s22  }
0xd8: {  	[tilespmem:s19], [sflag:$0x6] =	stream.linear.gather [hbm4b:s9+s4], $0x60, $0x38;
	[tilespmem:$0x1FA00] =	vst v63  }
0xd9: {  	_ =	swait.ge [sflag:s23], $0x3000  }
0xda: {  	[sflag:s23] =	ssyncset.done $0x0  }
0xdb: {  	[sflag:s23] =	ssyncadd.s32 $0xFFFFD000  }
0xdc: {  	_ =	swait.ge [sflag:s24], $0x60  }
0xdd: {  	[sflag:s24] =	ssyncset.done $0x0  }
0xde: {  	[sflag:s24] =	ssyncadd.s32 $0xFFFFFFA0  }
0xdf: {  	[spmem:s3] =	stream.indirect.scatter.add.f32 [tilespmem:s14], [sflag:$0x8], $0x80, s15, s12, $0xb8;
	[tilespmem:$0x1FA00] =	vst v63  }
0xe0: {  	_ =	swait.ge [sflag:s25], $0x3000  }
0xe1: {  	[sflag:s25] =	ssyncset.done $0x0  }
0xe2: {  	s9 =	sadd.s32 $0xFFFFFFA0, s18;
	[sflag:s25] =	ssyncadd.s32 $0xFFFFD000  }
0xe3: {  	[tilespmem:s6], [sflag:$0x1] =	stream.indirect.gather [hbm4b:s1+s12], $0x80, s9, s12, $0xb8;
	[tilespmem:$0x1FA00] =	vst v63  }
0xe4: {  	s9 =	sadd.s32 s31, s21  }
0xe5: {  	[tilespmem:s13], [sflag:$0x4] =	stream.linear.gather [hbm4b:s9+s4], $0x60, $0x38;
	[tilespmem:$0x1FA00] =	vst v63  }
0xe6: {  	_ =	swait.ge [sflag:s0], $0x3000  }
0xe7: {  	[sflag:s0] =	ssyncset.done $0x0  }
0xe8: {  	[sflag:s0] =	ssyncadd.s32 $0xFFFFD000  }
0xe9: {  	_ =	swait.ge [sflag:s28], $0x60  }
0xea: {  	[sflag:s28] =	ssyncset.done $0x0  }
0xeb: {  	[sflag:s28] =	ssyncadd.s32 $0xFFFFFFA0  }
0xec: {  	[spmem:s3] =	stream.indirect.scatter.add.f32 [tilespmem:s17], [sflag:$0x9], $0x80, s19, s12, $0xb8;
	[tilespmem:$0x1FA00] =	vst v63  }
.Ltmp1:
0xed: {  	_ =	swait.ge [sflag:s29], $0x3000;
	(pc) =	sbr.rel @p1 .LBB2_4-.Ltmp1, $4  }
0xee: {  	[sflag:s29] =	ssyncset.done $0x0  }
0xef: {  	[sflag:s29] =	ssyncadd.s32 $0xFFFFD000  }
0xf0: {  	[tilespmem:s14], [sflag:$0x2] =	stream.indirect.gather [hbm4b:s1+s12], $0x80, s18, s12, $0xb8;
	[tilespmem:$0x1FA00] =	vst v63  }
0xf1: {  	s31 =	sadd.s32 s31, s20;
	s18 =	sadd.s32 $0x120, s18  }
0xf2: {  	[tilespmem:s15], [sflag:$0x5] =	stream.linear.gather [hbm4b:s31+s4], $0x60, $0x38;
	[tilespmem:$0x1FA00] =	vst v63  }
0xf3: {  	_ =	swait.ge [sflag:s8], $0x3000  }
0xf4: {  	[sflag:s8] =	ssyncset.done $0x0  }
0xf5: {  	[sflag:s8] =	ssyncadd.s32 $0xFFFFD000  }
0xf6: {  	_ =	swait.ge [sflag:s16], $0x60  }
0xf7: {  	[sflag:s16] =	ssyncset.done $0x0  }
0xf8: {  	[sflag:s16] =	ssyncadd.s32 $0xFFFFFFA0  }
0xf9: {  	[spmem:s3] =	stream.indirect.scatter.add.f32 [tilespmem:s6], [sflag:$0x7], $0x80, s13, s12, $0xb8;
	[tilespmem:$0x1FA00] =	vst v63  }
0xfa: {  	_ =	swait.ge [sflag:s23], $0x3000  }
0xfb: {  	[sflag:s23] =	ssyncset.done $0x0  }
0xfc: {  	[sflag:s23] =	ssyncadd.s32 $0xFFFFD000  }
0xfd: {  	_ =	swait.ge [sflag:s24], $0x60  }
0xfe: {  	[sflag:s24] =	ssyncset.done $0x0  }
0xff: {  	s9 =	simm.s32 $0xA;
	[sflag:s24] =	ssyncadd.s32 $0xFFFFFFA0  }
0x100: {  	[spmem:s3] =	stream.indirect.scatter.add.f32 [tilespmem:s14], [sflag:$0x8], $0x80, s15, s12, $0xb8;
	[tilespmem:$0x1FA00] =	vst v63  }
0x101: {  	_ =	swait.ge [sflag:s9], $0x800  }
0x102: {  	[sflag:s9] =	ssyncset.done $0x0  }
0x103: {  	s18 =	simm.s32 $0xB;
	[sflag:s9] =	ssyncadd.s32 $0xFFFFF800  }
0x104: {  	_ =	swait.ge [sflag:s18], $0x10  }
0x105: {  	s11 =	simm.s32 $0x1F200;
	[sflag:s18] =	ssyncset.done $0x0  }
0x106: {  	s9 =	simm.s32 $0x10;
	[sflag:s18] =	ssyncadd.s32 $0xFFFFFFF0;
	s18 =	simm.s32 $0x1F180  }
0x107: {  	[spmem:s3] =	stream.indirect.scatter.add.f32 [tilespmem:s11], [sflag:$0xC], $0x80, s18, s9, $0xb8;
	[tilespmem:$0x1FA00] =	vst v63  }
0x108: {  	_ =	swait.ge [sflag:s25], $0x3000  }
0x109: {  	[sflag:s25] =	ssyncset.done $0x0  }
0x10a: {  	[sflag:s25] =	ssyncadd.s32 $0xFFFFD000  }
0x10b: {  	_ =	swait.ge [sflag:s29], $0x3000  }
0x10c: {  	[sflag:s29] =	ssyncset.done $0x0  }
0x10d: {  	[sflag:s29] =	ssyncadd.s32 $0xFFFFD000  }
0x10e: {  	_ =	swait.ge [sflag:s30], $0x3000  }
0x10f: {  	[sflag:s30] =	ssyncset.done $0x0  }
0x110: {  	[sflag:s30] =	ssyncadd.s32 $0xFFFFD000  }
0x111: {  	_ =	swait.ge [sflag:s2], $0x800  }
0x112: {  	[sflag:s2] =	ssyncset.done $0x0  }
0x113: {  	s11 =	stileid.u32;
	[sflag:s2] =	ssyncadd.s32 $0xFFFFF800  }
0x114: {  	s9 =	sshll.u32 s11, $0x6;
	[bflag:$0x0] =	sbarrier.arrive $0xFFFF  }
0x115: {  	s11 =	sshrl.u32 s5, $0x3;
	s9 =	sor.u32 $0x1C0D, s9;
	s18 =	rddreg [dreg:$0x11]  }
0x116: {  	[hbm:s18], [sflag:s9] =	dma.local [spmem:s11], $0x2700  }
0x117: {  	_ =	swait.ge [sflag:s7], $0x2700  }
0x118: {  	[sflag:s7] =	ssyncset.done $0x0  }
0x119: {  	s11 =	sshrl.u32 @!p0 s26, $0x3;
	s18 =	rddreg [dreg:$0x13];
	[sflag:s7] =	ssyncadd.s32 $0xFFFFD900  }
0x11a: {  	[hbm:s18], [sflag:s9] =	dma.local @!p0 [spmem:s11], $0x100  }
0x11b: {  	s9 =	simm.s32 @!p0 $0xD  }
0x11c: {  	_ =	swait.ge @!p0 [sflag:s9], $0x100  }
0x11d: {  	s10 =	sadd.s32 $0x1, s10;
	s18 =	rddreg [dreg:$0x14]  }
0x11e: {  	p1 =	sne.s32 s10, s18  }
.Ltmp2:
0x11f: {  	_ = 	snop;
	(pc) =	sbr.rel @p1 .LBB2_1-.Ltmp2, $3  }
0x120: {  	_ =	sdelay $0x1  }
0x121: {  	[sflag:s9] =	ssyncset.done @!p0 $0x0  }
0x122: {  	s31 =	simm.s32 $0x13880;
	[sflag:s9] =	ssyncadd.s32 @!p0 $0xFFFFFF00  }
0x123: {  	_ =	sfence.sel $0x180000  }
0x124: {  	[bflag:$0x0] =	sbarrier.arrive $0xFFFF  }
0x125: {  	_ =	strace $0x9000004A  }
0x126: {  	s0 =	stileid.u32;
	[bflag:$0x2] =	sbarrier.arrive $0xFFFF  }
0x127: {  	p0 =	sne.s32 s0, $0x0;
	s0 =	rddreg [dreg:$0x3]  }
0x128: {  	s0 =	sadd.s32 @!p0 $0x100000, s0  }
0x129: {  	[sflag:s0] =	ssyncadd.tile.s32 @!p0 $0x1;
	_ =	shalt  }
.Lfunc_end2:
_tile_overlayer_lowered:
.L_overlay_start_2:
0x12a: {  	(tag) =	ssettag $0x2  }
0x12b: {  	s0 =	rddreg [dreg:$0x0];
	s2 =	stileid.u32  }
0x12c: {  	s1 =	rddreg [dreg:$0x1];
	p0 =	sne.s32 s2, $0x0  }
0x12d: {  	s3 =	rddreg [dreg:$0x2];
	[bflag:$0x3] =	sbarrier.arrive $0xFFFF;
	s2 =	simm.s32 @!p0 $0x1C0D  }
0x12e: {  	[timem:s3], [sflag:s2] =	dma.local @!p0 [hbm:s0], s1  }
0x12f: {  	s0 =	simm.s32 @!p0 $0xD  }
0x130: {  	_ =	swait.ge @!p0 [sflag:s0], s1  }
0x131: {  	s1 =	ssub.s32 @!p0 $0x0, s1;
	[sflag:s0] =	ssyncset.done @!p0 $0x0  }
0x132: {  	[sflag:s0] =	ssyncadd.s32 @!p0 s1  }
0x133: {  	[bflag:$0x3] =	sbarrier.arrive $0xFFFF  }
0x134: {  	_ =	shalt  }

</sc_bundles>
